<compile_context>
chip_gen: v7x
topology: tpu7x:2x2x1
jax: 0.10.2.dev20260603
libtpu: 0.0.44.dev20260713+nightly
codegen_flags: <defaults>
</compile_context>

<pallas_src>
import functools

import jax
import jax.numpy as jnp
from jax import lax
from jax.experimental import pallas as pl
from jax.experimental.pallas import tpu as pltpu
from jax.experimental.pallas import tpu_sc as plsc

N_NODES = 10000
D_FEAT = 128
N_EDGES = 320000
BATCH = 4096
H = D_FEAT // 2
NC, NS, L = 2, 16, 16
EPT = N_EDGES // NS
KB = 128
EBUF = EPT + 784
ACC_ROWS = BATCH + L
DUMP = BATCH
ZROWS = ACC_ROWS // NS
RPT = BATCH // NS
XRT = N_NODES // NS


@functools.partial(
    pl.kernel,
    out_type=jax.ShapeDtypeStruct((2, BATCH, H), jnp.float32),
    mesh=plsc.VectorSubcoreMesh(core_axis_name="c", subcore_axis_name="s"),
    compiler_params=pltpu.CompilerParams(use_tc_tiling_on_sc=False,
                                         needs_layout_passes=False),
    scratch_types=(
        [
            pltpu.VMEM((EBUF,), jnp.int32),
            pltpu.VMEM((EBUF,), jnp.int32),
        ] +
        [pltpu.VMEM((KB, H), jnp.float32) for _ in range(4)] +
        [
            pltpu.VMEM((KB,), jnp.int32),
            pltpu.VMEM_SHARED((ACC_ROWS, H), jnp.float32),
            pltpu.VMEM_SHARED((N_NODES, H), jnp.float32),
        ] +
        [pltpu.SemaphoreType.DMA for _ in range(8)]
    ),
)
def _agg_kernel(x2, ei, startv, zrows, out,
                sbuf, dbuf,
                rows0, rows1, rows2, rows3,
                tidx, acc, xsp,
                gsem0, gsem1, gsem2, gsem3,
                ssem0, ssem1, ssem2, ssem3):
    c = lax.axis_index("c")
    s = lax.axis_index("s")
    rows = (rows0, rows1, rows2, rows3)
    gsem = (gsem0, gsem1, gsem2, gsem3)
    ssem = (ssem0, ssem1, ssem2, ssem3)

    pltpu.sync_copy(zrows, acc.at[pl.ds(s * ZROWS, ZROWS)])
    pltpu.sync_copy(ei.at[0, pl.ds(s * EPT, EPT)], sbuf.at[pl.ds(0, EPT)])
    pltpu.sync_copy(ei.at[1, pl.ds(s * EPT, EPT)], dbuf.at[pl.ds(0, EPT)])
    pltpu.sync_copy(startv, tidx.at[pl.ds(0, L)])
    start_vec = tidx[pl.ds(0, L)]

    iota = lax.iota(jnp.int32, L)
    tbase = s * XRT

    def build_tidx(b):
        for k in range(KB // L):
            r = jnp.minimum(tbase + b * KB + k * L + iota, tbase + XRT - 1)
            tidx[pl.ds(k * L, L)] = r * 2 + c

    build_tidx(0)
    pltpu.async_copy(x2.at[tidx], rows[0], gsem[0])
    for b in range(5):
        n = KB if b < 4 else XRT - 4 * KB
        pltpu.make_async_copy(x2.at[tidx], rows[b % 2], gsem[b % 2]).wait()
        pltpu.sync_copy(rows[b % 2].at[pl.ds(0, n)],
                        xsp.at[pl.ds(tbase + b * KB, n)])
        if b + 1 < 5:
            build_tidx(b + 1)
            pltpu.async_copy(x2.at[tidx], rows[(b + 1) % 2],
                             gsem[(b + 1) % 2])

    plsc.subcore_barrier()

    def pack_sort(i):
        svv = sbuf[pl.ds(i * L, L)]
        dvv = dbuf[pl.ds(i * L, L)] - start_vec
        keep = (dvv >= 0) & (dvv < BATCH)
        dcl = jnp.where(keep, dvv, DUMP)
        key = (jnp.where(keep, 0, 1 << 27) + (svv << 13) + dcl)
        return jnp.sort(key), jnp.sum(keep.astype(jnp.int32))

    def unpack_store(ks, off):
        sbuf[pl.ds(off, L)] = (ks >> 13) & 0x3FFF
        dbuf[pl.ds(off, L)] = ks & 0x1FFF

    def comp_body(i, off):
        ks_a, cnt_a = pack_sort(4 * i)
        ks_b, cnt_b = pack_sort(4 * i + 1)
        ks_c, cnt_c = pack_sort(4 * i + 2)
        ks_d, cnt_d = pack_sort(4 * i + 3)
        unpack_store(ks_a, off)
        off_b = off + cnt_a
        unpack_store(ks_b, off_b)
        off_c = off_b + cnt_b
        unpack_store(ks_c, off_c)
        off_d = off_c + cnt_c
        unpack_store(ks_d, off_d)
        return off_d + cnt_d

    n_keep = lax.fori_loop(0, EPT // (4 * L), comp_body, jnp.int32(0))
    ks_a, cnt_a = pack_sort(jnp.int32(EPT // L - 2))
    ks_b, cnt_b = pack_sort(jnp.int32(EPT // L - 1))
    unpack_store(ks_a, n_keep)
    unpack_store(ks_b, n_keep + cnt_a)
    n_keep = n_keep + cnt_a + cnt_b

    zvec = jnp.zeros((L,), jnp.int32)
    dumpv = jnp.full((L,), DUMP, jnp.int32)

    def pad_body(j, _):
        sbuf[pl.ds(n_keep + j * L, L)] = zvec
        dbuf[pl.ds(n_keep + j * L, L)] = dumpv
        return 0

    lax.fori_loop(0, 40, pad_body, 0)
    nb = (n_keep + KB - 1) // KB
    nb4 = 4 * jnp.maximum(1, (nb + 3) // 4)

    def start_gather(t, p):
        pltpu.async_copy(xsp.at[sbuf.at[pl.ds(t * KB, KB)]], rows[p], gsem[p])

    def wait_gather(p):
        pltpu.make_async_copy(xsp.at[sbuf.at[pl.ds(0, KB)]], rows[p],
                              gsem[p]).wait()

    def start_scatter(t, p):
        pltpu.async_copy(rows[p], acc.at[dbuf.at[pl.ds(t * KB, KB)]],
                         ssem[p], add=True)

    def wait_scatter(p):
        pltpu.make_async_copy(rows[p], acc.at[dbuf.at[pl.ds(0, KB)]],
                              ssem[p]).wait()

    start_gather(jnp.int32(0), 0)
    start_gather(jnp.int32(1), 1)
    for t in range(2, 4):
        start_gather(jnp.int32(t), t)
        wait_gather(t - 2)
        start_scatter(jnp.int32(t - 2), t - 2)

    def group_body(g, _):
        for p in range(4):
            t = 4 * g + p
            wait_scatter(p)
            start_gather(t, p)
            wait_gather((p + 2) % 4)
            start_scatter(t - 2, (p + 2) % 4)
        return 0

    lax.fori_loop(1, nb4 // 4, group_body, 0)

    wait_gather(2)
    start_scatter(nb4 - 2, 2)
    wait_gather(3)
    start_scatter(nb4 - 1, 3)
    for p in range(4):
        wait_scatter(p)

    plsc.subcore_barrier()

    base = s * RPT
    pltpu.sync_copy(acc.at[pl.ds(base, RPT)],
                    out.at[c, pl.ds(base, RPT), :])


def kernel(x, edge_index, batch_size):
    x = x.astype(jnp.float32)
    ei = edge_index.astype(jnp.int32)
    start = jnp.asarray(batch_size, jnp.int32) - BATCH
    x2 = x.reshape(2 * N_NODES, H)
    startv = jnp.full((L,), start, jnp.int32)
    zrows = jnp.zeros((ZROWS, H), jnp.float32)
    planes = _agg_kernel(x2, ei, startv, zrows)
    x_head = lax.dynamic_slice_in_dim(x, start, BATCH, axis=0)
    return jnp.concatenate((x_head, planes[0], planes[1]), axis=-1)

# --- scband reference (transcript-rebuilt; emitter-appended) ---
"""Pipeline reference for scband-one-hop-sum-node-label-aggregator-81252191305759 (READ-ONLY COPY).

The authoritative reference and input builder live on the scoring server;
editing this copy changes nothing except your own understanding.
"""

import jax, jax.numpy as jnp
import numpy as np


def setup_inputs(seed: int = 0) -> dict:
    key = jax.random.key(seed)
    k1, k2 = jax.random.split(key)
    n_nodes = 10000
    d_feat = 128
    n_edges = 320000
    x = jax.random.normal(k1, (n_nodes, d_feat), dtype=jnp.float32)
    edge_index = jax.random.randint(k2, (2, n_edges), 0, n_nodes, dtype=jnp.int64)
    batch_size = 4096
    return {"x": x, "edge_index": edge_index, "batch_size": batch_size}


def reference(x, edge_index, batch_size):
    # adj = SparseTensor.from_edge_index(edge_index, sparse_sizes=(N, N))
    # adj.t().matmul(x): out[dst] = sum over edges (src->dst) of x[src]
    src = edge_index[0]
    dst = edge_index[1]
    gathered = jnp.take(x, src, axis=0)
    x_neighbors_sum = jax.ops.segment_sum(gathered, dst, num_segments=x.shape[0])
    _bs = 4096
    start = batch_size - _bs
    x_head = jax.lax.dynamic_slice_in_dim(x, start, _bs, axis=0)
    sum_head = jax.lax.dynamic_slice_in_dim(x_neighbors_sum, start, _bs, axis=0)
    node_labels = jnp.concatenate((x_head, sum_head), axis=-1)
    return node_labels

if __name__ == "__main__":
    import jax
    _d = setup_inputs()
    print(jax.jit(kernel)(*tuple(_d.values())))

</pallas_src>

<mosaic_0001>
#map = affine_map<(d0, d1) -> (0, 0)>
#map1 = affine_map<(d0, d1) -> (0)>
#map2 = affine_map<(d0, d1) -> (0, 0, 0)>
module attributes {stable_mosaic.version = 14 : i64} {
  func.func @_agg_kernel(%arg0: i32, %arg1: i32, %arg2: memref<20000x64xf32, #tpu.memory_space<hbm>>, %arg3: memref<2x320000xi32, #tpu.memory_space<hbm>>, %arg4: memref<16xi32, #tpu.memory_space<hbm>>, %arg5: memref<257x64xf32, #tpu.memory_space<hbm>>, %arg6: memref<2x4096x64xf32, #tpu.memory_space<hbm>>, %arg7: memref<20784xi32, #tpu.memory_space<vmem>>, %arg8: memref<20784xi32, #tpu.memory_space<vmem>>, %arg9: memref<128x64xf32, #tpu.memory_space<vmem>>, %arg10: memref<128x64xf32, #tpu.memory_space<vmem>>, %arg11: memref<128x64xf32, #tpu.memory_space<vmem>>, %arg12: memref<128x64xf32, #tpu.memory_space<vmem>>, %arg13: memref<128xi32, #tpu.memory_space<vmem>>, %arg14: memref<4112x64xf32, #tpu.memory_space<vmem_shared>>, %arg15: memref<10000x64xf32, #tpu.memory_space<vmem_shared>>, %arg16: memref<!tpu.dma_semaphore, #tpu.memory_space<semaphore_mem>>, %arg17: memref<!tpu.dma_semaphore, #tpu.memory_space<semaphore_mem>>, %arg18: memref<!tpu.dma_semaphore, #tpu.memory_space<semaphore_mem>>, %arg19: memref<!tpu.dma_semaphore, #tpu.memory_space<semaphore_mem>>, %arg20: memref<!tpu.dma_semaphore, #tpu.memory_space<semaphore_mem>>, %arg21: memref<!tpu.dma_semaphore, #tpu.memory_space<semaphore_mem>>, %arg22: memref<!tpu.dma_semaphore, #tpu.memory_space<semaphore_mem>>, %arg23: memref<!tpu.dma_semaphore, #tpu.memory_space<semaphore_mem>>) attributes {dimension_semantics = [#tpu.dimension_semantics<core_parallel>, #tpu.dimension_semantics<subcore_parallel>], iteration_bounds = array<i64: 2, 16>, scalar_prefetch = 0 : i64, scratch_operands = 17 : i64, tpu.core_type = #tpu.core_type<sc_vector_subcore>, window_params = [{transform_indices = #map}, {transform_indices = #map}, {transform_indices = #map1}, {transform_indices = #map}, {transform_indices = #map2}]} {
    %mul3A = arith.constant 257 : i32
    %mul3A_0 = arith.muli %arg1, %mul3A : i32
    "tpu.region"() ({
      %run_scoped3A_1107 = tpu.sem_alloc : memref<!tpu.dma_semaphore, #tpu.memory_space<semaphore_mem>>
      %dma_start3A_1108 = arith.constant 0 : i32
      %dma_start3A_1109 = tpu.memref_slice %arg14[%mul3A_0, %dma_start3A_1108] : memref<4112x64xf32, #tpu.memory_space<vmem_shared>> -> memref<257x64xf32, #tpu.memory_space<vmem_shared>>
      tpu.enqueue_dma source(%arg5 : memref<257x64xf32, #tpu.memory_space<hbm>>) target(%dma_start3A_1109 : memref<257x64xf32, #tpu.memory_space<vmem_shared>>) target_semaphore(%run_scoped3A_1107 : memref<!tpu.dma_semaphore, #tpu.memory_space<semaphore_mem>>)
      %dma_wait3A_1110 = arith.constant 0 : i32
      %dma_wait3A_1111 = tpu.memref_slice %arg14[%mul3A_0, %dma_wait3A_1110] : memref<4112x64xf32, #tpu.memory_space<vmem_shared>> -> memref<257x64xf32, #tpu.memory_space<vmem_shared>>
      tpu.wait_dma2 semaphore(%run_scoped3A_1107 : memref<!tpu.dma_semaphore, #tpu.memory_space<semaphore_mem>>) src(%arg5 : memref<257x64xf32, #tpu.memory_space<hbm>>) dst(%dma_wait3A_1111 : memref<257x64xf32, #tpu.memory_space<vmem_shared>>)
      tpu.yield
    }) : () -> ()
    %mul3A_1 = arith.constant 20000 : i32
    %mul3A_2 = arith.muli %arg1, %mul3A_1 : i32
    %run_scoped3A = arith.constant 0 : i32
    "tpu.region"() ({
      %run_scoped3A_1107 = tpu.sem_alloc : memref<!tpu.dma_semaphore, #tpu.memory_space<semaphore_mem>>
      %dma_start3A_1108 = arith.constant 0 : i32
      %dma_start3A_1109 = tpu.memref_slice %arg7[%dma_start3A_1108] : memref<20784xi32, #tpu.memory_space<vmem>> -> memref<20000xi32, #tpu.memory_space<vmem>>
      %dma_start3A_1110 = tpu.memref_slice %arg3[%run_scoped3A, %mul3A_2] : memref<2x320000xi32, #tpu.memory_space<hbm>> -> memref<1x20000xi32, #tpu.memory_space<hbm>>
      %dma_start3A_1111 = tpu.memref_squeeze %dma_start3A_1110 : memref<1x20000xi32, #tpu.memory_space<hbm>> -> memref<20000xi32, #tpu.memory_space<hbm>>
      %dma_start3A_1112 = arith.constant 0 : i32
      %dma_start3A_1113 = tpu.memref_slice %arg7[%dma_start3A_1112] : memref<20784xi32, #tpu.memory_space<vmem>> -> memref<20000xi32, #tpu.memory_space<vmem>>
      %dma_start3A_1114 = tpu.memref_slice %arg3[%run_scoped3A, %mul3A_2] : memref<2x320000xi32, #tpu.memory_space<hbm>> -> memref<1x20000xi32, #tpu.memory_space<hbm>>
      %dma_start3A_1115 = tpu.memref_squeeze %dma_start3A_1114 : memref<1x20000xi32, #tpu.memory_space<hbm>> -> memref<20000xi32, #tpu.memory_space<hbm>>
      tpu.enqueue_dma source(%dma_start3A_1115 : memref<20000xi32, #tpu.memory_space<hbm>>) target(%dma_start3A_1113 : memref<20000xi32, #tpu.memory_space<vmem>>) target_semaphore(%run_scoped3A_1107 : memref<!tpu.dma_semaphore, #tpu.memory_space<semaphore_mem>>)
      %dma_wait3A_1116 = arith.constant 0 : i32
      %dma_wait3A_1117 = tpu.memref_slice %arg7[%dma_wait3A_1116] : memref<20784xi32, #tpu.memory_space<vmem>> -> memref<20000xi32, #tpu.memory_space<vmem>>
      %dma_wait3A_1118 = tpu.memref_slice %arg3[%run_scoped3A, %mul3A_2] : memref<2x320000xi32, #tpu.memory_space<hbm>> -> memref<1x20000xi32, #tpu.memory_space<hbm>>
      %dma_wait3A_1119 = tpu.memref_squeeze %dma_wait3A_1118 : memref<1x20000xi32, #tpu.memory_space<hbm>> -> memref<20000xi32, #tpu.memory_space<hbm>>
      %dma_wait3A_1120 = arith.constant 0 : i32
      %dma_wait3A_1121 = tpu.memref_slice %arg7[%dma_wait3A_1120] : memref<20784xi32, #tpu.memory_space<vmem>> -> memref<20000xi32, #tpu.memory_space<vmem>>
      %dma_wait3A_1122 = tpu.memref_slice %arg3[%run_scoped3A, %mul3A_2] : memref<2x320000xi32, #tpu.memory_space<hbm>> -> memref<1x20000xi32, #tpu.memory_space<hbm>>
      %dma_wait3A_1123 = tpu.memref_squeeze %dma_wait3A_1122 : memref<1x20000xi32, #tpu.memory_space<hbm>> -> memref<20000xi32, #tpu.memory_space<hbm>>
      tpu.wait_dma2 semaphore(%run_scoped3A_1107 : memref<!tpu.dma_semaphore, #tpu.memory_space<semaphore_mem>>) src(%dma_wait3A_1123 : memref<20000xi32, #tpu.memory_space<hbm>>) dst(%dma_wait3A_1121 : memref<20000xi32, #tpu.memory_space<vmem>>)
      tpu.yield
    }) : () -> ()
    %mul3A_3 = arith.constant 20000 : i32
    %mul3A_4 = arith.muli %arg1, %mul3A_3 : i32
    %run_scoped3A_5 = arith.constant 1 : i32
    "tpu.region"() ({
      %run_scoped3A_1107 = tpu.sem_alloc : memref<!tpu.dma_semaphore, #tpu.memory_space<semaphore_mem>>
      %dma_start3A_1108 = arith.constant 0 : i32
      %dma_start3A_1109 = tpu.memref_slice %arg8[%dma_start3A_1108] : memref<20784xi32, #tpu.memory_space<vmem>> -> memref<20000xi32, #tpu.memory_space<vmem>>
      %dma_start3A_1110 = tpu.memref_slice %arg3[%run_scoped3A_5, %mul3A_4] : memref<2x320000xi32, #tpu.memory_space<hbm>> -> memref<1x20000xi32, #tpu.memory_space<hbm>>
      %dma_start3A_1111 = tpu.memref_squeeze %dma_start3A_1110 : memref<1x20000xi32, #tpu.memory_space<hbm>> -> memref<20000xi32, #tpu.memory_space<hbm>>
      %dma_start3A_1112 = arith.constant 0 : i32
      %dma_start3A_1113 = tpu.memref_slice %arg8[%dma_start3A_1112] : memref<20784xi32, #tpu.memory_space<vmem>> -> memref<20000xi32, #tpu.memory_space<vmem>>
      %dma_start3A_1114 = tpu.memref_slice %arg3[%run_scoped3A_5, %mul3A_4] : memref<2x320000xi32, #tpu.memory_space<hbm>> -> memref<1x20000xi32, #tpu.memory_space<hbm>>
      %dma_start3A_1115 = tpu.memref_squeeze %dma_start3A_1114 : memref<1x20000xi32, #tpu.memory_space<hbm>> -> memref<20000xi32, #tpu.memory_space<hbm>>
      tpu.enqueue_dma source(%dma_start3A_1115 : memref<20000xi32, #tpu.memory_space<hbm>>) target(%dma_start3A_1113 : memref<20000xi32, #tpu.memory_space<vmem>>) target_semaphore(%run_scoped3A_1107 : memref<!tpu.dma_semaphore, #tpu.memory_space<semaphore_mem>>)
      %dma_wait3A_1116 = arith.constant 0 : i32
      %dma_wait3A_1117 = tpu.memref_slice %arg8[%dma_wait3A_1116] : memref<20784xi32, #tpu.memory_space<vmem>> -> memref<20000xi32, #tpu.memory_space<vmem>>
      %dma_wait3A_1118 = tpu.memref_slice %arg3[%run_scoped3A_5, %mul3A_4] : memref<2x320000xi32, #tpu.memory_space<hbm>> -> memref<1x20000xi32, #tpu.memory_space<hbm>>
      %dma_wait3A_1119 = tpu.memref_squeeze %dma_wait3A_1118 : memref<1x20000xi32, #tpu.memory_space<hbm>> -> memref<20000xi32, #tpu.memory_space<hbm>>
      %dma_wait3A_1120 = arith.constant 0 : i32
      %dma_wait3A_1121 = tpu.memref_slice %arg8[%dma_wait3A_1120] : memref<20784xi32, #tpu.memory_space<vmem>> -> memref<20000xi32, #tpu.memory_space<vmem>>
      %dma_wait3A_1122 = tpu.memref_slice %arg3[%run_scoped3A_5, %mul3A_4] : memref<2x320000xi32, #tpu.memory_space<hbm>> -> memref<1x20000xi32, #tpu.memory_space<hbm>>
      %dma_wait3A_1123 = tpu.memref_squeeze %dma_wait3A_1122 : memref<1x20000xi32, #tpu.memory_space<hbm>> -> memref<20000xi32, #tpu.memory_space<hbm>>
      tpu.wait_dma2 semaphore(%run_scoped3A_1107 : memref<!tpu.dma_semaphore, #tpu.memory_space<semaphore_mem>>) src(%dma_wait3A_1123 : memref<20000xi32, #tpu.memory_space<hbm>>) dst(%dma_wait3A_1121 : memref<20000xi32, #tpu.memory_space<vmem>>)
      tpu.yield
    }) : () -> ()
    "tpu.region"() ({
      %run_scoped3A_1107 = tpu.sem_alloc : memref<!tpu.dma_semaphore, #tpu.memory_space<semaphore_mem>>
      %dma_start3A_1108 = arith.constant 0 : i32
      %dma_start3A_1109 = tpu.memref_slice %arg13[%dma_start3A_1108] : memref<128xi32, #tpu.memory_space<vmem>> -> memref<16xi32, #tpu.memory_space<vmem>>
      %dma_start3A_1110 = arith.constant 0 : i32
      %dma_start3A_1111 = tpu.memref_slice %arg13[%dma_start3A_1110] : memref<128xi32, #tpu.memory_space<vmem>> -> memref<16xi32, #tpu.memory_space<vmem>>
      tpu.enqueue_dma source(%arg4 : memref<16xi32, #tpu.memory_space<hbm>>) target(%dma_start3A_1111 : memref<16xi32, #tpu.memory_space<vmem>>) target_semaphore(%run_scoped3A_1107 : memref<!tpu.dma_semaphore, #tpu.memory_space<semaphore_mem>>)
      %dma_wait3A_1112 = arith.constant 0 : i32
      %dma_wait3A_1113 = tpu.memref_slice %arg13[%dma_wait3A_1112] : memref<128xi32, #tpu.memory_space<vmem>> -> memref<16xi32, #tpu.memory_space<vmem>>
      %dma_wait3A_1114 = arith.constant 0 : i32
      %dma_wait3A_1115 = tpu.memref_slice %arg13[%dma_wait3A_1114] : memref<128xi32, #tpu.memory_space<vmem>> -> memref<16xi32, #tpu.memory_space<vmem>>
      tpu.wait_dma2 semaphore(%run_scoped3A_1107 : memref<!tpu.dma_semaphore, #tpu.memory_space<semaphore_mem>>) src(%arg4 : memref<16xi32, #tpu.memory_space<hbm>>) dst(%dma_wait3A_1115 : memref<16xi32, #tpu.memory_space<vmem>>)
      tpu.yield
    }) : () -> ()
    %get3A = arith.constant 0 : index
    %get3A_6 = tpu.vector_load %arg13[%get3A] {strides = array<i32>} : memref<128xi32, #tpu.memory_space<vmem>>, vector<16xi32>,
    %iota3A = tpu.iota {dimensions = array<i32: 0>} : vector<16xi32>
    %mul3A_7 = arith.constant 625 : i32
    %mul3A_8 = arith.muli %arg1, %mul3A_7 : i32
    %add3A = arith.constant 0 : i32
    %add3A_9 = arith.addi %mul3A_8, %add3A : i32
    %add3A_10 = arith.constant 0 : i32
    %add3A_11 = arith.addi %add3A_9, %add3A_10 : i32
    %add3A_12 = vector.broadcast %add3A_11 : i32 to vector<16xi32>
    %add3A_13 = arith.addi %add3A_12, %iota3A : vector<16xi32>
    %add3A_14 = arith.constant 625 : i32
    %add3A_15 = arith.addi %mul3A_8, %add3A_14 : i32
    %sub3A = arith.constant 1 : i32
    %sub3A_16 = arith.subi %add3A_15, %sub3A : i32
    %min3A = vector.broadcast %sub3A_16 : i32 to vector<16xi32>
    %min3A_17 = arith.minsi %add3A_13, %min3A : vector<16xi32>
    %mul3A_18 = arith.constant 2 : i32
    %mul3A_19 = vector.broadcast %mul3A_18 : i32 to vector<16xi32>
    %mul3A_20 = arith.muli %min3A_17, %mul3A_19 : vector<16xi32>
    %add3A_21 = vector.broadcast %arg0 : i32 to vector<16xi32>
    %add3A_22 = arith.addi %mul3A_20, %add3A_21 : vector<16xi32>
    %swap3A = arith.constant 0 : index
    %swap3A_23 = tpu.vector_load %arg13[%swap3A] {strides = array<i32>} : memref<128xi32, #tpu.memory_space<vmem>>, vector<16xi32>,
    tpu.vector_store %arg13[%swap3A], %add3A_22 {strides = array<i32>} : memref<128xi32, #tpu.memory_space<vmem>>, vector<16xi32>,
    %add3A_24 = arith.constant 0 : i32
    %add3A_25 = arith.addi %mul3A_8, %add3A_24 : i32
    %add3A_26 = arith.constant 16 : i32
    %add3A_27 = arith.addi %add3A_25, %add3A_26 : i32
    %add3A_28 = vector.broadcast %add3A_27 : i32 to vector<16xi32>
    %add3A_29 = arith.addi %add3A_28, %iota3A : vector<16xi32>
    %add3A_30 = arith.constant 625 : i32
    %add3A_31 = arith.addi %mul3A_8, %add3A_30 : i32
    %sub3A_32 = arith.constant 1 : i32
    %sub3A_33 = arith.subi %add3A_31, %sub3A_32 : i32
    %min3A_34 = vector.broadcast %sub3A_33 : i32 to vector<16xi32>
    %min3A_35 = arith.minsi %add3A_29, %min3A_34 : vector<16xi32>
    %mul3A_36 = arith.constant 2 : i32
    %mul3A_37 = vector.broadcast %mul3A_36 : i32 to vector<16xi32>
    %mul3A_38 = arith.muli %min3A_35, %mul3A_37 : vector<16xi32>
    %add3A_39 = vector.broadcast %arg0 : i32 to vector<16xi32>
    %add3A_40 = arith.addi %mul3A_38, %add3A_39 : vector<16xi32>
    %swap3A_41 = arith.constant 16 : index
    %swap3A_42 = tpu.vector_load %arg13[%swap3A_41] {strides = array<i32>} : memref<128xi32, #tpu.memory_space<vmem>>, vector<16xi32>,
    tpu.vector_store %arg13[%swap3A_41], %add3A_40 {strides = array<i32>} : memref<128xi32, #tpu.memory_space<vmem>>, vector<16xi32>,
    %add3A_43 = arith.constant 0 : i32
    %add3A_44 = arith.addi %mul3A_8, %add3A_43 : i32
    %add3A_45 = arith.constant 32 : i32
    %add3A_46 = arith.addi %add3A_44, %add3A_45 : i32
    %add3A_47 = vector.broadcast %add3A_46 : i32 to vector<16xi32>
    %add3A_48 = arith.addi %add3A_47, %iota3A : vector<16xi32>
    %add3A_49 = arith.constant 625 : i32
    %add3A_50 = arith.addi %mul3A_8, %add3A_49 : i32
    %sub3A_51 = arith.constant 1 : i32
    %sub3A_52 = arith.subi %add3A_50, %sub3A_51 : i32
    %min3A_53 = vector.broadcast %sub3A_52 : i32 to vector<16xi32>
    %min3A_54 = arith.minsi %add3A_48, %min3A_53 : vector<16xi32>
    %mul3A_55 = arith.constant 2 : i32
    %mul3A_56 = vector.broadcast %mul3A_55 : i32 to vector<16xi32>
    %mul3A_57 = arith.muli %min3A_54, %mul3A_56 : vector<16xi32>
    %add3A_58 = vector.broadcast %arg0 : i32 to vector<16xi32>
    %add3A_59 = arith.addi %mul3A_57, %add3A_58 : vector<16xi32>
    %swap3A_60 = arith.constant 32 : index
    %swap3A_61 = tpu.vector_load %arg13[%swap3A_60] {strides = array<i32>} : memref<128xi32, #tpu.memory_space<vmem>>, vector<16xi32>,
    tpu.vector_store %arg13[%swap3A_60], %add3A_59 {strides = array<i32>} : memref<128xi32, #tpu.memory_space<vmem>>, vector<16xi32>,
    %add3A_62 = arith.constant 0 : i32
    %add3A_63 = arith.addi %mul3A_8, %add3A_62 : i32
    %add3A_64 = arith.constant 48 : i32
    %add3A_65 = arith.addi %add3A_63, %add3A_64 : i32
    %add3A_66 = vector.broadcast %add3A_65 : i32 to vector<16xi32>
    %add3A_67 = arith.addi %add3A_66, %iota3A : vector<16xi32>
    %add3A_68 = arith.constant 625 : i32
    %add3A_69 = arith.addi %mul3A_8, %add3A_68 : i32
    %sub3A_70 = arith.constant 1 : i32
    %sub3A_71 = arith.subi %add3A_69, %sub3A_70 : i32
    %min3A_72 = vector.broadcast %sub3A_71 : i32 to vector<16xi32>
    %min3A_73 = arith.minsi %add3A_67, %min3A_72 : vector<16xi32>
    %mul3A_74 = arith.constant 2 : i32
    %mul3A_75 = vector.broadcast %mul3A_74 : i32 to vector<16xi32>
    %mul3A_76 = arith.muli %min3A_73, %mul3A_75 : vector<16xi32>
    %add3A_77 = vector.broadcast %arg0 : i32 to vector<16xi32>
    %add3A_78 = arith.addi %mul3A_76, %add3A_77 : vector<16xi32>
    %swap3A_79 = arith.constant 48 : index
    %swap3A_80 = tpu.vector_load %arg13[%swap3A_79] {strides = array<i32>} : memref<128xi32, #tpu.memory_space<vmem>>, vector<16xi32>,
    tpu.vector_store %arg13[%swap3A_79], %add3A_78 {strides = array<i32>} : memref<128xi32, #tpu.memory_space<vmem>>, vector<16xi32>,
    %add3A_81 = arith.constant 0 : i32
    %add3A_82 = arith.addi %mul3A_8, %add3A_81 : i32
    %add3A_83 = arith.constant 64 : i32
    %add3A_84 = arith.addi %add3A_82, %add3A_83 : i32
    %add3A_85 = vector.broadcast %add3A_84 : i32 to vector<16xi32>
    %add3A_86 = arith.addi %add3A_85, %iota3A : vector<16xi32>
    %add3A_87 = arith.constant 625 : i32
    %add3A_88 = arith.addi %mul3A_8, %add3A_87 : i32
    %sub3A_89 = arith.constant 1 : i32
    %sub3A_90 = arith.subi %add3A_88, %sub3A_89 : i32
    %min3A_91 = vector.broadcast %sub3A_90 : i32 to vector<16xi32>
    %min3A_92 = arith.minsi %add3A_86, %min3A_91 : vector<16xi32>
    %mul3A_93 = arith.constant 2 : i32
    %mul3A_94 = vector.broadcast %mul3A_93 : i32 to vector<16xi32>
    %mul3A_95 = arith.muli %min3A_92, %mul3A_94 : vector<16xi32>
    %add3A_96 = vector.broadcast %arg0 : i32 to vector<16xi32>
    %add3A_97 = arith.addi %mul3A_95, %add3A_96 : vector<16xi32>
    %swap3A_98 = arith.constant 64 : index
    %swap3A_99 = tpu.vector_load %arg13[%swap3A_98] {strides = array<i32>} : memref<128xi32, #tpu.memory_space<vmem>>, vector<16xi32>,
    tpu.vector_store %arg13[%swap3A_98], %add3A_97 {strides = array<i32>} : memref<128xi32, #tpu.memory_space<vmem>>, vector<16xi32>,
    %add3A_100 = arith.constant 0 : i32
    %add3A_101 = arith.addi %mul3A_8, %add3A_100 : i32
    %add3A_102 = arith.constant 80 : i32
    %add3A_103 = arith.addi %add3A_101, %add3A_102 : i32
    %add3A_104 = vector.broadcast %add3A_103 : i32 to vector<16xi32>
    %add3A_105 = arith.addi %add3A_104, %iota3A : vector<16xi32>
    %add3A_106 = arith.constant 625 : i32
    %add3A_107 = arith.addi %mul3A_8, %add3A_106 : i32
    %sub3A_108 = arith.constant 1 : i32
    %sub3A_109 = arith.subi %add3A_107, %sub3A_108 : i32
    %min3A_110 = vector.broadcast %sub3A_109 : i32 to vector<16xi32>
    %min3A_111 = arith.minsi %add3A_105, %min3A_110 : vector<16xi32>
    %mul3A_112 = arith.constant 2 : i32
    %mul3A_113 = vector.broadcast %mul3A_112 : i32 to vector<16xi32>
    %mul3A_114 = arith.muli %min3A_111, %mul3A_113 : vector<16xi32>
    %add3A_115 = vector.broadcast %arg0 : i32 to vector<16xi32>
    %add3A_116 = arith.addi %mul3A_114, %add3A_115 : vector<16xi32>
    %swap3A_117 = arith.constant 80 : index
    %swap3A_118 = tpu.vector_load %arg13[%swap3A_117] {strides = array<i32>} : memref<128xi32, #tpu.memory_space<vmem>>, vector<16xi32>,
    tpu.vector_store %arg13[%swap3A_117], %add3A_116 {strides = array<i32>} : memref<128xi32, #tpu.memory_space<vmem>>, vector<16xi32>,
    %add3A_119 = arith.constant 0 : i32
    %add3A_120 = arith.addi %mul3A_8, %add3A_119 : i32
    %add3A_121 = arith.constant 96 : i32
    %add3A_122 = arith.addi %add3A_120, %add3A_121 : i32
    %add3A_123 = vector.broadcast %add3A_122 : i32 to vector<16xi32>
    %add3A_124 = arith.addi %add3A_123, %iota3A : vector<16xi32>
    %add3A_125 = arith.constant 625 : i32
    %add3A_126 = arith.addi %mul3A_8, %add3A_125 : i32
    %sub3A_127 = arith.constant 1 : i32
    %sub3A_128 = arith.subi %add3A_126, %sub3A_127 : i32
    %min3A_129 = vector.broadcast %sub3A_128 : i32 to vector<16xi32>
    %min3A_130 = arith.minsi %add3A_124, %min3A_129 : vector<16xi32>
    %mul3A_131 = arith.constant 2 : i32
    %mul3A_132 = vector.broadcast %mul3A_131 : i32 to vector<16xi32>
    %mul3A_133 = arith.muli %min3A_130, %mul3A_132 : vector<16xi32>
    %add3A_134 = vector.broadcast %arg0 : i32 to vector<16xi32>
    %add3A_135 = arith.addi %mul3A_133, %add3A_134 : vector<16xi32>
    %swap3A_136 = arith.constant 96 : index
    %swap3A_137 = tpu.vector_load %arg13[%swap3A_136] {strides = array<i32>} : memref<128xi32, #tpu.memory_space<vmem>>, vector<16xi32>,
    tpu.vector_store %arg13[%swap3A_136], %add3A_135 {strides = array<i32>} : memref<128xi32, #tpu.memory_space<vmem>>, vector<16xi32>,
    %add3A_138 = arith.constant 0 : i32
    %add3A_139 = arith.addi %mul3A_8, %add3A_138 : i32
    %add3A_140 = arith.constant 112 : i32
    %add3A_141 = arith.addi %add3A_139, %add3A_140 : i32
    %add3A_142 = vector.broadcast %add3A_141 : i32 to vector<16xi32>
    %add3A_143 = arith.addi %add3A_142, %iota3A : vector<16xi32>
    %add3A_144 = arith.constant 625 : i32
    %add3A_145 = arith.addi %mul3A_8, %add3A_144 : i32
    %sub3A_146 = arith.constant 1 : i32
    %sub3A_147 = arith.subi %add3A_145, %sub3A_146 : i32
    %min3A_148 = vector.broadcast %sub3A_147 : i32 to vector<16xi32>
    %min3A_149 = arith.minsi %add3A_143, %min3A_148 : vector<16xi32>
    %mul3A_150 = arith.constant 2 : i32
    %mul3A_151 = vector.broadcast %mul3A_150 : i32 to vector<16xi32>
    %mul3A_152 = arith.muli %min3A_149, %mul3A_151 : vector<16xi32>
    %add3A_153 = vector.broadcast %arg0 : i32 to vector<16xi32>
    %add3A_154 = arith.addi %mul3A_152, %add3A_153 : vector<16xi32>
    %swap3A_155 = arith.constant 112 : index
    %swap3A_156 = tpu.vector_load %arg13[%swap3A_155] {strides = array<i32>} : memref<128xi32, #tpu.memory_space<vmem>>, vector<16xi32>,
    tpu.vector_store %arg13[%swap3A_155], %add3A_154 {strides = array<i32>} : memref<128xi32, #tpu.memory_space<vmem>>, vector<16xi32>,
    %dma_start3A = arith.constant 0 : i32
    %dma_start3A_157 = arith.constant 0 : i32
    %dma_start3A_158 = tpu.memref_slice %arg2[%dma_start3A, %dma_start3A_157] : memref<20000x64xf32, #tpu.memory_space<hbm>> -> memref<20000x64xf32, #tpu.memory_space<hbm>>
    tpu.enqueue_indirect_dma source(%dma_start3A_158 : memref<20000x64xf32, #tpu.memory_space<hbm>>) target(%arg9 : memref<128x64xf32, #tpu.memory_space<vmem>>) offsets(%arg13 : memref<128xi32, #tpu.memory_space<vmem>>) semaphore(%arg16 : memref<!tpu.dma_semaphore, #tpu.memory_space<semaphore_mem>>)
    %dma_wait3A = arith.constant 0 : i32
    %dma_wait3A_159 = arith.constant 0 : i32
    %dma_wait3A_160 = tpu.memref_slice %arg2[%dma_wait3A, %dma_wait3A_159] : memref<20000x64xf32, #tpu.memory_space<hbm>> -> memref<20000x64xf32, #tpu.memory_space<hbm>>
    tpu.wait_indirect_dma semaphore(%arg16 : memref<!tpu.dma_semaphore, #tpu.memory_space<semaphore_mem>>) src(%dma_wait3A_160 : memref<20000x64xf32, #tpu.memory_space<hbm>>) dst(%arg9 : memref<128x64xf32, #tpu.memory_space<vmem>>)
    %add3A_161 = arith.constant 0 : i32
    %add3A_162 = arith.addi %mul3A_8, %add3A_161 : i32
    "tpu.region"() ({
      %run_scoped3A_1107 = tpu.sem_alloc : memref<!tpu.dma_semaphore, #tpu.memory_space<semaphore_mem>>
      %dma_start3A_1108 = arith.constant 0 : i32
      %dma_start3A_1109 = arith.constant 0 : i32
      %dma_start3A_1110 = tpu.memref_slice %arg9[%dma_start3A_1108, %dma_start3A_1109] : memref<128x64xf32, #tpu.memory_space<vmem>> -> memref<128x64xf32, #tpu.memory_space<vmem>>
      %dma_start3A_1111 = arith.constant 0 : i32
      %dma_start3A_1112 = tpu.memref_slice %arg15[%add3A_162, %dma_start3A_1111] : memref<10000x64xf32, #tpu.memory_space<vmem_shared>> -> memref<128x64xf32, #tpu.memory_space<vmem_shared>>
      %dma_start3A_1113 = arith.constant 0 : i32
      %dma_start3A_1114 = tpu.memref_slice %arg15[%add3A_162, %dma_start3A_1113] : memref<10000x64xf32, #tpu.memory_space<vmem_shared>> -> memref<128x64xf32, #tpu.memory_space<vmem_shared>>
      %dma_start3A_1115 = arith.constant 0 : i32
      %dma_start3A_1116 = arith.constant 0 : i32
      %dma_start3A_1117 = tpu.memref_slice %arg9[%dma_start3A_1115, %dma_start3A_1116] : memref<128x64xf32, #tpu.memory_space<vmem>> -> memref<128x64xf32, #tpu.memory_space<vmem>>
      tpu.enqueue_dma source(%dma_start3A_1117 : memref<128x64xf32, #tpu.memory_space<vmem>>) target(%dma_start3A_1114 : memref<128x64xf32, #tpu.memory_space<vmem_shared>>) target_semaphore(%run_scoped3A_1107 : memref<!tpu.dma_semaphore, #tpu.memory_space<semaphore_mem>>)
      %dma_wait3A_1118 = arith.constant 0 : i32
      %dma_wait3A_1119 = arith.constant 0 : i32
      %dma_wait3A_1120 = tpu.memref_slice %arg9[%dma_wait3A_1118, %dma_wait3A_1119] : memref<128x64xf32, #tpu.memory_space<vmem>> -> memref<128x64xf32, #tpu.memory_space<vmem>>
      %dma_wait3A_1121 = arith.constant 0 : i32
      %dma_wait3A_1122 = tpu.memref_slice %arg15[%add3A_162, %dma_wait3A_1121] : memref<10000x64xf32, #tpu.memory_space<vmem_shared>> -> memref<128x64xf32, #tpu.memory_space<vmem_shared>>
      %dma_wait3A_1123 = arith.constant 0 : i32
      %dma_wait3A_1124 = tpu.memref_slice %arg15[%add3A_162, %dma_wait3A_1123] : memref<10000x64xf32, #tpu.memory_space<vmem_shared>> -> memref<128x64xf32, #tpu.memory_space<vmem_shared>>
      %dma_wait3A_1125 = arith.constant 0 : i32
      %dma_wait3A_1126 = arith.constant 0 : i32
      %dma_wait3A_1127 = tpu.memref_slice %arg9[%dma_wait3A_1125, %dma_wait3A_1126] : memref<128x64xf32, #tpu.memory_space<vmem>> -> memref<128x64xf32, #tpu.memory_space<vmem>>
      tpu.wait_dma2 semaphore(%run_scoped3A_1107 : memref<!tpu.dma_semaphore, #tpu.memory_space<semaphore_mem>>) src(%dma_wait3A_1127 : memref<128x64xf32, #tpu.memory_space<vmem>>) dst(%dma_wait3A_1124 : memref<128x64xf32, #tpu.memory_space<vmem_shared>>)
      tpu.yield
    }) : () -> ()
    %add3A_163 = arith.constant 128 : i32
    %add3A_164 = arith.addi %mul3A_8, %add3A_163 : i32
    %add3A_165 = arith.constant 0 : i32
    %add3A_166 = arith.addi %add3A_164, %add3A_165 : i32
    %add3A_167 = vector.broadcast %add3A_166 : i32 to vector<16xi32>
    %add3A_168 = arith.addi %add3A_167, %iota3A : vector<16xi32>
    %add3A_169 = arith.constant 625 : i32
    %add3A_170 = arith.addi %mul3A_8, %add3A_169 : i32
    %sub3A_171 = arith.constant 1 : i32
    %sub3A_172 = arith.subi %add3A_170, %sub3A_171 : i32
    %min3A_173 = vector.broadcast %sub3A_172 : i32 to vector<16xi32>
    %min3A_174 = arith.minsi %add3A_168, %min3A_173 : vector<16xi32>
    %mul3A_175 = arith.constant 2 : i32
    %mul3A_176 = vector.broadcast %mul3A_175 : i32 to vector<16xi32>
    %mul3A_177 = arith.muli %min3A_174, %mul3A_176 : vector<16xi32>
    %add3A_178 = vector.broadcast %arg0 : i32 to vector<16xi32>
    %add3A_179 = arith.addi %mul3A_177, %add3A_178 : vector<16xi32>
    %swap3A_180 = arith.constant 0 : index
    %swap3A_181 = tpu.vector_load %arg13[%swap3A_180] {strides = array<i32>} : memref<128xi32, #tpu.memory_space<vmem>>, vector<16xi32>,
    tpu.vector_store %arg13[%swap3A_180], %add3A_179 {strides = array<i32>} : memref<128xi32, #tpu.memory_space<vmem>>, vector<16xi32>,
    %add3A_182 = arith.constant 128 : i32
    %add3A_183 = arith.addi %mul3A_8, %add3A_182 : i32
    %add3A_184 = arith.constant 16 : i32
    %add3A_185 = arith.addi %add3A_183, %add3A_184 : i32
    %add3A_186 = vector.broadcast %add3A_185 : i32 to vector<16xi32>
    %add3A_187 = arith.addi %add3A_186, %iota3A : vector<16xi32>
    %add3A_188 = arith.constant 625 : i32
    %add3A_189 = arith.addi %mul3A_8, %add3A_188 : i32
    %sub3A_190 = arith.constant 1 : i32
    %sub3A_191 = arith.subi %add3A_189, %sub3A_190 : i32
    %min3A_192 = vector.broadcast %sub3A_191 : i32 to vector<16xi32>
    %min3A_193 = arith.minsi %add3A_187, %min3A_192 : vector<16xi32>
    %mul3A_194 = arith.constant 2 : i32
    %mul3A_195 = vector.broadcast %mul3A_194 : i32 to vector<16xi32>
    %mul3A_196 = arith.muli %min3A_193, %mul3A_195 : vector<16xi32>
    %add3A_197 = vector.broadcast %arg0 : i32 to vector<16xi32>
    %add3A_198 = arith.addi %mul3A_196, %add3A_197 : vector<16xi32>
    %swap3A_199 = arith.constant 16 : index
    %swap3A_200 = tpu.vector_load %arg13[%swap3A_199] {strides = array<i32>} : memref<128xi32, #tpu.memory_space<vmem>>, vector<16xi32>,
    tpu.vector_store %arg13[%swap3A_199], %add3A_198 {strides = array<i32>} : memref<128xi32, #tpu.memory_space<vmem>>, vector<16xi32>,
    %add3A_201 = arith.constant 128 : i32
    %add3A_202 = arith.addi %mul3A_8, %add3A_201 : i32
    %add3A_203 = arith.constant 32 : i32
    %add3A_204 = arith.addi %add3A_202, %add3A_203 : i32
    %add3A_205 = vector.broadcast %add3A_204 : i32 to vector<16xi32>
    %add3A_206 = arith.addi %add3A_205, %iota3A : vector<16xi32>
    %add3A_207 = arith.constant 625 : i32
    %add3A_208 = arith.addi %mul3A_8, %add3A_207 : i32
    %sub3A_209 = arith.constant 1 : i32
    %sub3A_210 = arith.subi %add3A_208, %sub3A_209 : i32
    %min3A_211 = vector.broadcast %sub3A_210 : i32 to vector<16xi32>
    %min3A_212 = arith.minsi %add3A_206, %min3A_211 : vector<16xi32>
    %mul3A_213 = arith.constant 2 : i32
    %mul3A_214 = vector.broadcast %mul3A_213 : i32 to vector<16xi32>
    %mul3A_215 = arith.muli %min3A_212, %mul3A_214 : vector<16xi32>
    %add3A_216 = vector.broadcast %arg0 : i32 to vector<16xi32>
    %add3A_217 = arith.addi %mul3A_215, %add3A_216 : vector<16xi32>
    %swap3A_218 = arith.constant 32 : index
    %swap3A_219 = tpu.vector_load %arg13[%swap3A_218] {strides = array<i32>} : memref<128xi32, #tpu.memory_space<vmem>>, vector<16xi32>,
    tpu.vector_store %arg13[%swap3A_218], %add3A_217 {strides = array<i32>} : memref<128xi32, #tpu.memory_space<vmem>>, vector<16xi32>,
    %add3A_220 = arith.constant 128 : i32
    %add3A_221 = arith.addi %mul3A_8, %add3A_220 : i32
    %add3A_222 = arith.constant 48 : i32
    %add3A_223 = arith.addi %add3A_221, %add3A_222 : i32
    %add3A_224 = vector.broadcast %add3A_223 : i32 to vector<16xi32>
    %add3A_225 = arith.addi %add3A_224, %iota3A : vector<16xi32>
    %add3A_226 = arith.constant 625 : i32
    %add3A_227 = arith.addi %mul3A_8, %add3A_226 : i32
    %sub3A_228 = arith.constant 1 : i32
    %sub3A_229 = arith.subi %add3A_227, %sub3A_228 : i32
    %min3A_230 = vector.broadcast %sub3A_229 : i32 to vector<16xi32>
    %min3A_231 = arith.minsi %add3A_225, %min3A_230 : vector<16xi32>
    %mul3A_232 = arith.constant 2 : i32
    %mul3A_233 = vector.broadcast %mul3A_232 : i32 to vector<16xi32>
    %mul3A_234 = arith.muli %min3A_231, %mul3A_233 : vector<16xi32>
    %add3A_235 = vector.broadcast %arg0 : i32 to vector<16xi32>
    %add3A_236 = arith.addi %mul3A_234, %add3A_235 : vector<16xi32>
    %swap3A_237 = arith.constant 48 : index
    %swap3A_238 = tpu.vector_load %arg13[%swap3A_237] {strides = array<i32>} : memref<128xi32, #tpu.memory_space<vmem>>, vector<16xi32>,
    tpu.vector_store %arg13[%swap3A_237], %add3A_236 {strides = array<i32>} : memref<128xi32, #tpu.memory_space<vmem>>, vector<16xi32>,
    %add3A_239 = arith.constant 128 : i32
    %add3A_240 = arith.addi %mul3A_8, %add3A_239 : i32
    %add3A_241 = arith.constant 64 : i32
    %add3A_242 = arith.addi %add3A_240, %add3A_241 : i32
    %add3A_243 = vector.broadcast %add3A_242 : i32 to vector<16xi32>
    %add3A_244 = arith.addi %add3A_243, %iota3A : vector<16xi32>
    %add3A_245 = arith.constant 625 : i32
    %add3A_246 = arith.addi %mul3A_8, %add3A_245 : i32
    %sub3A_247 = arith.constant 1 : i32
    %sub3A_248 = arith.subi %add3A_246, %sub3A_247 : i32
    %min3A_249 = vector.broadcast %sub3A_248 : i32 to vector<16xi32>
    %min3A_250 = arith.minsi %add3A_244, %min3A_249 : vector<16xi32>
    %mul3A_251 = arith.constant 2 : i32
    %mul3A_252 = vector.broadcast %mul3A_251 : i32 to vector<16xi32>
    %mul3A_253 = arith.muli %min3A_250, %mul3A_252 : vector<16xi32>
    %add3A_254 = vector.broadcast %arg0 : i32 to vector<16xi32>
    %add3A_255 = arith.addi %mul3A_253, %add3A_254 : vector<16xi32>
    %swap3A_256 = arith.constant 64 : index
    %swap3A_257 = tpu.vector_load %arg13[%swap3A_256] {strides = array<i32>} : memref<128xi32, #tpu.memory_space<vmem>>, vector<16xi32>,
    tpu.vector_store %arg13[%swap3A_256], %add3A_255 {strides = array<i32>} : memref<128xi32, #tpu.memory_space<vmem>>, vector<16xi32>,
    %add3A_258 = arith.constant 128 : i32
    %add3A_259 = arith.addi %mul3A_8, %add3A_258 : i32
    %add3A_260 = arith.constant 80 : i32
    %add3A_261 = arith.addi %add3A_259, %add3A_260 : i32
    %add3A_262 = vector.broadcast %add3A_261 : i32 to vector<16xi32>
    %add3A_263 = arith.addi %add3A_262, %iota3A : vector<16xi32>
    %add3A_264 = arith.constant 625 : i32
    %add3A_265 = arith.addi %mul3A_8, %add3A_264 : i32
    %sub3A_266 = arith.constant 1 : i32
    %sub3A_267 = arith.subi %add3A_265, %sub3A_266 : i32
    %min3A_268 = vector.broadcast %sub3A_267 : i32 to vector<16xi32>
    %min3A_269 = arith.minsi %add3A_263, %min3A_268 : vector<16xi32>
    %mul3A_270 = arith.constant 2 : i32
    %mul3A_271 = vector.broadcast %mul3A_270 : i32 to vector<16xi32>
    %mul3A_272 = arith.muli %min3A_269, %mul3A_271 : vector<16xi32>
    %add3A_273 = vector.broadcast %arg0 : i32 to vector<16xi32>
    %add3A_274 = arith.addi %mul3A_272, %add3A_273 : vector<16xi32>
    %swap3A_275 = arith.constant 80 : index
    %swap3A_276 = tpu.vector_load %arg13[%swap3A_275] {strides = array<i32>} : memref<128xi32, #tpu.memory_space<vmem>>, vector<16xi32>,
    tpu.vector_store %arg13[%swap3A_275], %add3A_274 {strides = array<i32>} : memref<128xi32, #tpu.memory_space<vmem>>, vector<16xi32>,
    %add3A_277 = arith.constant 128 : i32
    %add3A_278 = arith.addi %mul3A_8, %add3A_277 : i32
    %add3A_279 = arith.constant 96 : i32
    %add3A_280 = arith.addi %add3A_278, %add3A_279 : i32
    %add3A_281 = vector.broadcast %add3A_280 : i32 to vector<16xi32>
    %add3A_282 = arith.addi %add3A_281, %iota3A : vector<16xi32>
    %add3A_283 = arith.constant 625 : i32
    %add3A_284 = arith.addi %mul3A_8, %add3A_283 : i32
    %sub3A_285 = arith.constant 1 : i32
    %sub3A_286 = arith.subi %add3A_284, %sub3A_285 : i32
    %min3A_287 = vector.broadcast %sub3A_286 : i32 to vector<16xi32>
    %min3A_288 = arith.minsi %add3A_282, %min3A_287 : vector<16xi32>
    %mul3A_289 = arith.constant 2 : i32
    %mul3A_290 = vector.broadcast %mul3A_289 : i32 to vector<16xi32>
    %mul3A_291 = arith.muli %min3A_288, %mul3A_290 : vector<16xi32>
    %add3A_292 = vector.broadcast %arg0 : i32 to vector<16xi32>
    %add3A_293 = arith.addi %mul3A_291, %add3A_292 : vector<16xi32>
    %swap3A_294 = arith.constant 96 : index
    %swap3A_295 = tpu.vector_load %arg13[%swap3A_294] {strides = array<i32>} : memref<128xi32, #tpu.memory_space<vmem>>, vector<16xi32>,
    tpu.vector_store %arg13[%swap3A_294], %add3A_293 {strides = array<i32>} : memref<128xi32, #tpu.memory_space<vmem>>, vector<16xi32>,
    %add3A_296 = arith.constant 128 : i32
    %add3A_297 = arith.addi %mul3A_8, %add3A_296 : i32
    %add3A_298 = arith.constant 112 : i32
    %add3A_299 = arith.addi %add3A_297, %add3A_298 : i32
    %add3A_300 = vector.broadcast %add3A_299 : i32 to vector<16xi32>
    %add3A_301 = arith.addi %add3A_300, %iota3A : vector<16xi32>
    %add3A_302 = arith.constant 625 : i32
    %add3A_303 = arith.addi %mul3A_8, %add3A_302 : i32
    %sub3A_304 = arith.constant 1 : i32
    %sub3A_305 = arith.subi %add3A_303, %sub3A_304 : i32
    %min3A_306 = vector.broadcast %sub3A_305 : i32 to vector<16xi32>
    %min3A_307 = arith.minsi %add3A_301, %min3A_306 : vector<16xi32>
    %mul3A_308 = arith.constant 2 : i32
    %mul3A_309 = vector.broadcast %mul3A_308 : i32 to vector<16xi32>
    %mul3A_310 = arith.muli %min3A_307, %mul3A_309 : vector<16xi32>
    %add3A_311 = vector.broadcast %arg0 : i32 to vector<16xi32>
    %add3A_312 = arith.addi %mul3A_310, %add3A_311 : vector<16xi32>
    %swap3A_313 = arith.constant 112 : index
    %swap3A_314 = tpu.vector_load %arg13[%swap3A_313] {strides = array<i32>} : memref<128xi32, #tpu.memory_space<vmem>>, vector<16xi32>,
    tpu.vector_store %arg13[%swap3A_313], %add3A_312 {strides = array<i32>} : memref<128xi32, #tpu.memory_space<vmem>>, vector<16xi32>,
    %dma_start3A_315 = arith.constant 0 : i32
    %dma_start3A_316 = arith.constant 0 : i32
    %dma_start3A_317 = tpu.memref_slice %arg2[%dma_start3A_315, %dma_start3A_316] : memref<20000x64xf32, #tpu.memory_space<hbm>> -> memref<20000x64xf32, #tpu.memory_space<hbm>>
    tpu.enqueue_indirect_dma source(%dma_start3A_317 : memref<20000x64xf32, #tpu.memory_space<hbm>>) target(%arg10 : memref<128x64xf32, #tpu.memory_space<vmem>>) offsets(%arg13 : memref<128xi32, #tpu.memory_space<vmem>>) semaphore(%arg17 : memref<!tpu.dma_semaphore, #tpu.memory_space<semaphore_mem>>)
    %dma_wait3A_318 = arith.constant 0 : i32
    %dma_wait3A_319 = arith.constant 0 : i32
    %dma_wait3A_320 = tpu.memref_slice %arg2[%dma_wait3A_318, %dma_wait3A_319] : memref<20000x64xf32, #tpu.memory_space<hbm>> -> memref<20000x64xf32, #tpu.memory_space<hbm>>
    tpu.wait_indirect_dma semaphore(%arg17 : memref<!tpu.dma_semaphore, #tpu.memory_space<semaphore_mem>>) src(%dma_wait3A_320 : memref<20000x64xf32, #tpu.memory_space<hbm>>) dst(%arg10 : memref<128x64xf32, #tpu.memory_space<vmem>>)
    %add3A_321 = arith.constant 128 : i32
    %add3A_322 = arith.addi %mul3A_8, %add3A_321 : i32
    "tpu.region"() ({
      %run_scoped3A_1107 = tpu.sem_alloc : memref<!tpu.dma_semaphore, #tpu.memory_space<semaphore_mem>>
      %dma_start3A_1108 = arith.constant 0 : i32
      %dma_start3A_1109 = arith.constant 0 : i32
      %dma_start3A_1110 = tpu.memref_slice %arg10[%dma_start3A_1108, %dma_start3A_1109] : memref<128x64xf32, #tpu.memory_space<vmem>> -> memref<128x64xf32, #tpu.memory_space<vmem>>
      %dma_start3A_1111 = arith.constant 0 : i32
      %dma_start3A_1112 = tpu.memref_slice %arg15[%add3A_322, %dma_start3A_1111] : memref<10000x64xf32, #tpu.memory_space<vmem_shared>> -> memref<128x64xf32, #tpu.memory_space<vmem_shared>>
      %dma_start3A_1113 = arith.constant 0 : i32
      %dma_start3A_1114 = tpu.memref_slice %arg15[%add3A_322, %dma_start3A_1113] : memref<10000x64xf32, #tpu.memory_space<vmem_shared>> -> memref<128x64xf32, #tpu.memory_space<vmem_shared>>
      %dma_start3A_1115 = arith.constant 0 : i32
      %dma_start3A_1116 = arith.constant 0 : i32
      %dma_start3A_1117 = tpu.memref_slice %arg10[%dma_start3A_1115, %dma_start3A_1116] : memref<128x64xf32, #tpu.memory_space<vmem>> -> memref<128x64xf32, #tpu.memory_space<vmem>>
      tpu.enqueue_dma source(%dma_start3A_1117 : memref<128x64xf32, #tpu.memory_space<vmem>>) target(%dma_start3A_1114 : memref<128x64xf32, #tpu.memory_space<vmem_shared>>) target_semaphore(%run_scoped3A_1107 : memref<!tpu.dma_semaphore, #tpu.memory_space<semaphore_mem>>)
      %dma_wait3A_1118 = arith.constant 0 : i32
      %dma_wait3A_1119 = arith.constant 0 : i32
      %dma_wait3A_1120 = tpu.memref_slice %arg10[%dma_wait3A_1118, %dma_wait3A_1119] : memref<128x64xf32, #tpu.memory_space<vmem>> -> memref<128x64xf32, #tpu.memory_space<vmem>>
      %dma_wait3A_1121 = arith.constant 0 : i32
      %dma_wait3A_1122 = tpu.memref_slice %arg15[%add3A_322, %dma_wait3A_1121] : memref<10000x64xf32, #tpu.memory_space<vmem_shared>> -> memref<128x64xf32, #tpu.memory_space<vmem_shared>>
      %dma_wait3A_1123 = arith.constant 0 : i32
      %dma_wait3A_1124 = tpu.memref_slice %arg15[%add3A_322, %dma_wait3A_1123] : memref<10000x64xf32, #tpu.memory_space<vmem_shared>> -> memref<128x64xf32, #tpu.memory_space<vmem_shared>>
      %dma_wait3A_1125 = arith.constant 0 : i32
      %dma_wait3A_1126 = arith.constant 0 : i32
      %dma_wait3A_1127 = tpu.memref_slice %arg10[%dma_wait3A_1125, %dma_wait3A_1126] : memref<128x64xf32, #tpu.memory_space<vmem>> -> memref<128x64xf32, #tpu.memory_space<vmem>>
      tpu.wait_dma2 semaphore(%run_scoped3A_1107 : memref<!tpu.dma_semaphore, #tpu.memory_space<semaphore_mem>>) src(%dma_wait3A_1127 : memref<128x64xf32, #tpu.memory_space<vmem>>) dst(%dma_wait3A_1124 : memref<128x64xf32, #tpu.memory_space<vmem_shared>>)
      tpu.yield
    }) : () -> ()
    %add3A_323 = arith.constant 256 : i32
    %add3A_324 = arith.addi %mul3A_8, %add3A_323 : i32
    %add3A_325 = arith.constant 0 : i32
    %add3A_326 = arith.addi %add3A_324, %add3A_325 : i32
    %add3A_327 = vector.broadcast %add3A_326 : i32 to vector<16xi32>
    %add3A_328 = arith.addi %add3A_327, %iota3A : vector<16xi32>
    %add3A_329 = arith.constant 625 : i32
    %add3A_330 = arith.addi %mul3A_8, %add3A_329 : i32
    %sub3A_331 = arith.constant 1 : i32
    %sub3A_332 = arith.subi %add3A_330, %sub3A_331 : i32
    %min3A_333 = vector.broadcast %sub3A_332 : i32 to vector<16xi32>
    %min3A_334 = arith.minsi %add3A_328, %min3A_333 : vector<16xi32>
    %mul3A_335 = arith.constant 2 : i32
    %mul3A_336 = vector.broadcast %mul3A_335 : i32 to vector<16xi32>
    %mul3A_337 = arith.muli %min3A_334, %mul3A_336 : vector<16xi32>
    %add3A_338 = vector.broadcast %arg0 : i32 to vector<16xi32>
    %add3A_339 = arith.addi %mul3A_337, %add3A_338 : vector<16xi32>
    %swap3A_340 = arith.constant 0 : index
    %swap3A_341 = tpu.vector_load %arg13[%swap3A_340] {strides = array<i32>} : memref<128xi32, #tpu.memory_space<vmem>>, vector<16xi32>,
    tpu.vector_store %arg13[%swap3A_340], %add3A_339 {strides = array<i32>} : memref<128xi32, #tpu.memory_space<vmem>>, vector<16xi32>,
    %add3A_342 = arith.constant 256 : i32
    %add3A_343 = arith.addi %mul3A_8, %add3A_342 : i32
    %add3A_344 = arith.constant 16 : i32
    %add3A_345 = arith.addi %add3A_343, %add3A_344 : i32
    %add3A_346 = vector.broadcast %add3A_345 : i32 to vector<16xi32>
    %add3A_347 = arith.addi %add3A_346, %iota3A : vector<16xi32>
    %add3A_348 = arith.constant 625 : i32
    %add3A_349 = arith.addi %mul3A_8, %add3A_348 : i32
    %sub3A_350 = arith.constant 1 : i32
    %sub3A_351 = arith.subi %add3A_349, %sub3A_350 : i32
    %min3A_352 = vector.broadcast %sub3A_351 : i32 to vector<16xi32>
    %min3A_353 = arith.minsi %add3A_347, %min3A_352 : vector<16xi32>
    %mul3A_354 = arith.constant 2 : i32
    %mul3A_355 = vector.broadcast %mul3A_354 : i32 to vector<16xi32>
    %mul3A_356 = arith.muli %min3A_353, %mul3A_355 : vector<16xi32>
    %add3A_357 = vector.broadcast %arg0 : i32 to vector<16xi32>
    %add3A_358 = arith.addi %mul3A_356, %add3A_357 : vector<16xi32>
    %swap3A_359 = arith.constant 16 : index
    %swap3A_360 = tpu.vector_load %arg13[%swap3A_359] {strides = array<i32>} : memref<128xi32, #tpu.memory_space<vmem>>, vector<16xi32>,
    tpu.vector_store %arg13[%swap3A_359], %add3A_358 {strides = array<i32>} : memref<128xi32, #tpu.memory_space<vmem>>, vector<16xi32>,
    %add3A_361 = arith.constant 256 : i32
    %add3A_362 = arith.addi %mul3A_8, %add3A_361 : i32
    %add3A_363 = arith.constant 32 : i32
    %add3A_364 = arith.addi %add3A_362, %add3A_363 : i32
    %add3A_365 = vector.broadcast %add3A_364 : i32 to vector<16xi32>
    %add3A_366 = arith.addi %add3A_365, %iota3A : vector<16xi32>
    %add3A_367 = arith.constant 625 : i32
    %add3A_368 = arith.addi %mul3A_8, %add3A_367 : i32
    %sub3A_369 = arith.constant 1 : i32
    %sub3A_370 = arith.subi %add3A_368, %sub3A_369 : i32
    %min3A_371 = vector.broadcast %sub3A_370 : i32 to vector<16xi32>
    %min3A_372 = arith.minsi %add3A_366, %min3A_371 : vector<16xi32>
    %mul3A_373 = arith.constant 2 : i32
    %mul3A_374 = vector.broadcast %mul3A_373 : i32 to vector<16xi32>
    %mul3A_375 = arith.muli %min3A_372, %mul3A_374 : vector<16xi32>
    %add3A_376 = vector.broadcast %arg0 : i32 to vector<16xi32>
    %add3A_377 = arith.addi %mul3A_375, %add3A_376 : vector<16xi32>
    %swap3A_378 = arith.constant 32 : index
    %swap3A_379 = tpu.vector_load %arg13[%swap3A_378] {strides = array<i32>} : memref<128xi32, #tpu.memory_space<vmem>>, vector<16xi32>,
    tpu.vector_store %arg13[%swap3A_378], %add3A_377 {strides = array<i32>} : memref<128xi32, #tpu.memory_space<vmem>>, vector<16xi32>,
    %add3A_380 = arith.constant 256 : i32
    %add3A_381 = arith.addi %mul3A_8, %add3A_380 : i32
    %add3A_382 = arith.constant 48 : i32
    %add3A_383 = arith.addi %add3A_381, %add3A_382 : i32
    %add3A_384 = vector.broadcast %add3A_383 : i32 to vector<16xi32>
    %add3A_385 = arith.addi %add3A_384, %iota3A : vector<16xi32>
    %add3A_386 = arith.constant 625 : i32
    %add3A_387 = arith.addi %mul3A_8, %add3A_386 : i32
    %sub3A_388 = arith.constant 1 : i32
    %sub3A_389 = arith.subi %add3A_387, %sub3A_388 : i32
    %min3A_390 = vector.broadcast %sub3A_389 : i32 to vector<16xi32>
    %min3A_391 = arith.minsi %add3A_385, %min3A_390 : vector<16xi32>
    %mul3A_392 = arith.constant 2 : i32
    %mul3A_393 = vector.broadcast %mul3A_392 : i32 to vector<16xi32>
    %mul3A_394 = arith.muli %min3A_391, %mul3A_393 : vector<16xi32>
    %add3A_395 = vector.broadcast %arg0 : i32 to vector<16xi32>
    %add3A_396 = arith.addi %mul3A_394, %add3A_395 : vector<16xi32>
    %swap3A_397 = arith.constant 48 : index
    %swap3A_398 = tpu.vector_load %arg13[%swap3A_397] {strides = array<i32>} : memref<128xi32, #tpu.memory_space<vmem>>, vector<16xi32>,
    tpu.vector_store %arg13[%swap3A_397], %add3A_396 {strides = array<i32>} : memref<128xi32, #tpu.memory_space<vmem>>, vector<16xi32>,
    %add3A_399 = arith.constant 256 : i32
    %add3A_400 = arith.addi %mul3A_8, %add3A_399 : i32
    %add3A_401 = arith.constant 64 : i32
    %add3A_402 = arith.addi %add3A_400, %add3A_401 : i32
    %add3A_403 = vector.broadcast %add3A_402 : i32 to vector<16xi32>
    %add3A_404 = arith.addi %add3A_403, %iota3A : vector<16xi32>
    %add3A_405 = arith.constant 625 : i32
    %add3A_406 = arith.addi %mul3A_8, %add3A_405 : i32
    %sub3A_407 = arith.constant 1 : i32
    %sub3A_408 = arith.subi %add3A_406, %sub3A_407 : i32
    %min3A_409 = vector.broadcast %sub3A_408 : i32 to vector<16xi32>
    %min3A_410 = arith.minsi %add3A_404, %min3A_409 : vector<16xi32>
    %mul3A_411 = arith.constant 2 : i32
    %mul3A_412 = vector.broadcast %mul3A_411 : i32 to vector<16xi32>
    %mul3A_413 = arith.muli %min3A_410, %mul3A_412 : vector<16xi32>
    %add3A_414 = vector.broadcast %arg0 : i32 to vector<16xi32>
    %add3A_415 = arith.addi %mul3A_413, %add3A_414 : vector<16xi32>
    %swap3A_416 = arith.constant 64 : index
    %swap3A_417 = tpu.vector_load %arg13[%swap3A_416] {strides = array<i32>} : memref<128xi32, #tpu.memory_space<vmem>>, vector<16xi32>,
    tpu.vector_store %arg13[%swap3A_416], %add3A_415 {strides = array<i32>} : memref<128xi32, #tpu.memory_space<vmem>>, vector<16xi32>,
    %add3A_418 = arith.constant 256 : i32
    %add3A_419 = arith.addi %mul3A_8, %add3A_418 : i32
    %add3A_420 = arith.constant 80 : i32
    %add3A_421 = arith.addi %add3A_419, %add3A_420 : i32
    %add3A_422 = vector.broadcast %add3A_421 : i32 to vector<16xi32>
    %add3A_423 = arith.addi %add3A_422, %iota3A : vector<16xi32>
    %add3A_424 = arith.constant 625 : i32
    %add3A_425 = arith.addi %mul3A_8, %add3A_424 : i32
    %sub3A_426 = arith.constant 1 : i32
    %sub3A_427 = arith.subi %add3A_425, %sub3A_426 : i32
    %min3A_428 = vector.broadcast %sub3A_427 : i32 to vector<16xi32>
    %min3A_429 = arith.minsi %add3A_423, %min3A_428 : vector<16xi32>
    %mul3A_430 = arith.constant 2 : i32
    %mul3A_431 = vector.broadcast %mul3A_430 : i32 to vector<16xi32>
    %mul3A_432 = arith.muli %min3A_429, %mul3A_431 : vector<16xi32>
    %add3A_433 = vector.broadcast %arg0 : i32 to vector<16xi32>
    %add3A_434 = arith.addi %mul3A_432, %add3A_433 : vector<16xi32>
    %swap3A_435 = arith.constant 80 : index
    %swap3A_436 = tpu.vector_load %arg13[%swap3A_435] {strides = array<i32>} : memref<128xi32, #tpu.memory_space<vmem>>, vector<16xi32>,
    tpu.vector_store %arg13[%swap3A_435], %add3A_434 {strides = array<i32>} : memref<128xi32, #tpu.memory_space<vmem>>, vector<16xi32>,
    %add3A_437 = arith.constant 256 : i32
    %add3A_438 = arith.addi %mul3A_8, %add3A_437 : i32
    %add3A_439 = arith.constant 96 : i32
    %add3A_440 = arith.addi %add3A_438, %add3A_439 : i32
    %add3A_441 = vector.broadcast %add3A_440 : i32 to vector<16xi32>
    %add3A_442 = arith.addi %add3A_441, %iota3A : vector<16xi32>
    %add3A_443 = arith.constant 625 : i32
    %add3A_444 = arith.addi %mul3A_8, %add3A_443 : i32
    %sub3A_445 = arith.constant 1 : i32
    %sub3A_446 = arith.subi %add3A_444, %sub3A_445 : i32
    %min3A_447 = vector.broadcast %sub3A_446 : i32 to vector<16xi32>
    %min3A_448 = arith.minsi %add3A_442, %min3A_447 : vector<16xi32>
    %mul3A_449 = arith.constant 2 : i32
    %mul3A_450 = vector.broadcast %mul3A_449 : i32 to vector<16xi32>
    %mul3A_451 = arith.muli %min3A_448, %mul3A_450 : vector<16xi32>
    %add3A_452 = vector.broadcast %arg0 : i32 to vector<16xi32>
    %add3A_453 = arith.addi %mul3A_451, %add3A_452 : vector<16xi32>
    %swap3A_454 = arith.constant 96 : index
    %swap3A_455 = tpu.vector_load %arg13[%swap3A_454] {strides = array<i32>} : memref<128xi32, #tpu.memory_space<vmem>>, vector<16xi32>,
    tpu.vector_store %arg13[%swap3A_454], %add3A_453 {strides = array<i32>} : memref<128xi32, #tpu.memory_space<vmem>>, vector<16xi32>,
    %add3A_456 = arith.constant 256 : i32
    %add3A_457 = arith.addi %mul3A_8, %add3A_456 : i32
    %add3A_458 = arith.constant 112 : i32
    %add3A_459 = arith.addi %add3A_457, %add3A_458 : i32
    %add3A_460 = vector.broadcast %add3A_459 : i32 to vector<16xi32>
    %add3A_461 = arith.addi %add3A_460, %iota3A : vector<16xi32>
    %add3A_462 = arith.constant 625 : i32
    %add3A_463 = arith.addi %mul3A_8, %add3A_462 : i32
    %sub3A_464 = arith.constant 1 : i32
    %sub3A_465 = arith.subi %add3A_463, %sub3A_464 : i32
    %min3A_466 = vector.broadcast %sub3A_465 : i32 to vector<16xi32>
    %min3A_467 = arith.minsi %add3A_461, %min3A_466 : vector<16xi32>
    %mul3A_468 = arith.constant 2 : i32
    %mul3A_469 = vector.broadcast %mul3A_468 : i32 to vector<16xi32>
    %mul3A_470 = arith.muli %min3A_467, %mul3A_469 : vector<16xi32>
    %add3A_471 = vector.broadcast %arg0 : i32 to vector<16xi32>
    %add3A_472 = arith.addi %mul3A_470, %add3A_471 : vector<16xi32>
    %swap3A_473 = arith.constant 112 : index
    %swap3A_474 = tpu.vector_load %arg13[%swap3A_473] {strides = array<i32>} : memref<128xi32, #tpu.memory_space<vmem>>, vector<16xi32>,
    tpu.vector_store %arg13[%swap3A_473], %add3A_472 {strides = array<i32>} : memref<128xi32, #tpu.memory_space<vmem>>, vector<16xi32>,
    %dma_start3A_475 = arith.constant 0 : i32
    %dma_start3A_476 = arith.constant 0 : i32
    %dma_start3A_477 = tpu.memref_slice %arg2[%dma_start3A_475, %dma_start3A_476] : memref<20000x64xf32, #tpu.memory_space<hbm>> -> memref<20000x64xf32, #tpu.memory_space<hbm>>
    tpu.enqueue_indirect_dma source(%dma_start3A_477 : memref<20000x64xf32, #tpu.memory_space<hbm>>) target(%arg9 : memref<128x64xf32, #tpu.memory_space<vmem>>) offsets(%arg13 : memref<128xi32, #tpu.memory_space<vmem>>) semaphore(%arg16 : memref<!tpu.dma_semaphore, #tpu.memory_space<semaphore_mem>>)
    %dma_wait3A_478 = arith.constant 0 : i32
    %dma_wait3A_479 = arith.constant 0 : i32
    %dma_wait3A_480 = tpu.memref_slice %arg2[%dma_wait3A_478, %dma_wait3A_479] : memref<20000x64xf32, #tpu.memory_space<hbm>> -> memref<20000x64xf32, #tpu.memory_space<hbm>>
    tpu.wait_indirect_dma semaphore(%arg16 : memref<!tpu.dma_semaphore, #tpu.memory_space<semaphore_mem>>) src(%dma_wait3A_480 : memref<20000x64xf32, #tpu.memory_space<hbm>>) dst(%arg9 : memref<128x64xf32, #tpu.memory_space<vmem>>)
    %add3A_481 = arith.constant 256 : i32
    %add3A_482 = arith.addi %mul3A_8, %add3A_481 : i32
    "tpu.region"() ({
      %run_scoped3A_1107 = tpu.sem_alloc : memref<!tpu.dma_semaphore, #tpu.memory_space<semaphore_mem>>
      %dma_start3A_1108 = arith.constant 0 : i32
      %dma_start3A_1109 = arith.constant 0 : i32
      %dma_start3A_1110 = tpu.memref_slice %arg9[%dma_start3A_1108, %dma_start3A_1109] : memref<128x64xf32, #tpu.memory_space<vmem>> -> memref<128x64xf32, #tpu.memory_space<vmem>>
      %dma_start3A_1111 = arith.constant 0 : i32
      %dma_start3A_1112 = tpu.memref_slice %arg15[%add3A_482, %dma_start3A_1111] : memref<10000x64xf32, #tpu.memory_space<vmem_shared>> -> memref<128x64xf32, #tpu.memory_space<vmem_shared>>
      %dma_start3A_1113 = arith.constant 0 : i32
      %dma_start3A_1114 = tpu.memref_slice %arg15[%add3A_482, %dma_start3A_1113] : memref<10000x64xf32, #tpu.memory_space<vmem_shared>> -> memref<128x64xf32, #tpu.memory_space<vmem_shared>>
      %dma_start3A_1115 = arith.constant 0 : i32
      %dma_start3A_1116 = arith.constant 0 : i32
      %dma_start3A_1117 = tpu.memref_slice %arg9[%dma_start3A_1115, %dma_start3A_1116] : memref<128x64xf32, #tpu.memory_space<vmem>> -> memref<128x64xf32, #tpu.memory_space<vmem>>
      tpu.enqueue_dma source(%dma_start3A_1117 : memref<128x64xf32, #tpu.memory_space<vmem>>) target(%dma_start3A_1114 : memref<128x64xf32, #tpu.memory_space<vmem_shared>>) target_semaphore(%run_scoped3A_1107 : memref<!tpu.dma_semaphore, #tpu.memory_space<semaphore_mem>>)
      %dma_wait3A_1118 = arith.constant 0 : i32
      %dma_wait3A_1119 = arith.constant 0 : i32
      %dma_wait3A_1120 = tpu.memref_slice %arg9[%dma_wait3A_1118, %dma_wait3A_1119] : memref<128x64xf32, #tpu.memory_space<vmem>> -> memref<128x64xf32, #tpu.memory_space<vmem>>
      %dma_wait3A_1121 = arith.constant 0 : i32
      %dma_wait3A_1122 = tpu.memref_slice %arg15[%add3A_482, %dma_wait3A_1121] : memref<10000x64xf32, #tpu.memory_space<vmem_shared>> -> memref<128x64xf32, #tpu.memory_space<vmem_shared>>
      %dma_wait3A_1123 = arith.constant 0 : i32
      %dma_wait3A_1124 = tpu.memref_slice %arg15[%add3A_482, %dma_wait3A_1123] : memref<10000x64xf32, #tpu.memory_space<vmem_shared>> -> memref<128x64xf32, #tpu.memory_space<vmem_shared>>
      %dma_wait3A_1125 = arith.constant 0 : i32
      %dma_wait3A_1126 = arith.constant 0 : i32
      %dma_wait3A_1127 = tpu.memref_slice %arg9[%dma_wait3A_1125, %dma_wait3A_1126] : memref<128x64xf32, #tpu.memory_space<vmem>> -> memref<128x64xf32, #tpu.memory_space<vmem>>
      tpu.wait_dma2 semaphore(%run_scoped3A_1107 : memref<!tpu.dma_semaphore, #tpu.memory_space<semaphore_mem>>) src(%dma_wait3A_1127 : memref<128x64xf32, #tpu.memory_space<vmem>>) dst(%dma_wait3A_1124 : memref<128x64xf32, #tpu.memory_space<vmem_shared>>)
      tpu.yield
    }) : () -> ()
    %add3A_483 = arith.constant 384 : i32
    %add3A_484 = arith.addi %mul3A_8, %add3A_483 : i32
    %add3A_485 = arith.constant 0 : i32
    %add3A_486 = arith.addi %add3A_484, %add3A_485 : i32
    %add3A_487 = vector.broadcast %add3A_486 : i32 to vector<16xi32>
    %add3A_488 = arith.addi %add3A_487, %iota3A : vector<16xi32>
    %add3A_489 = arith.constant 625 : i32
    %add3A_490 = arith.addi %mul3A_8, %add3A_489 : i32
    %sub3A_491 = arith.constant 1 : i32
    %sub3A_492 = arith.subi %add3A_490, %sub3A_491 : i32
    %min3A_493 = vector.broadcast %sub3A_492 : i32 to vector<16xi32>
    %min3A_494 = arith.minsi %add3A_488, %min3A_493 : vector<16xi32>
    %mul3A_495 = arith.constant 2 : i32
    %mul3A_496 = vector.broadcast %mul3A_495 : i32 to vector<16xi32>
    %mul3A_497 = arith.muli %min3A_494, %mul3A_496 : vector<16xi32>
    %add3A_498 = vector.broadcast %arg0 : i32 to vector<16xi32>
    %add3A_499 = arith.addi %mul3A_497, %add3A_498 : vector<16xi32>
    %swap3A_500 = arith.constant 0 : index
    %swap3A_501 = tpu.vector_load %arg13[%swap3A_500] {strides = array<i32>} : memref<128xi32, #tpu.memory_space<vmem>>, vector<16xi32>,
    tpu.vector_store %arg13[%swap3A_500], %add3A_499 {strides = array<i32>} : memref<128xi32, #tpu.memory_space<vmem>>, vector<16xi32>,
    %add3A_502 = arith.constant 384 : i32
    %add3A_503 = arith.addi %mul3A_8, %add3A_502 : i32
    %add3A_504 = arith.constant 16 : i32
    %add3A_505 = arith.addi %add3A_503, %add3A_504 : i32
    %add3A_506 = vector.broadcast %add3A_505 : i32 to vector<16xi32>
    %add3A_507 = arith.addi %add3A_506, %iota3A : vector<16xi32>
    %add3A_508 = arith.constant 625 : i32
    %add3A_509 = arith.addi %mul3A_8, %add3A_508 : i32
    %sub3A_510 = arith.constant 1 : i32
    %sub3A_511 = arith.subi %add3A_509, %sub3A_510 : i32
    %min3A_512 = vector.broadcast %sub3A_511 : i32 to vector<16xi32>
    %min3A_513 = arith.minsi %add3A_507, %min3A_512 : vector<16xi32>
    %mul3A_514 = arith.constant 2 : i32
    %mul3A_515 = vector.broadcast %mul3A_514 : i32 to vector<16xi32>
    %mul3A_516 = arith.muli %min3A_513, %mul3A_515 : vector<16xi32>
    %add3A_517 = vector.broadcast %arg0 : i32 to vector<16xi32>
    %add3A_518 = arith.addi %mul3A_516, %add3A_517 : vector<16xi32>
    %swap3A_519 = arith.constant 16 : index
    %swap3A_520 = tpu.vector_load %arg13[%swap3A_519] {strides = array<i32>} : memref<128xi32, #tpu.memory_space<vmem>>, vector<16xi32>,
    tpu.vector_store %arg13[%swap3A_519], %add3A_518 {strides = array<i32>} : memref<128xi32, #tpu.memory_space<vmem>>, vector<16xi32>,
    %add3A_521 = arith.constant 384 : i32
    %add3A_522 = arith.addi %mul3A_8, %add3A_521 : i32
    %add3A_523 = arith.constant 32 : i32
    %add3A_524 = arith.addi %add3A_522, %add3A_523 : i32
    %add3A_525 = vector.broadcast %add3A_524 : i32 to vector<16xi32>
    %add3A_526 = arith.addi %add3A_525, %iota3A : vector<16xi32>
    %add3A_527 = arith.constant 625 : i32
    %add3A_528 = arith.addi %mul3A_8, %add3A_527 : i32
    %sub3A_529 = arith.constant 1 : i32
    %sub3A_530 = arith.subi %add3A_528, %sub3A_529 : i32
    %min3A_531 = vector.broadcast %sub3A_530 : i32 to vector<16xi32>
    %min3A_532 = arith.minsi %add3A_526, %min3A_531 : vector<16xi32>
    %mul3A_533 = arith.constant 2 : i32
    %mul3A_534 = vector.broadcast %mul3A_533 : i32 to vector<16xi32>
    %mul3A_535 = arith.muli %min3A_532, %mul3A_534 : vector<16xi32>
    %add3A_536 = vector.broadcast %arg0 : i32 to vector<16xi32>
    %add3A_537 = arith.addi %mul3A_535, %add3A_536 : vector<16xi32>
    %swap3A_538 = arith.constant 32 : index
    %swap3A_539 = tpu.vector_load %arg13[%swap3A_538] {strides = array<i32>} : memref<128xi32, #tpu.memory_space<vmem>>, vector<16xi32>,
    tpu.vector_store %arg13[%swap3A_538], %add3A_537 {strides = array<i32>} : memref<128xi32, #tpu.memory_space<vmem>>, vector<16xi32>,
    %add3A_540 = arith.constant 384 : i32
    %add3A_541 = arith.addi %mul3A_8, %add3A_540 : i32
    %add3A_542 = arith.constant 48 : i32
    %add3A_543 = arith.addi %add3A_541, %add3A_542 : i32
    %add3A_544 = vector.broadcast %add3A_543 : i32 to vector<16xi32>
    %add3A_545 = arith.addi %add3A_544, %iota3A : vector<16xi32>
    %add3A_546 = arith.constant 625 : i32
    %add3A_547 = arith.addi %mul3A_8, %add3A_546 : i32
    %sub3A_548 = arith.constant 1 : i32
    %sub3A_549 = arith.subi %add3A_547, %sub3A_548 : i32
    %min3A_550 = vector.broadcast %sub3A_549 : i32 to vector<16xi32>
    %min3A_551 = arith.minsi %add3A_545, %min3A_550 : vector<16xi32>
    %mul3A_552 = arith.constant 2 : i32
    %mul3A_553 = vector.broadcast %mul3A_552 : i32 to vector<16xi32>
    %mul3A_554 = arith.muli %min3A_551, %mul3A_553 : vector<16xi32>
    %add3A_555 = vector.broadcast %arg0 : i32 to vector<16xi32>
    %add3A_556 = arith.addi %mul3A_554, %add3A_555 : vector<16xi32>
    %swap3A_557 = arith.constant 48 : index
    %swap3A_558 = tpu.vector_load %arg13[%swap3A_557] {strides = array<i32>} : memref<128xi32, #tpu.memory_space<vmem>>, vector<16xi32>,
    tpu.vector_store %arg13[%swap3A_557], %add3A_556 {strides = array<i32>} : memref<128xi32, #tpu.memory_space<vmem>>, vector<16xi32>,
    %add3A_559 = arith.constant 384 : i32
    %add3A_560 = arith.addi %mul3A_8, %add3A_559 : i32
    %add3A_561 = arith.constant 64 : i32
    %add3A_562 = arith.addi %add3A_560, %add3A_561 : i32
    %add3A_563 = vector.broadcast %add3A_562 : i32 to vector<16xi32>
    %add3A_564 = arith.addi %add3A_563, %iota3A : vector<16xi32>
    %add3A_565 = arith.constant 625 : i32
    %add3A_566 = arith.addi %mul3A_8, %add3A_565 : i32
    %sub3A_567 = arith.constant 1 : i32
    %sub3A_568 = arith.subi %add3A_566, %sub3A_567 : i32
    %min3A_569 = vector.broadcast %sub3A_568 : i32 to vector<16xi32>
    %min3A_570 = arith.minsi %add3A_564, %min3A_569 : vector<16xi32>
    %mul3A_571 = arith.constant 2 : i32
    %mul3A_572 = vector.broadcast %mul3A_571 : i32 to vector<16xi32>
    %mul3A_573 = arith.muli %min3A_570, %mul3A_572 : vector<16xi32>
    %add3A_574 = vector.broadcast %arg0 : i32 to vector<16xi32>
    %add3A_575 = arith.addi %mul3A_573, %add3A_574 : vector<16xi32>
    %swap3A_576 = arith.constant 64 : index
    %swap3A_577 = tpu.vector_load %arg13[%swap3A_576] {strides = array<i32>} : memref<128xi32, #tpu.memory_space<vmem>>, vector<16xi32>,
    tpu.vector_store %arg13[%swap3A_576], %add3A_575 {strides = array<i32>} : memref<128xi32, #tpu.memory_space<vmem>>, vector<16xi32>,
    %add3A_578 = arith.constant 384 : i32
    %add3A_579 = arith.addi %mul3A_8, %add3A_578 : i32
    %add3A_580 = arith.constant 80 : i32
    %add3A_581 = arith.addi %add3A_579, %add3A_580 : i32
    %add3A_582 = vector.broadcast %add3A_581 : i32 to vector<16xi32>
    %add3A_583 = arith.addi %add3A_582, %iota3A : vector<16xi32>
    %add3A_584 = arith.constant 625 : i32
    %add3A_585 = arith.addi %mul3A_8, %add3A_584 : i32
    %sub3A_586 = arith.constant 1 : i32
    %sub3A_587 = arith.subi %add3A_585, %sub3A_586 : i32
    %min3A_588 = vector.broadcast %sub3A_587 : i32 to vector<16xi32>
    %min3A_589 = arith.minsi %add3A_583, %min3A_588 : vector<16xi32>
    %mul3A_590 = arith.constant 2 : i32
    %mul3A_591 = vector.broadcast %mul3A_590 : i32 to vector<16xi32>
    %mul3A_592 = arith.muli %min3A_589, %mul3A_591 : vector<16xi32>
    %add3A_593 = vector.broadcast %arg0 : i32 to vector<16xi32>
    %add3A_594 = arith.addi %mul3A_592, %add3A_593 : vector<16xi32>
    %swap3A_595 = arith.constant 80 : index
    %swap3A_596 = tpu.vector_load %arg13[%swap3A_595] {strides = array<i32>} : memref<128xi32, #tpu.memory_space<vmem>>, vector<16xi32>,
    tpu.vector_store %arg13[%swap3A_595], %add3A_594 {strides = array<i32>} : memref<128xi32, #tpu.memory_space<vmem>>, vector<16xi32>,
    %add3A_597 = arith.constant 384 : i32
    %add3A_598 = arith.addi %mul3A_8, %add3A_597 : i32
    %add3A_599 = arith.constant 96 : i32
    %add3A_600 = arith.addi %add3A_598, %add3A_599 : i32
    %add3A_601 = vector.broadcast %add3A_600 : i32 to vector<16xi32>
    %add3A_602 = arith.addi %add3A_601, %iota3A : vector<16xi32>
    %add3A_603 = arith.constant 625 : i32
    %add3A_604 = arith.addi %mul3A_8, %add3A_603 : i32
    %sub3A_605 = arith.constant 1 : i32
    %sub3A_606 = arith.subi %add3A_604, %sub3A_605 : i32
    %min3A_607 = vector.broadcast %sub3A_606 : i32 to vector<16xi32>
    %min3A_608 = arith.minsi %add3A_602, %min3A_607 : vector<16xi32>
    %mul3A_609 = arith.constant 2 : i32
    %mul3A_610 = vector.broadcast %mul3A_609 : i32 to vector<16xi32>
    %mul3A_611 = arith.muli %min3A_608, %mul3A_610 : vector<16xi32>
    %add3A_612 = vector.broadcast %arg0 : i32 to vector<16xi32>
    %add3A_613 = arith.addi %mul3A_611, %add3A_612 : vector<16xi32>
    %swap3A_614 = arith.constant 96 : index
    %swap3A_615 = tpu.vector_load %arg13[%swap3A_614] {strides = array<i32>} : memref<128xi32, #tpu.memory_space<vmem>>, vector<16xi32>,
    tpu.vector_store %arg13[%swap3A_614], %add3A_613 {strides = array<i32>} : memref<128xi32, #tpu.memory_space<vmem>>, vector<16xi32>,
    %add3A_616 = arith.constant 384 : i32
    %add3A_617 = arith.addi %mul3A_8, %add3A_616 : i32
    %add3A_618 = arith.constant 112 : i32
    %add3A_619 = arith.addi %add3A_617, %add3A_618 : i32
    %add3A_620 = vector.broadcast %add3A_619 : i32 to vector<16xi32>
    %add3A_621 = arith.addi %add3A_620, %iota3A : vector<16xi32>
    %add3A_622 = arith.constant 625 : i32
    %add3A_623 = arith.addi %mul3A_8, %add3A_622 : i32
    %sub3A_624 = arith.constant 1 : i32
    %sub3A_625 = arith.subi %add3A_623, %sub3A_624 : i32
    %min3A_626 = vector.broadcast %sub3A_625 : i32 to vector<16xi32>
    %min3A_627 = arith.minsi %add3A_621, %min3A_626 : vector<16xi32>
    %mul3A_628 = arith.constant 2 : i32
    %mul3A_629 = vector.broadcast %mul3A_628 : i32 to vector<16xi32>
    %mul3A_630 = arith.muli %min3A_627, %mul3A_629 : vector<16xi32>
    %add3A_631 = vector.broadcast %arg0 : i32 to vector<16xi32>
    %add3A_632 = arith.addi %mul3A_630, %add3A_631 : vector<16xi32>
    %swap3A_633 = arith.constant 112 : index
    %swap3A_634 = tpu.vector_load %arg13[%swap3A_633] {strides = array<i32>} : memref<128xi32, #tpu.memory_space<vmem>>, vector<16xi32>,
    tpu.vector_store %arg13[%swap3A_633], %add3A_632 {strides = array<i32>} : memref<128xi32, #tpu.memory_space<vmem>>, vector<16xi32>,
    %dma_start3A_635 = arith.constant 0 : i32
    %dma_start3A_636 = arith.constant 0 : i32
    %dma_start3A_637 = tpu.memref_slice %arg2[%dma_start3A_635, %dma_start3A_636] : memref<20000x64xf32, #tpu.memory_space<hbm>> -> memref<20000x64xf32, #tpu.memory_space<hbm>>
    tpu.enqueue_indirect_dma source(%dma_start3A_637 : memref<20000x64xf32, #tpu.memory_space<hbm>>) target(%arg10 : memref<128x64xf32, #tpu.memory_space<vmem>>) offsets(%arg13 : memref<128xi32, #tpu.memory_space<vmem>>) semaphore(%arg17 : memref<!tpu.dma_semaphore, #tpu.memory_space<semaphore_mem>>)
    %dma_wait3A_638 = arith.constant 0 : i32
    %dma_wait3A_639 = arith.constant 0 : i32
    %dma_wait3A_640 = tpu.memref_slice %arg2[%dma_wait3A_638, %dma_wait3A_639] : memref<20000x64xf32, #tpu.memory_space<hbm>> -> memref<20000x64xf32, #tpu.memory_space<hbm>>
    tpu.wait_indirect_dma semaphore(%arg17 : memref<!tpu.dma_semaphore, #tpu.memory_space<semaphore_mem>>) src(%dma_wait3A_640 : memref<20000x64xf32, #tpu.memory_space<hbm>>) dst(%arg10 : memref<128x64xf32, #tpu.memory_space<vmem>>)
    %add3A_641 = arith.constant 384 : i32
    %add3A_642 = arith.addi %mul3A_8, %add3A_641 : i32
    "tpu.region"() ({
      %run_scoped3A_1107 = tpu.sem_alloc : memref<!tpu.dma_semaphore, #tpu.memory_space<semaphore_mem>>
      %dma_start3A_1108 = arith.constant 0 : i32
      %dma_start3A_1109 = arith.constant 0 : i32
      %dma_start3A_1110 = tpu.memref_slice %arg10[%dma_start3A_1108, %dma_start3A_1109] : memref<128x64xf32, #tpu.memory_space<vmem>> -> memref<128x64xf32, #tpu.memory_space<vmem>>
      %dma_start3A_1111 = arith.constant 0 : i32
      %dma_start3A_1112 = tpu.memref_slice %arg15[%add3A_642, %dma_start3A_1111] : memref<10000x64xf32, #tpu.memory_space<vmem_shared>> -> memref<128x64xf32, #tpu.memory_space<vmem_shared>>
      %dma_start3A_1113 = arith.constant 0 : i32
      %dma_start3A_1114 = tpu.memref_slice %arg15[%add3A_642, %dma_start3A_1113] : memref<10000x64xf32, #tpu.memory_space<vmem_shared>> -> memref<128x64xf32, #tpu.memory_space<vmem_shared>>
      %dma_start3A_1115 = arith.constant 0 : i32
      %dma_start3A_1116 = arith.constant 0 : i32
      %dma_start3A_1117 = tpu.memref_slice %arg10[%dma_start3A_1115, %dma_start3A_1116] : memref<128x64xf32, #tpu.memory_space<vmem>> -> memref<128x64xf32, #tpu.memory_space<vmem>>
      tpu.enqueue_dma source(%dma_start3A_1117 : memref<128x64xf32, #tpu.memory_space<vmem>>) target(%dma_start3A_1114 : memref<128x64xf32, #tpu.memory_space<vmem_shared>>) target_semaphore(%run_scoped3A_1107 : memref<!tpu.dma_semaphore, #tpu.memory_space<semaphore_mem>>)
      %dma_wait3A_1118 = arith.constant 0 : i32
      %dma_wait3A_1119 = arith.constant 0 : i32
      %dma_wait3A_1120 = tpu.memref_slice %arg10[%dma_wait3A_1118, %dma_wait3A_1119] : memref<128x64xf32, #tpu.memory_space<vmem>> -> memref<128x64xf32, #tpu.memory_space<vmem>>
      %dma_wait3A_1121 = arith.constant 0 : i32
      %dma_wait3A_1122 = tpu.memref_slice %arg15[%add3A_642, %dma_wait3A_1121] : memref<10000x64xf32, #tpu.memory_space<vmem_shared>> -> memref<128x64xf32, #tpu.memory_space<vmem_shared>>
      %dma_wait3A_1123 = arith.constant 0 : i32
      %dma_wait3A_1124 = tpu.memref_slice %arg15[%add3A_642, %dma_wait3A_1123] : memref<10000x64xf32, #tpu.memory_space<vmem_shared>> -> memref<128x64xf32, #tpu.memory_space<vmem_shared>>
      %dma_wait3A_1125 = arith.constant 0 : i32
      %dma_wait3A_1126 = arith.constant 0 : i32
      %dma_wait3A_1127 = tpu.memref_slice %arg10[%dma_wait3A_1125, %dma_wait3A_1126] : memref<128x64xf32, #tpu.memory_space<vmem>> -> memref<128x64xf32, #tpu.memory_space<vmem>>
      tpu.wait_dma2 semaphore(%run_scoped3A_1107 : memref<!tpu.dma_semaphore, #tpu.memory_space<semaphore_mem>>) src(%dma_wait3A_1127 : memref<128x64xf32, #tpu.memory_space<vmem>>) dst(%dma_wait3A_1124 : memref<128x64xf32, #tpu.memory_space<vmem_shared>>)
      tpu.yield
    }) : () -> ()
    %add3A_643 = arith.constant 512 : i32
    %add3A_644 = arith.addi %mul3A_8, %add3A_643 : i32
    %add3A_645 = arith.constant 0 : i32
    %add3A_646 = arith.addi %add3A_644, %add3A_645 : i32
    %add3A_647 = vector.broadcast %add3A_646 : i32 to vector<16xi32>
    %add3A_648 = arith.addi %add3A_647, %iota3A : vector<16xi32>
    %add3A_649 = arith.constant 625 : i32
    %add3A_650 = arith.addi %mul3A_8, %add3A_649 : i32
    %sub3A_651 = arith.constant 1 : i32
    %sub3A_652 = arith.subi %add3A_650, %sub3A_651 : i32
    %min3A_653 = vector.broadcast %sub3A_652 : i32 to vector<16xi32>
    %min3A_654 = arith.minsi %add3A_648, %min3A_653 : vector<16xi32>
    %mul3A_655 = arith.constant 2 : i32
    %mul3A_656 = vector.broadcast %mul3A_655 : i32 to vector<16xi32>
    %mul3A_657 = arith.muli %min3A_654, %mul3A_656 : vector<16xi32>
    %add3A_658 = vector.broadcast %arg0 : i32 to vector<16xi32>
    %add3A_659 = arith.addi %mul3A_657, %add3A_658 : vector<16xi32>
    %swap3A_660 = arith.constant 0 : index
    %swap3A_661 = tpu.vector_load %arg13[%swap3A_660] {strides = array<i32>} : memref<128xi32, #tpu.memory_space<vmem>>, vector<16xi32>,
    tpu.vector_store %arg13[%swap3A_660], %add3A_659 {strides = array<i32>} : memref<128xi32, #tpu.memory_space<vmem>>, vector<16xi32>,
    %add3A_662 = arith.constant 512 : i32
    %add3A_663 = arith.addi %mul3A_8, %add3A_662 : i32
    %add3A_664 = arith.constant 16 : i32
    %add3A_665 = arith.addi %add3A_663, %add3A_664 : i32
    %add3A_666 = vector.broadcast %add3A_665 : i32 to vector<16xi32>
    %add3A_667 = arith.addi %add3A_666, %iota3A : vector<16xi32>
    %add3A_668 = arith.constant 625 : i32
    %add3A_669 = arith.addi %mul3A_8, %add3A_668 : i32
    %sub3A_670 = arith.constant 1 : i32
    %sub3A_671 = arith.subi %add3A_669, %sub3A_670 : i32
    %min3A_672 = vector.broadcast %sub3A_671 : i32 to vector<16xi32>
    %min3A_673 = arith.minsi %add3A_667, %min3A_672 : vector<16xi32>
    %mul3A_674 = arith.constant 2 : i32
    %mul3A_675 = vector.broadcast %mul3A_674 : i32 to vector<16xi32>
    %mul3A_676 = arith.muli %min3A_673, %mul3A_675 : vector<16xi32>
    %add3A_677 = vector.broadcast %arg0 : i32 to vector<16xi32>
    %add3A_678 = arith.addi %mul3A_676, %add3A_677 : vector<16xi32>
    %swap3A_679 = arith.constant 16 : index
    %swap3A_680 = tpu.vector_load %arg13[%swap3A_679] {strides = array<i32>} : memref<128xi32, #tpu.memory_space<vmem>>, vector<16xi32>,
    tpu.vector_store %arg13[%swap3A_679], %add3A_678 {strides = array<i32>} : memref<128xi32, #tpu.memory_space<vmem>>, vector<16xi32>,
    %add3A_681 = arith.constant 512 : i32
    %add3A_682 = arith.addi %mul3A_8, %add3A_681 : i32
    %add3A_683 = arith.constant 32 : i32
    %add3A_684 = arith.addi %add3A_682, %add3A_683 : i32
    %add3A_685 = vector.broadcast %add3A_684 : i32 to vector<16xi32>
    %add3A_686 = arith.addi %add3A_685, %iota3A : vector<16xi32>
    %add3A_687 = arith.constant 625 : i32
    %add3A_688 = arith.addi %mul3A_8, %add3A_687 : i32
    %sub3A_689 = arith.constant 1 : i32
    %sub3A_690 = arith.subi %add3A_688, %sub3A_689 : i32
    %min3A_691 = vector.broadcast %sub3A_690 : i32 to vector<16xi32>
    %min3A_692 = arith.minsi %add3A_686, %min3A_691 : vector<16xi32>
    %mul3A_693 = arith.constant 2 : i32
    %mul3A_694 = vector.broadcast %mul3A_693 : i32 to vector<16xi32>
    %mul3A_695 = arith.muli %min3A_692, %mul3A_694 : vector<16xi32>
    %add3A_696 = vector.broadcast %arg0 : i32 to vector<16xi32>
    %add3A_697 = arith.addi %mul3A_695, %add3A_696 : vector<16xi32>
    %swap3A_698 = arith.constant 32 : index
    %swap3A_699 = tpu.vector_load %arg13[%swap3A_698] {strides = array<i32>} : memref<128xi32, #tpu.memory_space<vmem>>, vector<16xi32>,
    tpu.vector_store %arg13[%swap3A_698], %add3A_697 {strides = array<i32>} : memref<128xi32, #tpu.memory_space<vmem>>, vector<16xi32>,
    %add3A_700 = arith.constant 512 : i32
    %add3A_701 = arith.addi %mul3A_8, %add3A_700 : i32
    %add3A_702 = arith.constant 48 : i32
    %add3A_703 = arith.addi %add3A_701, %add3A_702 : i32
    %add3A_704 = vector.broadcast %add3A_703 : i32 to vector<16xi32>
    %add3A_705 = arith.addi %add3A_704, %iota3A : vector<16xi32>
    %add3A_706 = arith.constant 625 : i32
    %add3A_707 = arith.addi %mul3A_8, %add3A_706 : i32
    %sub3A_708 = arith.constant 1 : i32
    %sub3A_709 = arith.subi %add3A_707, %sub3A_708 : i32
    %min3A_710 = vector.broadcast %sub3A_709 : i32 to vector<16xi32>
    %min3A_711 = arith.minsi %add3A_705, %min3A_710 : vector<16xi32>
    %mul3A_712 = arith.constant 2 : i32
    %mul3A_713 = vector.broadcast %mul3A_712 : i32 to vector<16xi32>
    %mul3A_714 = arith.muli %min3A_711, %mul3A_713 : vector<16xi32>
    %add3A_715 = vector.broadcast %arg0 : i32 to vector<16xi32>
    %add3A_716 = arith.addi %mul3A_714, %add3A_715 : vector<16xi32>
    %swap3A_717 = arith.constant 48 : index
    %swap3A_718 = tpu.vector_load %arg13[%swap3A_717] {strides = array<i32>} : memref<128xi32, #tpu.memory_space<vmem>>, vector<16xi32>,
    tpu.vector_store %arg13[%swap3A_717], %add3A_716 {strides = array<i32>} : memref<128xi32, #tpu.memory_space<vmem>>, vector<16xi32>,
    %add3A_719 = arith.constant 512 : i32
    %add3A_720 = arith.addi %mul3A_8, %add3A_719 : i32
    %add3A_721 = arith.constant 64 : i32
    %add3A_722 = arith.addi %add3A_720, %add3A_721 : i32
    %add3A_723 = vector.broadcast %add3A_722 : i32 to vector<16xi32>
    %add3A_724 = arith.addi %add3A_723, %iota3A : vector<16xi32>
    %add3A_725 = arith.constant 625 : i32
    %add3A_726 = arith.addi %mul3A_8, %add3A_725 : i32
    %sub3A_727 = arith.constant 1 : i32
    %sub3A_728 = arith.subi %add3A_726, %sub3A_727 : i32
    %min3A_729 = vector.broadcast %sub3A_728 : i32 to vector<16xi32>
    %min3A_730 = arith.minsi %add3A_724, %min3A_729 : vector<16xi32>
    %mul3A_731 = arith.constant 2 : i32
    %mul3A_732 = vector.broadcast %mul3A_731 : i32 to vector<16xi32>
    %mul3A_733 = arith.muli %min3A_730, %mul3A_732 : vector<16xi32>
    %add3A_734 = vector.broadcast %arg0 : i32 to vector<16xi32>
    %add3A_735 = arith.addi %mul3A_733, %add3A_734 : vector<16xi32>
    %swap3A_736 = arith.constant 64 : index
    %swap3A_737 = tpu.vector_load %arg13[%swap3A_736] {strides = array<i32>} : memref<128xi32, #tpu.memory_space<vmem>>, vector<16xi32>,
    tpu.vector_store %arg13[%swap3A_736], %add3A_735 {strides = array<i32>} : memref<128xi32, #tpu.memory_space<vmem>>, vector<16xi32>,
    %add3A_738 = arith.constant 512 : i32
    %add3A_739 = arith.addi %mul3A_8, %add3A_738 : i32
    %add3A_740 = arith.constant 80 : i32
    %add3A_741 = arith.addi %add3A_739, %add3A_740 : i32
    %add3A_742 = vector.broadcast %add3A_741 : i32 to vector<16xi32>
    %add3A_743 = arith.addi %add3A_742, %iota3A : vector<16xi32>
    %add3A_744 = arith.constant 625 : i32
    %add3A_745 = arith.addi %mul3A_8, %add3A_744 : i32
    %sub3A_746 = arith.constant 1 : i32
    %sub3A_747 = arith.subi %add3A_745, %sub3A_746 : i32
    %min3A_748 = vector.broadcast %sub3A_747 : i32 to vector<16xi32>
    %min3A_749 = arith.minsi %add3A_743, %min3A_748 : vector<16xi32>
    %mul3A_750 = arith.constant 2 : i32
    %mul3A_751 = vector.broadcast %mul3A_750 : i32 to vector<16xi32>
    %mul3A_752 = arith.muli %min3A_749, %mul3A_751 : vector<16xi32>
    %add3A_753 = vector.broadcast %arg0 : i32 to vector<16xi32>
    %add3A_754 = arith.addi %mul3A_752, %add3A_753 : vector<16xi32>
    %swap3A_755 = arith.constant 80 : index
    %swap3A_756 = tpu.vector_load %arg13[%swap3A_755] {strides = array<i32>} : memref<128xi32, #tpu.memory_space<vmem>>, vector<16xi32>,
    tpu.vector_store %arg13[%swap3A_755], %add3A_754 {strides = array<i32>} : memref<128xi32, #tpu.memory_space<vmem>>, vector<16xi32>,
    %add3A_757 = arith.constant 512 : i32
    %add3A_758 = arith.addi %mul3A_8, %add3A_757 : i32
    %add3A_759 = arith.constant 96 : i32
    %add3A_760 = arith.addi %add3A_758, %add3A_759 : i32
    %add3A_761 = vector.broadcast %add3A_760 : i32 to vector<16xi32>
    %add3A_762 = arith.addi %add3A_761, %iota3A : vector<16xi32>
    %add3A_763 = arith.constant 625 : i32
    %add3A_764 = arith.addi %mul3A_8, %add3A_763 : i32
    %sub3A_765 = arith.constant 1 : i32
    %sub3A_766 = arith.subi %add3A_764, %sub3A_765 : i32
    %min3A_767 = vector.broadcast %sub3A_766 : i32 to vector<16xi32>
    %min3A_768 = arith.minsi %add3A_762, %min3A_767 : vector<16xi32>
    %mul3A_769 = arith.constant 2 : i32
    %mul3A_770 = vector.broadcast %mul3A_769 : i32 to vector<16xi32>
    %mul3A_771 = arith.muli %min3A_768, %mul3A_770 : vector<16xi32>
    %add3A_772 = vector.broadcast %arg0 : i32 to vector<16xi32>
    %add3A_773 = arith.addi %mul3A_771, %add3A_772 : vector<16xi32>
    %swap3A_774 = arith.constant 96 : index
    %swap3A_775 = tpu.vector_load %arg13[%swap3A_774] {strides = array<i32>} : memref<128xi32, #tpu.memory_space<vmem>>, vector<16xi32>,
    tpu.vector_store %arg13[%swap3A_774], %add3A_773 {strides = array<i32>} : memref<128xi32, #tpu.memory_space<vmem>>, vector<16xi32>,
    %add3A_776 = arith.constant 512 : i32
    %add3A_777 = arith.addi %mul3A_8, %add3A_776 : i32
    %add3A_778 = arith.constant 112 : i32
    %add3A_779 = arith.addi %add3A_777, %add3A_778 : i32
    %add3A_780 = vector.broadcast %add3A_779 : i32 to vector<16xi32>
    %add3A_781 = arith.addi %add3A_780, %iota3A : vector<16xi32>
    %add3A_782 = arith.constant 625 : i32
    %add3A_783 = arith.addi %mul3A_8, %add3A_782 : i32
    %sub3A_784 = arith.constant 1 : i32
    %sub3A_785 = arith.subi %add3A_783, %sub3A_784 : i32
    %min3A_786 = vector.broadcast %sub3A_785 : i32 to vector<16xi32>
    %min3A_787 = arith.minsi %add3A_781, %min3A_786 : vector<16xi32>
    %mul3A_788 = arith.constant 2 : i32
    %mul3A_789 = vector.broadcast %mul3A_788 : i32 to vector<16xi32>
    %mul3A_790 = arith.muli %min3A_787, %mul3A_789 : vector<16xi32>
    %add3A_791 = vector.broadcast %arg0 : i32 to vector<16xi32>
    %add3A_792 = arith.addi %mul3A_790, %add3A_791 : vector<16xi32>
    %swap3A_793 = arith.constant 112 : index
    %swap3A_794 = tpu.vector_load %arg13[%swap3A_793] {strides = array<i32>} : memref<128xi32, #tpu.memory_space<vmem>>, vector<16xi32>,
    tpu.vector_store %arg13[%swap3A_793], %add3A_792 {strides = array<i32>} : memref<128xi32, #tpu.memory_space<vmem>>, vector<16xi32>,
    %dma_start3A_795 = arith.constant 0 : i32
    %dma_start3A_796 = arith.constant 0 : i32
    %dma_start3A_797 = tpu.memref_slice %arg2[%dma_start3A_795, %dma_start3A_796] : memref<20000x64xf32, #tpu.memory_space<hbm>> -> memref<20000x64xf32, #tpu.memory_space<hbm>>
    tpu.enqueue_indirect_dma source(%dma_start3A_797 : memref<20000x64xf32, #tpu.memory_space<hbm>>) target(%arg9 : memref<128x64xf32, #tpu.memory_space<vmem>>) offsets(%arg13 : memref<128xi32, #tpu.memory_space<vmem>>) semaphore(%arg16 : memref<!tpu.dma_semaphore, #tpu.memory_space<semaphore_mem>>)
    %dma_wait3A_798 = arith.constant 0 : i32
    %dma_wait3A_799 = arith.constant 0 : i32
    %dma_wait3A_800 = tpu.memref_slice %arg2[%dma_wait3A_798, %dma_wait3A_799] : memref<20000x64xf32, #tpu.memory_space<hbm>> -> memref<20000x64xf32, #tpu.memory_space<hbm>>
    tpu.wait_indirect_dma semaphore(%arg16 : memref<!tpu.dma_semaphore, #tpu.memory_space<semaphore_mem>>) src(%dma_wait3A_800 : memref<20000x64xf32, #tpu.memory_space<hbm>>) dst(%arg9 : memref<128x64xf32, #tpu.memory_space<vmem>>)
    %add3A_801 = arith.constant 512 : i32
    %add3A_802 = arith.addi %mul3A_8, %add3A_801 : i32
    "tpu.region"() ({
      %run_scoped3A_1107 = tpu.sem_alloc : memref<!tpu.dma_semaphore, #tpu.memory_space<semaphore_mem>>
      %dma_start3A_1108 = arith.constant 0 : i32
      %dma_start3A_1109 = arith.constant 0 : i32
      %dma_start3A_1110 = tpu.memref_slice %arg9[%dma_start3A_1108, %dma_start3A_1109] : memref<128x64xf32, #tpu.memory_space<vmem>> -> memref<113x64xf32, #tpu.memory_space<vmem>>
      %dma_start3A_1111 = arith.constant 0 : i32
      %dma_start3A_1112 = tpu.memref_slice %arg15[%add3A_802, %dma_start3A_1111] : memref<10000x64xf32, #tpu.memory_space<vmem_shared>> -> memref<113x64xf32, #tpu.memory_space<vmem_shared>>
      %dma_start3A_1113 = arith.constant 0 : i32
      %dma_start3A_1114 = tpu.memref_slice %arg15[%add3A_802, %dma_start3A_1113] : memref<10000x64xf32, #tpu.memory_space<vmem_shared>> -> memref<113x64xf32, #tpu.memory_space<vmem_shared>>
      %dma_start3A_1115 = arith.constant 0 : i32
      %dma_start3A_1116 = arith.constant 0 : i32
      %dma_start3A_1117 = tpu.memref_slice %arg9[%dma_start3A_1115, %dma_start3A_1116] : memref<128x64xf32, #tpu.memory_space<vmem>> -> memref<113x64xf32, #tpu.memory_space<vmem>>
      tpu.enqueue_dma source(%dma_start3A_1117 : memref<113x64xf32, #tpu.memory_space<vmem>>) target(%dma_start3A_1114 : memref<113x64xf32, #tpu.memory_space<vmem_shared>>) target_semaphore(%run_scoped3A_1107 : memref<!tpu.dma_semaphore, #tpu.memory_space<semaphore_mem>>)
      %dma_wait3A_1118 = arith.constant 0 : i32
      %dma_wait3A_1119 = arith.constant 0 : i32
      %dma_wait3A_1120 = tpu.memref_slice %arg9[%dma_wait3A_1118, %dma_wait3A_1119] : memref<128x64xf32, #tpu.memory_space<vmem>> -> memref<113x64xf32, #tpu.memory_space<vmem>>
      %dma_wait3A_1121 = arith.constant 0 : i32
      %dma_wait3A_1122 = tpu.memref_slice %arg15[%add3A_802, %dma_wait3A_1121] : memref<10000x64xf32, #tpu.memory_space<vmem_shared>> -> memref<113x64xf32, #tpu.memory_space<vmem_shared>>
      %dma_wait3A_1123 = arith.constant 0 : i32
      %dma_wait3A_1124 = tpu.memref_slice %arg15[%add3A_802, %dma_wait3A_1123] : memref<10000x64xf32, #tpu.memory_space<vmem_shared>> -> memref<113x64xf32, #tpu.memory_space<vmem_shared>>
      %dma_wait3A_1125 = arith.constant 0 : i32
      %dma_wait3A_1126 = arith.constant 0 : i32
      %dma_wait3A_1127 = tpu.memref_slice %arg9[%dma_wait3A_1125, %dma_wait3A_1126] : memref<128x64xf32, #tpu.memory_space<vmem>> -> memref<113x64xf32, #tpu.memory_space<vmem>>
      tpu.wait_dma2 semaphore(%run_scoped3A_1107 : memref<!tpu.dma_semaphore, #tpu.memory_space<semaphore_mem>>) src(%dma_wait3A_1127 : memref<113x64xf32, #tpu.memory_space<vmem>>) dst(%dma_wait3A_1124 : memref<113x64xf32, #tpu.memory_space<vmem_shared>>)
      tpu.yield
    }) : () -> ()
    %barrier3A = arith.constant 0 : index
    tpu.barrier barrier_id(%barrier3A)
    %scan3A = arith.constant 0 : i32
    %scan3A_803 = arith.constant 0 : i32
    %scan3A_804 = arith.constant 312 : i32
    %scan3A_805 = arith.addi %scan3A_803, %scan3A_804 : i32
    %scan3A_806 = arith.constant 1 : i32
    %scan3A_807 = scf.for %scan3A_1107 = %scan3A_803 to %scan3A_805 step %scan3A_806 iter_args(%scan3A_1108 = %scan3A) -> (i32)  : i32 {
      %mul3A_1109 = arith.constant 4 : i32
      %mul3A_1110 = arith.muli %mul3A_1109, %scan3A_1107 : i32
      %mul3A_1111 = arith.constant 16 : i32
      %mul3A_1112 = arith.muli %mul3A_1110, %mul3A_1111 : i32
      %get3A_1113 = arith.index_cast %mul3A_1112 : i32 to index
      %get3A_1114 = tpu.vector_load %arg7[%get3A_1113] {strides = array<i32>} : memref<20784xi32, #tpu.memory_space<vmem>>, vector<16xi32>,
      %mul3A_1115 = arith.constant 16 : i32
      %mul3A_1116 = arith.muli %mul3A_1110, %mul3A_1115 : i32
      %get3A_1117 = arith.index_cast %mul3A_1116 : i32 to index
      %get3A_1118 = tpu.vector_load %arg8[%get3A_1117] {strides = array<i32>} : memref<20784xi32, #tpu.memory_space<vmem>>, vector<16xi32>,
      %sub3A_1119 = arith.subi %get3A_1118, %get3A_6 : vector<16xi32>
      %ge3A_1120 = arith.constant 0 : i32
      %ge3A_1121 = vector.broadcast %ge3A_1120 : i32 to vector<16xi32>
      %ge3A_1122 = arith.cmpi sge, %sub3A_1119, %ge3A_1121 : vector<16xi32>
      %lt3A_1123 = arith.constant 4096 : i32
      %lt3A_1124 = vector.broadcast %lt3A_1123 : i32 to vector<16xi32>
      %lt3A_1125 = arith.cmpi slt, %sub3A_1119, %lt3A_1124 : vector<16xi32>
      %and3A_1126 = arith.andi %ge3A_1122, %lt3A_1125 : vector<16xi1>
      %jit3A_1127 = arith.constant 4096 : i32
      %broadcast_in_dim3A_1128 = vector.broadcast %jit3A_1127 : i32 to vector<16xi32>
      %select_n3A_1129 = arith.select %and3A_1126, %sub3A_1119, %broadcast_in_dim3A_1128 : vector<16xi1>, vector<16xi32>
      %jit3A_1130 = arith.constant 0 : i32
      %jit3A_1131 = arith.constant 134217728 : i32
      %broadcast_in_dim3A_1132 = vector.broadcast %jit3A_1130 : i32 to vector<16xi32>
      %broadcast_in_dim3A_1133 = vector.broadcast %jit3A_1131 : i32 to vector<16xi32>
      %select_n3A_1134 = arith.select %and3A_1126, %broadcast_in_dim3A_1132, %broadcast_in_dim3A_1133 : vector<16xi1>, vector<16xi32>
      %shift_left3A_1135 = arith.constant 13 : i32
      %shift_left3A_1136 = vector.broadcast %shift_left3A_1135 : i32 to vector<16xi32>
      %shift_left3A_1137 = arith.shli %get3A_1114, %shift_left3A_1136 : vector<16xi32>
      %add3A_1138 = arith.addi %select_n3A_1134, %shift_left3A_1137 : vector<16xi32>
      %add3A_1139 = arith.addi %add3A_1138, %select_n3A_1129 : vector<16xi32>
      %sort3A_1140 = arith.constant dense<true> : vector<16xi1>
      %sort3A_1141, %sort3A_1142, %sort3A_1143 = tpu.sort %add3A_1139, %add3A_1139 masked %sort3A_1140 : (vector<16xi32>, vector<16xi32>, vector<16xi1>) -> (vector<16xi1>, vector<16xi32>, vector<16xi32>)
      %convert_element_type3A_1144 = arith.extui %and3A_1126 : vector<16xi1> to vector<16xi32>
      %reduce_sum3A_1145 = arith.constant true
      %reduce_sum3A_1146 = vector.broadcast %reduce_sum3A_1145 : i1 to vector<16xi1>
      %reduce_sum3A_1147 = tpu.scan <sum>, %convert_element_type3A_1144 masked %reduce_sum3A_1146 : vector<16xi32>, vector<16xi1> -> vector<16xi32>
      %reduce_sum3A_1148 = vector.extract %reduce_sum3A_1147[15] : i32 from vector<16xi32>
      %mul3A_1149 = arith.constant 4 : i32
      %mul3A_1150 = arith.muli %mul3A_1149, %scan3A_1107 : i32
      %add3A_1151 = arith.constant 1 : i32
      %add3A_1152 = arith.addi %mul3A_1150, %add3A_1151 : i32
      %mul3A_1153 = arith.constant 16 : i32
      %mul3A_1154 = arith.muli %add3A_1152, %mul3A_1153 : i32
      %get3A_1155 = arith.index_cast %mul3A_1154 : i32 to index
      %get3A_1156 = tpu.vector_load %arg7[%get3A_1155] {strides = array<i32>} : memref<20784xi32, #tpu.memory_space<vmem>>, vector<16xi32>,
      %mul3A_1157 = arith.constant 16 : i32
      %mul3A_1158 = arith.muli %add3A_1152, %mul3A_1157 : i32
      %get3A_1159 = arith.index_cast %mul3A_1158 : i32 to index
      %get3A_1160 = tpu.vector_load %arg8[%get3A_1159] {strides = array<i32>} : memref<20784xi32, #tpu.memory_space<vmem>>, vector<16xi32>,
      %sub3A_1161 = arith.subi %get3A_1160, %get3A_6 : vector<16xi32>
      %ge3A_1162 = arith.constant 0 : i32
      %ge3A_1163 = vector.broadcast %ge3A_1162 : i32 to vector<16xi32>
      %ge3A_1164 = arith.cmpi sge, %sub3A_1161, %ge3A_1163 : vector<16xi32>
      %lt3A_1165 = arith.constant 4096 : i32
      %lt3A_1166 = vector.broadcast %lt3A_1165 : i32 to vector<16xi32>
      %lt3A_1167 = arith.cmpi slt, %sub3A_1161, %lt3A_1166 : vector<16xi32>
      %and3A_1168 = arith.andi %ge3A_1164, %lt3A_1167 : vector<16xi1>
      %jit3A_1169 = arith.constant 4096 : i32
      %broadcast_in_dim3A_1170 = vector.broadcast %jit3A_1169 : i32 to vector<16xi32>
      %select_n3A_1171 = arith.select %and3A_1168, %sub3A_1161, %broadcast_in_dim3A_1170 : vector<16xi1>, vector<16xi32>
      %jit3A_1172 = arith.constant 0 : i32
      %jit3A_1173 = arith.constant 134217728 : i32
      %broadcast_in_dim3A_1174 = vector.broadcast %jit3A_1172 : i32 to vector<16xi32>
      %broadcast_in_dim3A_1175 = vector.broadcast %jit3A_1173 : i32 to vector<16xi32>
      %select_n3A_1176 = arith.select %and3A_1168, %broadcast_in_dim3A_1174, %broadcast_in_dim3A_1175 : vector<16xi1>, vector<16xi32>
      %shift_left3A_1177 = arith.constant 13 : i32
      %shift_left3A_1178 = vector.broadcast %shift_left3A_1177 : i32 to vector<16xi32>
      %shift_left3A_1179 = arith.shli %get3A_1156, %shift_left3A_1178 : vector<16xi32>
      %add3A_1180 = arith.addi %select_n3A_1176, %shift_left3A_1179 : vector<16xi32>
      %add3A_1181 = arith.addi %add3A_1180, %select_n3A_1171 : vector<16xi32>
      %sort3A_1182 = arith.constant dense<true> : vector<16xi1>
      %sort3A_1183, %sort3A_1184, %sort3A_1185 = tpu.sort %add3A_1181, %add3A_1181 masked %sort3A_1182 : (vector<16xi32>, vector<16xi32>, vector<16xi1>) -> (vector<16xi1>, vector<16xi32>, vector<16xi32>)
      %convert_element_type3A_1186 = arith.extui %and3A_1168 : vector<16xi1> to vector<16xi32>
      %reduce_sum3A_1187 = arith.constant true
      %reduce_sum3A_1188 = vector.broadcast %reduce_sum3A_1187 : i1 to vector<16xi1>
      %reduce_sum3A_1189 = tpu.scan <sum>, %convert_element_type3A_1186 masked %reduce_sum3A_1188 : vector<16xi32>, vector<16xi1> -> vector<16xi32>
      %reduce_sum3A_1190 = vector.extract %reduce_sum3A_1189[15] : i32 from vector<16xi32>
      %mul3A_1191 = arith.constant 4 : i32
      %mul3A_1192 = arith.muli %mul3A_1191, %scan3A_1107 : i32
      %add3A_1193 = arith.constant 2 : i32
      %add3A_1194 = arith.addi %mul3A_1192, %add3A_1193 : i32
      %mul3A_1195 = arith.constant 16 : i32
      %mul3A_1196 = arith.muli %add3A_1194, %mul3A_1195 : i32
      %get3A_1197 = arith.index_cast %mul3A_1196 : i32 to index
      %get3A_1198 = tpu.vector_load %arg7[%get3A_1197] {strides = array<i32>} : memref<20784xi32, #tpu.memory_space<vmem>>, vector<16xi32>,
      %mul3A_1199 = arith.constant 16 : i32
      %mul3A_1200 = arith.muli %add3A_1194, %mul3A_1199 : i32
      %get3A_1201 = arith.index_cast %mul3A_1200 : i32 to index
      %get3A_1202 = tpu.vector_load %arg8[%get3A_1201] {strides = array<i32>} : memref<20784xi32, #tpu.memory_space<vmem>>, vector<16xi32>,
      %sub3A_1203 = arith.subi %get3A_1202, %get3A_6 : vector<16xi32>
      %ge3A_1204 = arith.constant 0 : i32
      %ge3A_1205 = vector.broadcast %ge3A_1204 : i32 to vector<16xi32>
      %ge3A_1206 = arith.cmpi sge, %sub3A_1203, %ge3A_1205 : vector<16xi32>
      %lt3A_1207 = arith.constant 4096 : i32
      %lt3A_1208 = vector.broadcast %lt3A_1207 : i32 to vector<16xi32>
      %lt3A_1209 = arith.cmpi slt, %sub3A_1203, %lt3A_1208 : vector<16xi32>
      %and3A_1210 = arith.andi %ge3A_1206, %lt3A_1209 : vector<16xi1>
      %jit3A_1211 = arith.constant 4096 : i32
      %broadcast_in_dim3A_1212 = vector.broadcast %jit3A_1211 : i32 to vector<16xi32>
      %select_n3A_1213 = arith.select %and3A_1210, %sub3A_1203, %broadcast_in_dim3A_1212 : vector<16xi1>, vector<16xi32>
      %jit3A_1214 = arith.constant 0 : i32
      %jit3A_1215 = arith.constant 134217728 : i32
      %broadcast_in_dim3A_1216 = vector.broadcast %jit3A_1214 : i32 to vector<16xi32>
      %broadcast_in_dim3A_1217 = vector.broadcast %jit3A_1215 : i32 to vector<16xi32>
      %select_n3A_1218 = arith.select %and3A_1210, %broadcast_in_dim3A_1216, %broadcast_in_dim3A_1217 : vector<16xi1>, vector<16xi32>
      %shift_left3A_1219 = arith.constant 13 : i32
      %shift_left3A_1220 = vector.broadcast %shift_left3A_1219 : i32 to vector<16xi32>
      %shift_left3A_1221 = arith.shli %get3A_1198, %shift_left3A_1220 : vector<16xi32>
      %add3A_1222 = arith.addi %select_n3A_1218, %shift_left3A_1221 : vector<16xi32>
      %add3A_1223 = arith.addi %add3A_1222, %select_n3A_1213 : vector<16xi32>
      %sort3A_1224 = arith.constant dense<true> : vector<16xi1>
      %sort3A_1225, %sort3A_1226, %sort3A_1227 = tpu.sort %add3A_1223, %add3A_1223 masked %sort3A_1224 : (vector<16xi32>, vector<16xi32>, vector<16xi1>) -> (vector<16xi1>, vector<16xi32>, vector<16xi32>)
      %convert_element_type3A_1228 = arith.extui %and3A_1210 : vector<16xi1> to vector<16xi32>
      %reduce_sum3A_1229 = arith.constant true
      %reduce_sum3A_1230 = vector.broadcast %reduce_sum3A_1229 : i1 to vector<16xi1>
      %reduce_sum3A_1231 = tpu.scan <sum>, %convert_element_type3A_1228 masked %reduce_sum3A_1230 : vector<16xi32>, vector<16xi1> -> vector<16xi32>
      %reduce_sum3A_1232 = vector.extract %reduce_sum3A_1231[15] : i32 from vector<16xi32>
      %mul3A_1233 = arith.constant 4 : i32
      %mul3A_1234 = arith.muli %mul3A_1233, %scan3A_1107 : i32
      %add3A_1235 = arith.constant 3 : i32
      %add3A_1236 = arith.addi %mul3A_1234, %add3A_1235 : i32
      %mul3A_1237 = arith.constant 16 : i32
      %mul3A_1238 = arith.muli %add3A_1236, %mul3A_1237 : i32
      %get3A_1239 = arith.index_cast %mul3A_1238 : i32 to index
      %get3A_1240 = tpu.vector_load %arg7[%get3A_1239] {strides = array<i32>} : memref<20784xi32, #tpu.memory_space<vmem>>, vector<16xi32>,
      %mul3A_1241 = arith.constant 16 : i32
      %mul3A_1242 = arith.muli %add3A_1236, %mul3A_1241 : i32
      %get3A_1243 = arith.index_cast %mul3A_1242 : i32 to index
      %get3A_1244 = tpu.vector_load %arg8[%get3A_1243] {strides = array<i32>} : memref<20784xi32, #tpu.memory_space<vmem>>, vector<16xi32>,
      %sub3A_1245 = arith.subi %get3A_1244, %get3A_6 : vector<16xi32>
      %ge3A_1246 = arith.constant 0 : i32
      %ge3A_1247 = vector.broadcast %ge3A_1246 : i32 to vector<16xi32>
      %ge3A_1248 = arith.cmpi sge, %sub3A_1245, %ge3A_1247 : vector<16xi32>
      %lt3A_1249 = arith.constant 4096 : i32
      %lt3A_1250 = vector.broadcast %lt3A_1249 : i32 to vector<16xi32>
      %lt3A_1251 = arith.cmpi slt, %sub3A_1245, %lt3A_1250 : vector<16xi32>
      %and3A_1252 = arith.andi %ge3A_1248, %lt3A_1251 : vector<16xi1>
      %jit3A_1253 = arith.constant 4096 : i32
      %broadcast_in_dim3A_1254 = vector.broadcast %jit3A_1253 : i32 to vector<16xi32>
      %select_n3A_1255 = arith.select %and3A_1252, %sub3A_1245, %broadcast_in_dim3A_1254 : vector<16xi1>, vector<16xi32>
      %jit3A_1256 = arith.constant 0 : i32
      %jit3A_1257 = arith.constant 134217728 : i32
      %broadcast_in_dim3A_1258 = vector.broadcast %jit3A_1256 : i32 to vector<16xi32>
      %broadcast_in_dim3A_1259 = vector.broadcast %jit3A_1257 : i32 to vector<16xi32>
      %select_n3A_1260 = arith.select %and3A_1252, %broadcast_in_dim3A_1258, %broadcast_in_dim3A_1259 : vector<16xi1>, vector<16xi32>
      %shift_left3A_1261 = arith.constant 13 : i32
      %shift_left3A_1262 = vector.broadcast %shift_left3A_1261 : i32 to vector<16xi32>
      %shift_left3A_1263 = arith.shli %get3A_1240, %shift_left3A_1262 : vector<16xi32>
      %add3A_1264 = arith.addi %select_n3A_1260, %shift_left3A_1263 : vector<16xi32>
      %add3A_1265 = arith.addi %add3A_1264, %select_n3A_1255 : vector<16xi32>
      %sort3A_1266 = arith.constant dense<true> : vector<16xi1>
      %sort3A_1267, %sort3A_1268, %sort3A_1269 = tpu.sort %add3A_1265, %add3A_1265 masked %sort3A_1266 : (vector<16xi32>, vector<16xi32>, vector<16xi1>) -> (vector<16xi1>, vector<16xi32>, vector<16xi32>)
      %convert_element_type3A_1270 = arith.extui %and3A_1252 : vector<16xi1> to vector<16xi32>
      %reduce_sum3A_1271 = arith.constant true
      %reduce_sum3A_1272 = vector.broadcast %reduce_sum3A_1271 : i1 to vector<16xi1>
      %reduce_sum3A_1273 = tpu.scan <sum>, %convert_element_type3A_1270 masked %reduce_sum3A_1272 : vector<16xi32>, vector<16xi1> -> vector<16xi32>
      %reduce_sum3A_1274 = vector.extract %reduce_sum3A_1273[15] : i32 from vector<16xi32>
      %shift_right_arithmetic3A_1275 = arith.constant 13 : i32
      %shift_right_arithmetic3A_1276 = vector.broadcast %shift_right_arithmetic3A_1275 : i32 to vector<16xi32>
      %shift_right_arithmetic3A_1277 = arith.shrsi %sort3A_1142, %shift_right_arithmetic3A_1276 : vector<16xi32>
      %and3A_1278 = arith.constant 16383 : i32
      %and3A_1279 = vector.broadcast %and3A_1278 : i32 to vector<16xi32>
      %and3A_1280 = arith.andi %shift_right_arithmetic3A_1277, %and3A_1279 : vector<16xi32>
      %swap3A_1281 = arith.index_cast %scan3A_1108 : i32 to index
      %swap3A_1282 = tpu.vector_load %arg7[%swap3A_1281] {strides = array<i32>} : memref<20784xi32, #tpu.memory_space<vmem>>, vector<16xi32>,
      tpu.vector_store %arg7[%swap3A_1281], %and3A_1280 {strides = array<i32>} : memref<20784xi32, #tpu.memory_space<vmem>>, vector<16xi32>,
      %and3A_1283 = arith.constant 8191 : i32
      %and3A_1284 = vector.broadcast %and3A_1283 : i32 to vector<16xi32>
      %and3A_1285 = arith.andi %sort3A_1142, %and3A_1284 : vector<16xi32>
      %swap3A_1286 = arith.index_cast %scan3A_1108 : i32 to index
      %swap3A_1287 = tpu.vector_load %arg8[%swap3A_1286] {strides = array<i32>} : memref<20784xi32, #tpu.memory_space<vmem>>, vector<16xi32>,
      tpu.vector_store %arg8[%swap3A_1286], %and3A_1285 {strides = array<i32>} : memref<20784xi32, #tpu.memory_space<vmem>>, vector<16xi32>,
      %add3A_1288 = arith.addi %scan3A_1108, %reduce_sum3A_1148 : i32
      %shift_right_arithmetic3A_1289 = arith.constant 13 : i32
      %shift_right_arithmetic3A_1290 = vector.broadcast %shift_right_arithmetic3A_1289 : i32 to vector<16xi32>
      %shift_right_arithmetic3A_1291 = arith.shrsi %sort3A_1184, %shift_right_arithmetic3A_1290 : vector<16xi32>
      %and3A_1292 = arith.constant 16383 : i32
      %and3A_1293 = vector.broadcast %and3A_1292 : i32 to vector<16xi32>
      %and3A_1294 = arith.andi %shift_right_arithmetic3A_1291, %and3A_1293 : vector<16xi32>
      %swap3A_1295 = arith.index_cast %add3A_1288 : i32 to index
      %swap3A_1296 = tpu.vector_load %arg7[%swap3A_1295] {strides = array<i32>} : memref<20784xi32, #tpu.memory_space<vmem>>, vector<16xi32>,
      tpu.vector_store %arg7[%swap3A_1295], %and3A_1294 {strides = array<i32>} : memref<20784xi32, #tpu.memory_space<vmem>>, vector<16xi32>,
      %and3A_1297 = arith.constant 8191 : i32
      %and3A_1298 = vector.broadcast %and3A_1297 : i32 to vector<16xi32>
      %and3A_1299 = arith.andi %sort3A_1184, %and3A_1298 : vector<16xi32>
      %swap3A_1300 = arith.index_cast %add3A_1288 : i32 to index
      %swap3A_1301 = tpu.vector_load %arg8[%swap3A_1300] {strides = array<i32>} : memref<20784xi32, #tpu.memory_space<vmem>>, vector<16xi32>,
      tpu.vector_store %arg8[%swap3A_1300], %and3A_1299 {strides = array<i32>} : memref<20784xi32, #tpu.memory_space<vmem>>, vector<16xi32>,
      %add3A_1302 = arith.addi %add3A_1288, %reduce_sum3A_1190 : i32
      %shift_right_arithmetic3A_1303 = arith.constant 13 : i32
      %shift_right_arithmetic3A_1304 = vector.broadcast %shift_right_arithmetic3A_1303 : i32 to vector<16xi32>
      %shift_right_arithmetic3A_1305 = arith.shrsi %sort3A_1226, %shift_right_arithmetic3A_1304 : vector<16xi32>
      %and3A_1306 = arith.constant 16383 : i32
      %and3A_1307 = vector.broadcast %and3A_1306 : i32 to vector<16xi32>
      %and3A_1308 = arith.andi %shift_right_arithmetic3A_1305, %and3A_1307 : vector<16xi32>
      %swap3A_1309 = arith.index_cast %add3A_1302 : i32 to index
      %swap3A_1310 = tpu.vector_load %arg7[%swap3A_1309] {strides = array<i32>} : memref<20784xi32, #tpu.memory_space<vmem>>, vector<16xi32>,
      tpu.vector_store %arg7[%swap3A_1309], %and3A_1308 {strides = array<i32>} : memref<20784xi32, #tpu.memory_space<vmem>>, vector<16xi32>,
      %and3A_1311 = arith.constant 8191 : i32
      %and3A_1312 = vector.broadcast %and3A_1311 : i32 to vector<16xi32>
      %and3A_1313 = arith.andi %sort3A_1226, %and3A_1312 : vector<16xi32>
      %swap3A_1314 = arith.index_cast %add3A_1302 : i32 to index
      %swap3A_1315 = tpu.vector_load %arg8[%swap3A_1314] {strides = array<i32>} : memref<20784xi32, #tpu.memory_space<vmem>>, vector<16xi32>,
      tpu.vector_store %arg8[%swap3A_1314], %and3A_1313 {strides = array<i32>} : memref<20784xi32, #tpu.memory_space<vmem>>, vector<16xi32>,
      %add3A_1316 = arith.addi %add3A_1302, %reduce_sum3A_1232 : i32
      %shift_right_arithmetic3A_1317 = arith.constant 13 : i32
      %shift_right_arithmetic3A_1318 = vector.broadcast %shift_right_arithmetic3A_1317 : i32 to vector<16xi32>
      %shift_right_arithmetic3A_1319 = arith.shrsi %sort3A_1268, %shift_right_arithmetic3A_1318 : vector<16xi32>
      %and3A_1320 = arith.constant 16383 : i32
      %and3A_1321 = vector.broadcast %and3A_1320 : i32 to vector<16xi32>
      %and3A_1322 = arith.andi %shift_right_arithmetic3A_1319, %and3A_1321 : vector<16xi32>
      %swap3A_1323 = arith.index_cast %add3A_1316 : i32 to index
      %swap3A_1324 = tpu.vector_load %arg7[%swap3A_1323] {strides = array<i32>} : memref<20784xi32, #tpu.memory_space<vmem>>, vector<16xi32>,
      tpu.vector_store %arg7[%swap3A_1323], %and3A_1322 {strides = array<i32>} : memref<20784xi32, #tpu.memory_space<vmem>>, vector<16xi32>,
      %and3A_1325 = arith.constant 8191 : i32
      %and3A_1326 = vector.broadcast %and3A_1325 : i32 to vector<16xi32>
      %and3A_1327 = arith.andi %sort3A_1268, %and3A_1326 : vector<16xi32>
      %swap3A_1328 = arith.index_cast %add3A_1316 : i32 to index
      %swap3A_1329 = tpu.vector_load %arg8[%swap3A_1328] {strides = array<i32>} : memref<20784xi32, #tpu.memory_space<vmem>>, vector<16xi32>,
      tpu.vector_store %arg8[%swap3A_1328], %and3A_1327 {strides = array<i32>} : memref<20784xi32, #tpu.memory_space<vmem>>, vector<16xi32>,
      %add3A_1330 = arith.addi %add3A_1316, %reduce_sum3A_1274 : i32
      scf.yield %add3A_1330 : i32
    }
    %scan3A_808 = arith.constant 312 : i32
    %mul3A_809 = arith.constant 1248 : i32
    %mul3A_810 = arith.constant 16 : i32
    %mul3A_811 = arith.muli %mul3A_809, %mul3A_810 : i32
    %get3A_812 = arith.index_cast %mul3A_811 : i32 to index
    %get3A_813 = tpu.vector_load %arg7[%get3A_812] {strides = array<i32>} : memref<20784xi32, #tpu.memory_space<vmem>>, vector<16xi32>,
    %mul3A_814 = arith.constant 1248 : i32
    %mul3A_815 = arith.constant 16 : i32
    %mul3A_816 = arith.muli %mul3A_814, %mul3A_815 : i32
    %get3A_817 = arith.index_cast %mul3A_816 : i32 to index
    %get3A_818 = tpu.vector_load %arg8[%get3A_817] {strides = array<i32>} : memref<20784xi32, #tpu.memory_space<vmem>>, vector<16xi32>,
    %sub3A_819 = arith.subi %get3A_818, %get3A_6 : vector<16xi32>
    %ge3A = arith.constant 0 : i32
    %ge3A_820 = vector.broadcast %ge3A : i32 to vector<16xi32>
    %ge3A_821 = arith.cmpi sge, %sub3A_819, %ge3A_820 : vector<16xi32>
    %lt3A = arith.constant 4096 : i32
    %lt3A_822 = vector.broadcast %lt3A : i32 to vector<16xi32>
    %lt3A_823 = arith.cmpi slt, %sub3A_819, %lt3A_822 : vector<16xi32>
    %and3A = arith.andi %ge3A_821, %lt3A_823 : vector<16xi1>
    %jit3A = arith.constant 4096 : i32
    %broadcast_in_dim3A = vector.broadcast %jit3A : i32 to vector<16xi32>
    %select_n3A = arith.select %and3A, %sub3A_819, %broadcast_in_dim3A : vector<16xi1>, vector<16xi32>
    %jit3A_824 = arith.constant 0 : i32
    %jit3A_825 = arith.constant 134217728 : i32
    %broadcast_in_dim3A_826 = vector.broadcast %jit3A_824 : i32 to vector<16xi32>
    %broadcast_in_dim3A_827 = vector.broadcast %jit3A_825 : i32 to vector<16xi32>
    %select_n3A_828 = arith.select %and3A, %broadcast_in_dim3A_826, %broadcast_in_dim3A_827 : vector<16xi1>, vector<16xi32>
    %shift_left3A = arith.constant 13 : i32
    %shift_left3A_829 = vector.broadcast %shift_left3A : i32 to vector<16xi32>
    %shift_left3A_830 = arith.shli %get3A_813, %shift_left3A_829 : vector<16xi32>
    %add3A_831 = arith.addi %select_n3A_828, %shift_left3A_830 : vector<16xi32>
    %add3A_832 = arith.addi %add3A_831, %select_n3A : vector<16xi32>
    %sort3A = arith.constant dense<true> : vector<16xi1>
    %sort3A_833, %sort3A_834, %sort3A_835 = tpu.sort %add3A_832, %add3A_832 masked %sort3A : (vector<16xi32>, vector<16xi32>, vector<16xi1>) -> (vector<16xi1>, vector<16xi32>, vector<16xi32>)
    %convert_element_type3A = arith.extui %and3A : vector<16xi1> to vector<16xi32>
    %reduce_sum3A = arith.constant true
    %reduce_sum3A_836 = vector.broadcast %reduce_sum3A : i1 to vector<16xi1>
    %reduce_sum3A_837 = tpu.scan <sum>, %convert_element_type3A masked %reduce_sum3A_836 : vector<16xi32>, vector<16xi1> -> vector<16xi32>
    %reduce_sum3A_838 = vector.extract %reduce_sum3A_837[15] : i32 from vector<16xi32>
    %mul3A_839 = arith.constant 1249 : i32
    %mul3A_840 = arith.constant 16 : i32
    %mul3A_841 = arith.muli %mul3A_839, %mul3A_840 : i32
    %get3A_842 = arith.index_cast %mul3A_841 : i32 to index
    %get3A_843 = tpu.vector_load %arg7[%get3A_842] {strides = array<i32>} : memref<20784xi32, #tpu.memory_space<vmem>>, vector<16xi32>,
    %mul3A_844 = arith.constant 1249 : i32
    %mul3A_845 = arith.constant 16 : i32
    %mul3A_846 = arith.muli %mul3A_844, %mul3A_845 : i32
    %get3A_847 = arith.index_cast %mul3A_846 : i32 to index
    %get3A_848 = tpu.vector_load %arg8[%get3A_847] {strides = array<i32>} : memref<20784xi32, #tpu.memory_space<vmem>>, vector<16xi32>,
    %sub3A_849 = arith.subi %get3A_848, %get3A_6 : vector<16xi32>
    %ge3A_850 = arith.constant 0 : i32
    %ge3A_851 = vector.broadcast %ge3A_850 : i32 to vector<16xi32>
    %ge3A_852 = arith.cmpi sge, %sub3A_849, %ge3A_851 : vector<16xi32>
    %lt3A_853 = arith.constant 4096 : i32
    %lt3A_854 = vector.broadcast %lt3A_853 : i32 to vector<16xi32>
    %lt3A_855 = arith.cmpi slt, %sub3A_849, %lt3A_854 : vector<16xi32>
    %and3A_856 = arith.andi %ge3A_852, %lt3A_855 : vector<16xi1>
    %jit3A_857 = arith.constant 4096 : i32
    %broadcast_in_dim3A_858 = vector.broadcast %jit3A_857 : i32 to vector<16xi32>
    %select_n3A_859 = arith.select %and3A_856, %sub3A_849, %broadcast_in_dim3A_858 : vector<16xi1>, vector<16xi32>
    %jit3A_860 = arith.constant 0 : i32
    %jit3A_861 = arith.constant 134217728 : i32
    %broadcast_in_dim3A_862 = vector.broadcast %jit3A_860 : i32 to vector<16xi32>
    %broadcast_in_dim3A_863 = vector.broadcast %jit3A_861 : i32 to vector<16xi32>
    %select_n3A_864 = arith.select %and3A_856, %broadcast_in_dim3A_862, %broadcast_in_dim3A_863 : vector<16xi1>, vector<16xi32>
    %shift_left3A_865 = arith.constant 13 : i32
    %shift_left3A_866 = vector.broadcast %shift_left3A_865 : i32 to vector<16xi32>
    %shift_left3A_867 = arith.shli %get3A_843, %shift_left3A_866 : vector<16xi32>
    %add3A_868 = arith.addi %select_n3A_864, %shift_left3A_867 : vector<16xi32>
    %add3A_869 = arith.addi %add3A_868, %select_n3A_859 : vector<16xi32>
    %sort3A_870 = arith.constant dense<true> : vector<16xi1>
    %sort3A_871, %sort3A_872, %sort3A_873 = tpu.sort %add3A_869, %add3A_869 masked %sort3A_870 : (vector<16xi32>, vector<16xi32>, vector<16xi1>) -> (vector<16xi1>, vector<16xi32>, vector<16xi32>)
    %convert_element_type3A_874 = arith.extui %and3A_856 : vector<16xi1> to vector<16xi32>
    %reduce_sum3A_875 = arith.constant true
    %reduce_sum3A_876 = vector.broadcast %reduce_sum3A_875 : i1 to vector<16xi1>
    %reduce_sum3A_877 = tpu.scan <sum>, %convert_element_type3A_874 masked %reduce_sum3A_876 : vector<16xi32>, vector<16xi1> -> vector<16xi32>
    %reduce_sum3A_878 = vector.extract %reduce_sum3A_877[15] : i32 from vector<16xi32>
    %shift_right_arithmetic3A = arith.constant 13 : i32
    %shift_right_arithmetic3A_879 = vector.broadcast %shift_right_arithmetic3A : i32 to vector<16xi32>
    %shift_right_arithmetic3A_880 = arith.shrsi %sort3A_834, %shift_right_arithmetic3A_879 : vector<16xi32>
    %and3A_881 = arith.constant 16383 : i32
    %and3A_882 = vector.broadcast %and3A_881 : i32 to vector<16xi32>
    %and3A_883 = arith.andi %shift_right_arithmetic3A_880, %and3A_882 : vector<16xi32>
    %swap3A_884 = arith.index_cast %scan3A_807 : i32 to index
    %swap3A_885 = tpu.vector_load %arg7[%swap3A_884] {strides = array<i32>} : memref<20784xi32, #tpu.memory_space<vmem>>, vector<16xi32>,
    tpu.vector_store %arg7[%swap3A_884], %and3A_883 {strides = array<i32>} : memref<20784xi32, #tpu.memory_space<vmem>>, vector<16xi32>,
    %and3A_886 = arith.constant 8191 : i32
    %and3A_887 = vector.broadcast %and3A_886 : i32 to vector<16xi32>
    %and3A_888 = arith.andi %sort3A_834, %and3A_887 : vector<16xi32>
    %swap3A_889 = arith.index_cast %scan3A_807 : i32 to index
    %swap3A_890 = tpu.vector_load %arg8[%swap3A_889] {strides = array<i32>} : memref<20784xi32, #tpu.memory_space<vmem>>, vector<16xi32>,
    tpu.vector_store %arg8[%swap3A_889], %and3A_888 {strides = array<i32>} : memref<20784xi32, #tpu.memory_space<vmem>>, vector<16xi32>,
    %add3A_891 = arith.addi %scan3A_807, %reduce_sum3A_838 : i32
    %shift_right_arithmetic3A_892 = arith.constant 13 : i32
    %shift_right_arithmetic3A_893 = vector.broadcast %shift_right_arithmetic3A_892 : i32 to vector<16xi32>
    %shift_right_arithmetic3A_894 = arith.shrsi %sort3A_872, %shift_right_arithmetic3A_893 : vector<16xi32>
    %and3A_895 = arith.constant 16383 : i32
    %and3A_896 = vector.broadcast %and3A_895 : i32 to vector<16xi32>
    %and3A_897 = arith.andi %shift_right_arithmetic3A_894, %and3A_896 : vector<16xi32>
    %swap3A_898 = arith.index_cast %add3A_891 : i32 to index
    %swap3A_899 = tpu.vector_load %arg7[%swap3A_898] {strides = array<i32>} : memref<20784xi32, #tpu.memory_space<vmem>>, vector<16xi32>,
    tpu.vector_store %arg7[%swap3A_898], %and3A_897 {strides = array<i32>} : memref<20784xi32, #tpu.memory_space<vmem>>, vector<16xi32>,
    %and3A_900 = arith.constant 8191 : i32
    %and3A_901 = vector.broadcast %and3A_900 : i32 to vector<16xi32>
    %and3A_902 = arith.andi %sort3A_872, %and3A_901 : vector<16xi32>
    %swap3A_903 = arith.index_cast %add3A_891 : i32 to index
    %swap3A_904 = tpu.vector_load %arg8[%swap3A_903] {strides = array<i32>} : memref<20784xi32, #tpu.memory_space<vmem>>, vector<16xi32>,
    tpu.vector_store %arg8[%swap3A_903], %and3A_902 {strides = array<i32>} : memref<20784xi32, #tpu.memory_space<vmem>>, vector<16xi32>,
    %add3A_905 = arith.addi %scan3A_807, %reduce_sum3A_838 : i32
    %add3A_906 = arith.addi %add3A_905, %reduce_sum3A_878 : i32
    %broadcast_in_dim3A_907 = arith.constant 0 : i32
    %broadcast_in_dim3A_908 = vector.broadcast %broadcast_in_dim3A_907 : i32 to vector<16xi32>
    %broadcast_in_dim3A_909 = arith.constant 4096 : i32
    %broadcast_in_dim3A_910 = vector.broadcast %broadcast_in_dim3A_909 : i32 to vector<16xi32>
    %scan3A_911 = arith.constant 0 : i32
    %scan3A_912 = arith.constant 0 : i32
    %scan3A_913 = arith.constant 40 : i32
    %scan3A_914 = arith.addi %scan3A_912, %scan3A_913 : i32
    %scan3A_915 = arith.constant 1 : i32
    %scan3A_916 = scf.for %scan3A_1107 = %scan3A_912 to %scan3A_914 step %scan3A_915 iter_args(%scan3A_1108 = %scan3A_911) -> (i32)  : i32 {
      %mul3A_1109 = arith.constant 16 : i32
      %mul3A_1110 = arith.muli %scan3A_1107, %mul3A_1109 : i32
      %add3A_1111 = arith.addi %add3A_906, %mul3A_1110 : i32
      %swap3A_1112 = arith.index_cast %add3A_1111 : i32 to index
      %swap3A_1113 = tpu.vector_load %arg7[%swap3A_1112] {strides = array<i32>} : memref<20784xi32, #tpu.memory_space<vmem>>, vector<16xi32>,
      tpu.vector_store %arg7[%swap3A_1112], %broadcast_in_dim3A_908 {strides = array<i32>} : memref<20784xi32, #tpu.memory_space<vmem>>, vector<16xi32>,
      %mul3A_1114 = arith.constant 16 : i32
      %mul3A_1115 = arith.muli %scan3A_1107, %mul3A_1114 : i32
      %add3A_1116 = arith.addi %add3A_906, %mul3A_1115 : i32
      %swap3A_1117 = arith.index_cast %add3A_1116 : i32 to index
      %swap3A_1118 = tpu.vector_load %arg8[%swap3A_1117] {strides = array<i32>} : memref<20784xi32, #tpu.memory_space<vmem>>, vector<16xi32>,
      tpu.vector_store %arg8[%swap3A_1117], %broadcast_in_dim3A_910 {strides = array<i32>} : memref<20784xi32, #tpu.memory_space<vmem>>, vector<16xi32>,
      %scan3A_1119 = arith.constant 0 : i32
      scf.yield %scan3A_1119 : i32
    }
    %scan3A_917 = arith.constant 40 : i32
    %add3A_918 = arith.constant 128 : i32
    %add3A_919 = arith.addi %add3A_906, %add3A_918 : i32
    %sub3A_920 = arith.constant 1 : i32
    %sub3A_921 = arith.subi %add3A_919, %sub3A_920 : i32
    %jit3A_922 = arith.constant 128 : i32
    %div3A = arith.divsi %sub3A_921, %jit3A_922 : i32
    %sign3A = arith.constant 0 : i32
    %sign3A_923 = arith.cmpi sgt, %sub3A_921, %sign3A : i32
    %sign3A_924 = arith.extui %sign3A_923 : i1 to i32
    %sign3A_925 = arith.constant 0 : i32
    %sign3A_926 = arith.cmpi slt, %sub3A_921, %sign3A_925 : i32
    %sign3A_927 = arith.extui %sign3A_926 : i1 to i32
    %sign3A_928 = arith.subi %sign3A_924, %sign3A_927 : i32
    %sign3A_929 = arith.constant 0 : i32
    %sign3A_930 = arith.cmpi sgt, %jit3A_922, %sign3A_929 : i32
    %sign3A_931 = arith.extui %sign3A_930 : i1 to i32
    %sign3A_932 = arith.constant 0 : i32
    %sign3A_933 = arith.cmpi slt, %jit3A_922, %sign3A_932 : i32
    %sign3A_934 = arith.extui %sign3A_933 : i1 to i32
    %sign3A_935 = arith.subi %sign3A_931, %sign3A_934 : i32
    %ne3A = arith.cmpi ne, %sign3A_928, %sign3A_935 : i32
    %rem3A = arith.remsi %sub3A_921, %jit3A_922 : i32
    %ne3A_936 = arith.constant 0 : i32
    %ne3A_937 = arith.cmpi ne, %rem3A, %ne3A_936 : i32
    %and3A_938 = arith.andi %ne3A, %ne3A_937 : i1
    %sub3A_939 = arith.constant 1 : i32
    %sub3A_940 = arith.subi %div3A, %sub3A_939 : i32
    %select_n3A_941 = arith.select %and3A_938, %sub3A_940, %div3A : i32
    %add3A_942 = arith.constant 3 : i32
    %add3A_943 = arith.addi %select_n3A_941, %add3A_942 : i32
    %jit3A_944 = arith.constant 4 : i32
    %div3A_945 = arith.divsi %add3A_943, %jit3A_944 : i32
    %sign3A_946 = arith.constant 0 : i32
    %sign3A_947 = arith.cmpi sgt, %add3A_943, %sign3A_946 : i32
    %sign3A_948 = arith.extui %sign3A_947 : i1 to i32
    %sign3A_949 = arith.constant 0 : i32
    %sign3A_950 = arith.cmpi slt, %add3A_943, %sign3A_949 : i32
    %sign3A_951 = arith.extui %sign3A_950 : i1 to i32
    %sign3A_952 = arith.subi %sign3A_948, %sign3A_951 : i32
    %sign3A_953 = arith.constant 0 : i32
    %sign3A_954 = arith.cmpi sgt, %jit3A_944, %sign3A_953 : i32
    %sign3A_955 = arith.extui %sign3A_954 : i1 to i32
    %sign3A_956 = arith.constant 0 : i32
    %sign3A_957 = arith.cmpi slt, %jit3A_944, %sign3A_956 : i32
    %sign3A_958 = arith.extui %sign3A_957 : i1 to i32
    %sign3A_959 = arith.subi %sign3A_955, %sign3A_958 : i32
    %ne3A_960 = arith.cmpi ne, %sign3A_952, %sign3A_959 : i32
    %rem3A_961 = arith.remsi %add3A_943, %jit3A_944 : i32
    %ne3A_962 = arith.constant 0 : i32
    %ne3A_963 = arith.cmpi ne, %rem3A_961, %ne3A_962 : i32
    %and3A_964 = arith.andi %ne3A_960, %ne3A_963 : i1
    %sub3A_965 = arith.constant 1 : i32
    %sub3A_966 = arith.subi %div3A_945, %sub3A_965 : i32
    %select_n3A_967 = arith.select %and3A_964, %sub3A_966, %div3A_945 : i32
    %max3A = arith.constant 1 : i32
    %max3A_968 = arith.maxsi %max3A, %select_n3A_967 : i32
    %mul3A_969 = arith.constant 4 : i32
    %mul3A_970 = arith.muli %mul3A_969, %max3A_968 : i32
    %mul3A_971 = arith.constant 0 : i32
    %mul3A_972 = arith.constant 128 : i32
    %mul3A_973 = arith.muli %mul3A_971, %mul3A_972 : i32
    %dma_start3A_974 = tpu.memref_slice %arg7[%mul3A_973] : memref<20784xi32, #tpu.memory_space<vmem>> -> memref<128xi32, #tpu.memory_space<vmem>>
    %dma_start3A_975 = arith.constant 0 : i32
    %dma_start3A_976 = arith.constant 0 : i32
    %dma_start3A_977 = tpu.memref_slice %arg15[%dma_start3A_975, %dma_start3A_976] : memref<10000x64xf32, #tpu.memory_space<vmem_shared>> -> memref<10000x64xf32, #tpu.memory_space<vmem_shared>>
    tpu.enqueue_indirect_dma source(%dma_start3A_977 : memref<10000x64xf32, #tpu.memory_space<vmem_shared>>) target(%arg9 : memref<128x64xf32, #tpu.memory_space<vmem>>) offsets(%dma_start3A_974 : memref<128xi32, #tpu.memory_space<vmem>>) semaphore(%arg16 : memref<!tpu.dma_semaphore, #tpu.memory_space<semaphore_mem>>)
    %mul3A_978 = arith.constant 1 : i32
    %mul3A_979 = arith.constant 128 : i32
    %mul3A_980 = arith.muli %mul3A_978, %mul3A_979 : i32
    %dma_start3A_981 = tpu.memref_slice %arg7[%mul3A_980] : memref<20784xi32, #tpu.memory_space<vmem>> -> memref<128xi32, #tpu.memory_space<vmem>>
    %dma_start3A_982 = arith.constant 0 : i32
    %dma_start3A_983 = arith.constant 0 : i32
    %dma_start3A_984 = tpu.memref_slice %arg15[%dma_start3A_982, %dma_start3A_983] : memref<10000x64xf32, #tpu.memory_space<vmem_shared>> -> memref<10000x64xf32, #tpu.memory_space<vmem_shared>>
    tpu.enqueue_indirect_dma source(%dma_start3A_984 : memref<10000x64xf32, #tpu.memory_space<vmem_shared>>) target(%arg10 : memref<128x64xf32, #tpu.memory_space<vmem>>) offsets(%dma_start3A_981 : memref<128xi32, #tpu.memory_space<vmem>>) semaphore(%arg17 : memref<!tpu.dma_semaphore, #tpu.memory_space<semaphore_mem>>)
    %mul3A_985 = arith.constant 2 : i32
    %mul3A_986 = arith.constant 128 : i32
    %mul3A_987 = arith.muli %mul3A_985, %mul3A_986 : i32
    %dma_start3A_988 = tpu.memref_slice %arg7[%mul3A_987] : memref<20784xi32, #tpu.memory_space<vmem>> -> memref<128xi32, #tpu.memory_space<vmem>>
    %dma_start3A_989 = arith.constant 0 : i32
    %dma_start3A_990 = arith.constant 0 : i32
    %dma_start3A_991 = tpu.memref_slice %arg15[%dma_start3A_989, %dma_start3A_990] : memref<10000x64xf32, #tpu.memory_space<vmem_shared>> -> memref<10000x64xf32, #tpu.memory_space<vmem_shared>>
    tpu.enqueue_indirect_dma source(%dma_start3A_991 : memref<10000x64xf32, #tpu.memory_space<vmem_shared>>) target(%arg11 : memref<128x64xf32, #tpu.memory_space<vmem>>) offsets(%dma_start3A_988 : memref<128xi32, #tpu.memory_space<vmem>>) semaphore(%arg18 : memref<!tpu.dma_semaphore, #tpu.memory_space<semaphore_mem>>)
    %dma_wait3A_992 = arith.constant 0 : i32
    %dma_wait3A_993 = tpu.memref_slice %arg7[%dma_wait3A_992] : memref<20784xi32, #tpu.memory_space<vmem>> -> memref<128xi32, #tpu.memory_space<vmem>>
    %dma_wait3A_994 = arith.constant 0 : i32
    %dma_wait3A_995 = arith.constant 0 : i32
    %dma_wait3A_996 = tpu.memref_slice %arg15[%dma_wait3A_994, %dma_wait3A_995] : memref<10000x64xf32, #tpu.memory_space<vmem_shared>> -> memref<10000x64xf32, #tpu.memory_space<vmem_shared>>
    tpu.wait_indirect_dma semaphore(%arg16 : memref<!tpu.dma_semaphore, #tpu.memory_space<semaphore_mem>>) src(%dma_wait3A_996 : memref<10000x64xf32, #tpu.memory_space<vmem_shared>>) dst(%arg9 : memref<128x64xf32, #tpu.memory_space<vmem>>)
    %mul3A_997 = arith.constant 0 : i32
    %mul3A_998 = arith.constant 128 : i32
    %mul3A_999 = arith.muli %mul3A_997, %mul3A_998 : i32
    %dma_start3A_1000 = tpu.memref_slice %arg8[%mul3A_999] : memref<20784xi32, #tpu.memory_space<vmem>> -> memref<128xi32, #tpu.memory_space<vmem>>
    %dma_start3A_1001 = arith.constant 0 : i32
    %dma_start3A_1002 = arith.constant 0 : i32
    %dma_start3A_1003 = tpu.memref_slice %arg14[%dma_start3A_1001, %dma_start3A_1002] : memref<4112x64xf32, #tpu.memory_space<vmem_shared>> -> memref<4112x64xf32, #tpu.memory_space<vmem_shared>>
    tpu.enqueue_indirect_dma source(%arg9 : memref<128x64xf32, #tpu.memory_space<vmem>>) target(%dma_start3A_1003 : memref<4112x64xf32, #tpu.memory_space<vmem_shared>>) offsets(%dma_start3A_1000 : memref<128xi32, #tpu.memory_space<vmem>>) semaphore(%arg20 : memref<!tpu.dma_semaphore, #tpu.memory_space<semaphore_mem>>) {add = true}
    %mul3A_1004 = arith.constant 3 : i32
    %mul3A_1005 = arith.constant 128 : i32
    %mul3A_1006 = arith.muli %mul3A_1004, %mul3A_1005 : i32
    %dma_start3A_1007 = tpu.memref_slice %arg7[%mul3A_1006] : memref<20784xi32, #tpu.memory_space<vmem>> -> memref<128xi32, #tpu.memory_space<vmem>>
    %dma_start3A_1008 = arith.constant 0 : i32
    %dma_start3A_1009 = arith.constant 0 : i32
    %dma_start3A_1010 = tpu.memref_slice %arg15[%dma_start3A_1008, %dma_start3A_1009] : memref<10000x64xf32, #tpu.memory_space<vmem_shared>> -> memref<10000x64xf32, #tpu.memory_space<vmem_shared>>
    tpu.enqueue_indirect_dma source(%dma_start3A_1010 : memref<10000x64xf32, #tpu.memory_space<vmem_shared>>) target(%arg12 : memref<128x64xf32, #tpu.memory_space<vmem>>) offsets(%dma_start3A_1007 : memref<128xi32, #tpu.memory_space<vmem>>) semaphore(%arg19 : memref<!tpu.dma_semaphore, #tpu.memory_space<semaphore_mem>>)
    %dma_wait3A_1011 = arith.constant 0 : i32
    %dma_wait3A_1012 = tpu.memref_slice %arg7[%dma_wait3A_1011] : memref<20784xi32, #tpu.memory_space<vmem>> -> memref<128xi32, #tpu.memory_space<vmem>>
    %dma_wait3A_1013 = arith.constant 0 : i32
    %dma_wait3A_1014 = arith.constant 0 : i32
    %dma_wait3A_1015 = tpu.memref_slice %arg15[%dma_wait3A_1013, %dma_wait3A_1014] : memref<10000x64xf32, #tpu.memory_space<vmem_shared>> -> memref<10000x64xf32, #tpu.memory_space<vmem_shared>>
    tpu.wait_indirect_dma semaphore(%arg17 : memref<!tpu.dma_semaphore, #tpu.memory_space<semaphore_mem>>) src(%dma_wait3A_1015 : memref<10000x64xf32, #tpu.memory_space<vmem_shared>>) dst(%arg10 : memref<128x64xf32, #tpu.memory_space<vmem>>)
    %mul3A_1016 = arith.constant 1 : i32
    %mul3A_1017 = arith.constant 128 : i32
    %mul3A_1018 = arith.muli %mul3A_1016, %mul3A_1017 : i32
    %dma_start3A_1019 = tpu.memref_slice %arg8[%mul3A_1018] : memref<20784xi32, #tpu.memory_space<vmem>> -> memref<128xi32, #tpu.memory_space<vmem>>
    %dma_start3A_1020 = arith.constant 0 : i32
    %dma_start3A_1021 = arith.constant 0 : i32
    %dma_start3A_1022 = tpu.memref_slice %arg14[%dma_start3A_1020, %dma_start3A_1021] : memref<4112x64xf32, #tpu.memory_space<vmem_shared>> -> memref<4112x64xf32, #tpu.memory_space<vmem_shared>>
    tpu.enqueue_indirect_dma source(%arg10 : memref<128x64xf32, #tpu.memory_space<vmem>>) target(%dma_start3A_1022 : memref<4112x64xf32, #tpu.memory_space<vmem_shared>>) offsets(%dma_start3A_1019 : memref<128xi32, #tpu.memory_space<vmem>>) semaphore(%arg21 : memref<!tpu.dma_semaphore, #tpu.memory_space<semaphore_mem>>) {add = true}
    %jit3A_1023 = arith.constant 4 : i32
    %div3A_1024 = arith.divsi %mul3A_970, %jit3A_1023 : i32
    %sign3A_1025 = arith.constant 0 : i32
    %sign3A_1026 = arith.cmpi sgt, %mul3A_970, %sign3A_1025 : i32
    %sign3A_1027 = arith.extui %sign3A_1026 : i1 to i32
    %sign3A_1028 = arith.constant 0 : i32
    %sign3A_1029 = arith.cmpi slt, %mul3A_970, %sign3A_1028 : i32
    %sign3A_1030 = arith.extui %sign3A_1029 : i1 to i32
    %sign3A_1031 = arith.subi %sign3A_1027, %sign3A_1030 : i32
    %sign3A_1032 = arith.constant 0 : i32
    %sign3A_1033 = arith.cmpi sgt, %jit3A_1023, %sign3A_1032 : i32
    %sign3A_1034 = arith.extui %sign3A_1033 : i1 to i32
    %sign3A_1035 = arith.constant 0 : i32
    %sign3A_1036 = arith.cmpi slt, %jit3A_1023, %sign3A_1035 : i32
    %sign3A_1037 = arith.extui %sign3A_1036 : i1 to i32
    %sign3A_1038 = arith.subi %sign3A_1034, %sign3A_1037 : i32
    %ne3A_1039 = arith.cmpi ne, %sign3A_1031, %sign3A_1038 : i32
    %rem3A_1040 = arith.remsi %mul3A_970, %jit3A_1023 : i32
    %ne3A_1041 = arith.constant 0 : i32
    %ne3A_1042 = arith.cmpi ne, %rem3A_1040, %ne3A_1041 : i32
    %and3A_1043 = arith.andi %ne3A_1039, %ne3A_1042 : i1
    %sub3A_1044 = arith.constant 1 : i32
    %sub3A_1045 = arith.subi %div3A_1024, %sub3A_1044 : i32
    %select_n3A_1046 = arith.select %and3A_1043, %sub3A_1045, %div3A_1024 : i32
    %while3A = arith.constant 1 : i32
    %while3A_1047 = arith.constant 0 : i32
    %while3A_1048 = arith.subi %select_n3A_1046, %while3A : i32
    %while3A_1049 = arith.addi %while3A, %while3A_1048 : i32
    %while3A_1050 = arith.constant 1 : i32
    %while3A_1051 = arith.divsi %while3A_1048, %while3A_1050 : i32
    %while3A_1052 = arith.muli %while3A_1051, %while3A_1050 : i32
    %while3A_1053 = arith.addi %while3A, %while3A_1052 : i32
    %while3A_1054 = arith.constant 1 : i32
    %while3A_1055 = scf.for %while3A_1107 = %while3A to %while3A_1053 step %while3A_1054 iter_args(%while3A_1108 = %while3A_1047) -> (i32)  : i32 {
      %mul3A_1109 = arith.constant 4 : i32
      %mul3A_1110 = arith.muli %mul3A_1109, %while3A_1107 : i32
      %add3A_1111 = arith.constant 0 : i32
      %add3A_1112 = arith.addi %mul3A_1110, %add3A_1111 : i32
      %dma_wait3A_1113 = arith.constant 0 : i32
      %dma_wait3A_1114 = tpu.memref_slice %arg8[%dma_wait3A_1113] : memref<20784xi32, #tpu.memory_space<vmem>> -> memref<128xi32, #tpu.memory_space<vmem>>
      %dma_wait3A_1115 = arith.constant 0 : i32
      %dma_wait3A_1116 = arith.constant 0 : i32
      %dma_wait3A_1117 = tpu.memref_slice %arg14[%dma_wait3A_1115, %dma_wait3A_1116] : memref<4112x64xf32, #tpu.memory_space<vmem_shared>> -> memref<4112x64xf32, #tpu.memory_space<vmem_shared>>
      tpu.wait_indirect_dma semaphore(%arg20 : memref<!tpu.dma_semaphore, #tpu.memory_space<semaphore_mem>>) src(%arg9 : memref<128x64xf32, #tpu.memory_space<vmem>>) dst(%dma_wait3A_1117 : memref<4112x64xf32, #tpu.memory_space<vmem_shared>>)
      %mul3A_1118 = arith.constant 128 : i32
      %mul3A_1119 = arith.muli %add3A_1112, %mul3A_1118 : i32
      %dma_start3A_1120 = tpu.memref_slice %arg7[%mul3A_1119] : memref<20784xi32, #tpu.memory_space<vmem>> -> memref<128xi32, #tpu.memory_space<vmem>>
      %dma_start3A_1121 = arith.constant 0 : i32
      %dma_start3A_1122 = arith.constant 0 : i32
      %dma_start3A_1123 = tpu.memref_slice %arg15[%dma_start3A_1121, %dma_start3A_1122] : memref<10000x64xf32, #tpu.memory_space<vmem_shared>> -> memref<10000x64xf32, #tpu.memory_space<vmem_shared>>
      tpu.enqueue_indirect_dma source(%dma_start3A_1123 : memref<10000x64xf32, #tpu.memory_space<vmem_shared>>) target(%arg9 : memref<128x64xf32, #tpu.memory_space<vmem>>) offsets(%dma_start3A_1120 : memref<128xi32, #tpu.memory_space<vmem>>) semaphore(%arg16 : memref<!tpu.dma_semaphore, #tpu.memory_space<semaphore_mem>>)
      %dma_wait3A_1124 = arith.constant 0 : i32
      %dma_wait3A_1125 = tpu.memref_slice %arg7[%dma_wait3A_1124] : memref<20784xi32, #tpu.memory_space<vmem>> -> memref<128xi32, #tpu.memory_space<vmem>>
      %dma_wait3A_1126 = arith.constant 0 : i32
      %dma_wait3A_1127 = arith.constant 0 : i32
      %dma_wait3A_1128 = tpu.memref_slice %arg15[%dma_wait3A_1126, %dma_wait3A_1127] : memref<10000x64xf32, #tpu.memory_space<vmem_shared>> -> memref<10000x64xf32, #tpu.memory_space<vmem_shared>>
      tpu.wait_indirect_dma semaphore(%arg18 : memref<!tpu.dma_semaphore, #tpu.memory_space<semaphore_mem>>) src(%dma_wait3A_1128 : memref<10000x64xf32, #tpu.memory_space<vmem_shared>>) dst(%arg11 : memref<128x64xf32, #tpu.memory_space<vmem>>)
      %sub3A_1129 = arith.constant 2 : i32
      %sub3A_1130 = arith.subi %add3A_1112, %sub3A_1129 : i32
      %mul3A_1131 = arith.constant 128 : i32
      %mul3A_1132 = arith.muli %sub3A_1130, %mul3A_1131 : i32
      %dma_start3A_1133 = tpu.memref_slice %arg8[%mul3A_1132] : memref<20784xi32, #tpu.memory_space<vmem>> -> memref<128xi32, #tpu.memory_space<vmem>>
      %dma_start3A_1134 = arith.constant 0 : i32
      %dma_start3A_1135 = arith.constant 0 : i32
      %dma_start3A_1136 = tpu.memref_slice %arg14[%dma_start3A_1134, %dma_start3A_1135] : memref<4112x64xf32, #tpu.memory_space<vmem_shared>> -> memref<4112x64xf32, #tpu.memory_space<vmem_shared>>
      tpu.enqueue_indirect_dma source(%arg11 : memref<128x64xf32, #tpu.memory_space<vmem>>) target(%dma_start3A_1136 : memref<4112x64xf32, #tpu.memory_space<vmem_shared>>) offsets(%dma_start3A_1133 : memref<128xi32, #tpu.memory_space<vmem>>) semaphore(%arg22 : memref<!tpu.dma_semaphore, #tpu.memory_space<semaphore_mem>>) {add = true}
      %mul3A_1137 = arith.constant 4 : i32
      %mul3A_1138 = arith.muli %mul3A_1137, %while3A_1107 : i32
      %add3A_1139 = arith.constant 1 : i32
      %add3A_1140 = arith.addi %mul3A_1138, %add3A_1139 : i32
      %dma_wait3A_1141 = arith.constant 0 : i32
      %dma_wait3A_1142 = tpu.memref_slice %arg8[%dma_wait3A_1141] : memref<20784xi32, #tpu.memory_space<vmem>> -> memref<128xi32, #tpu.memory_space<vmem>>
      %dma_wait3A_1143 = arith.constant 0 : i32
      %dma_wait3A_1144 = arith.constant 0 : i32
      %dma_wait3A_1145 = tpu.memref_slice %arg14[%dma_wait3A_1143, %dma_wait3A_1144] : memref<4112x64xf32, #tpu.memory_space<vmem_shared>> -> memref<4112x64xf32, #tpu.memory_space<vmem_shared>>
      tpu.wait_indirect_dma semaphore(%arg21 : memref<!tpu.dma_semaphore, #tpu.memory_space<semaphore_mem>>) src(%arg10 : memref<128x64xf32, #tpu.memory_space<vmem>>) dst(%dma_wait3A_1145 : memref<4112x64xf32, #tpu.memory_space<vmem_shared>>)
      %mul3A_1146 = arith.constant 128 : i32
      %mul3A_1147 = arith.muli %add3A_1140, %mul3A_1146 : i32
      %dma_start3A_1148 = tpu.memref_slice %arg7[%mul3A_1147] : memref<20784xi32, #tpu.memory_space<vmem>> -> memref<128xi32, #tpu.memory_space<vmem>>
      %dma_start3A_1149 = arith.constant 0 : i32
      %dma_start3A_1150 = arith.constant 0 : i32
      %dma_start3A_1151 = tpu.memref_slice %arg15[%dma_start3A_1149, %dma_start3A_1150] : memref<10000x64xf32, #tpu.memory_space<vmem_shared>> -> memref<10000x64xf32, #tpu.memory_space<vmem_shared>>
      tpu.enqueue_indirect_dma source(%dma_start3A_1151 : memref<10000x64xf32, #tpu.memory_space<vmem_shared>>) target(%arg10 : memref<128x64xf32, #tpu.memory_space<vmem>>) offsets(%dma_start3A_1148 : memref<128xi32, #tpu.memory_space<vmem>>) semaphore(%arg17 : memref<!tpu.dma_semaphore, #tpu.memory_space<semaphore_mem>>)
      %dma_wait3A_1152 = arith.constant 0 : i32
      %dma_wait3A_1153 = tpu.memref_slice %arg7[%dma_wait3A_1152] : memref<20784xi32, #tpu.memory_space<vmem>> -> memref<128xi32, #tpu.memory_space<vmem>>
      %dma_wait3A_1154 = arith.constant 0 : i32
      %dma_wait3A_1155 = arith.constant 0 : i32
      %dma_wait3A_1156 = tpu.memref_slice %arg15[%dma_wait3A_1154, %dma_wait3A_1155] : memref<10000x64xf32, #tpu.memory_space<vmem_shared>> -> memref<10000x64xf32, #tpu.memory_space<vmem_shared>>
      tpu.wait_indirect_dma semaphore(%arg19 : memref<!tpu.dma_semaphore, #tpu.memory_space<semaphore_mem>>) src(%dma_wait3A_1156 : memref<10000x64xf32, #tpu.memory_space<vmem_shared>>) dst(%arg12 : memref<128x64xf32, #tpu.memory_space<vmem>>)
      %sub3A_1157 = arith.constant 2 : i32
      %sub3A_1158 = arith.subi %add3A_1140, %sub3A_1157 : i32
      %mul3A_1159 = arith.constant 128 : i32
      %mul3A_1160 = arith.muli %sub3A_1158, %mul3A_1159 : i32
      %dma_start3A_1161 = tpu.memref_slice %arg8[%mul3A_1160] : memref<20784xi32, #tpu.memory_space<vmem>> -> memref<128xi32, #tpu.memory_space<vmem>>
      %dma_start3A_1162 = arith.constant 0 : i32
      %dma_start3A_1163 = arith.constant 0 : i32
      %dma_start3A_1164 = tpu.memref_slice %arg14[%dma_start3A_1162, %dma_start3A_1163] : memref<4112x64xf32, #tpu.memory_space<vmem_shared>> -> memref<4112x64xf32, #tpu.memory_space<vmem_shared>>
      tpu.enqueue_indirect_dma source(%arg12 : memref<128x64xf32, #tpu.memory_space<vmem>>) target(%dma_start3A_1164 : memref<4112x64xf32, #tpu.memory_space<vmem_shared>>) offsets(%dma_start3A_1161 : memref<128xi32, #tpu.memory_space<vmem>>) semaphore(%arg23 : memref<!tpu.dma_semaphore, #tpu.memory_space<semaphore_mem>>) {add = true}
      %mul3A_1165 = arith.constant 4 : i32
      %mul3A_1166 = arith.muli %mul3A_1165, %while3A_1107 : i32
      %add3A_1167 = arith.constant 2 : i32
      %add3A_1168 = arith.addi %mul3A_1166, %add3A_1167 : i32
      %dma_wait3A_1169 = arith.constant 0 : i32
      %dma_wait3A_1170 = tpu.memref_slice %arg8[%dma_wait3A_1169] : memref<20784xi32, #tpu.memory_space<vmem>> -> memref<128xi32, #tpu.memory_space<vmem>>
      %dma_wait3A_1171 = arith.constant 0 : i32
      %dma_wait3A_1172 = arith.constant 0 : i32
      %dma_wait3A_1173 = tpu.memref_slice %arg14[%dma_wait3A_1171, %dma_wait3A_1172] : memref<4112x64xf32, #tpu.memory_space<vmem_shared>> -> memref<4112x64xf32, #tpu.memory_space<vmem_shared>>
      tpu.wait_indirect_dma semaphore(%arg22 : memref<!tpu.dma_semaphore, #tpu.memory_space<semaphore_mem>>) src(%arg11 : memref<128x64xf32, #tpu.memory_space<vmem>>) dst(%dma_wait3A_1173 : memref<4112x64xf32, #tpu.memory_space<vmem_shared>>)
      %mul3A_1174 = arith.constant 128 : i32
      %mul3A_1175 = arith.muli %add3A_1168, %mul3A_1174 : i32
      %dma_start3A_1176 = tpu.memref_slice %arg7[%mul3A_1175] : memref<20784xi32, #tpu.memory_space<vmem>> -> memref<128xi32, #tpu.memory_space<vmem>>
      %dma_start3A_1177 = arith.constant 0 : i32
      %dma_start3A_1178 = arith.constant 0 : i32
      %dma_start3A_1179 = tpu.memref_slice %arg15[%dma_start3A_1177, %dma_start3A_1178] : memref<10000x64xf32, #tpu.memory_space<vmem_shared>> -> memref<10000x64xf32, #tpu.memory_space<vmem_shared>>
      tpu.enqueue_indirect_dma source(%dma_start3A_1179 : memref<10000x64xf32, #tpu.memory_space<vmem_shared>>) target(%arg11 : memref<128x64xf32, #tpu.memory_space<vmem>>) offsets(%dma_start3A_1176 : memref<128xi32, #tpu.memory_space<vmem>>) semaphore(%arg18 : memref<!tpu.dma_semaphore, #tpu.memory_space<semaphore_mem>>)
      %dma_wait3A_1180 = arith.constant 0 : i32
      %dma_wait3A_1181 = tpu.memref_slice %arg7[%dma_wait3A_1180] : memref<20784xi32, #tpu.memory_space<vmem>> -> memref<128xi32, #tpu.memory_space<vmem>>
      %dma_wait3A_1182 = arith.constant 0 : i32
      %dma_wait3A_1183 = arith.constant 0 : i32
      %dma_wait3A_1184 = tpu.memref_slice %arg15[%dma_wait3A_1182, %dma_wait3A_1183] : memref<10000x64xf32, #tpu.memory_space<vmem_shared>> -> memref<10000x64xf32, #tpu.memory_space<vmem_shared>>
      tpu.wait_indirect_dma semaphore(%arg16 : memref<!tpu.dma_semaphore, #tpu.memory_space<semaphore_mem>>) src(%dma_wait3A_1184 : memref<10000x64xf32, #tpu.memory_space<vmem_shared>>) dst(%arg9 : memref<128x64xf32, #tpu.memory_space<vmem>>)
      %sub3A_1185 = arith.constant 2 : i32
      %sub3A_1186 = arith.subi %add3A_1168, %sub3A_1185 : i32
      %mul3A_1187 = arith.constant 128 : i32
      %mul3A_1188 = arith.muli %sub3A_1186, %mul3A_1187 : i32
      %dma_start3A_1189 = tpu.memref_slice %arg8[%mul3A_1188] : memref<20784xi32, #tpu.memory_space<vmem>> -> memref<128xi32, #tpu.memory_space<vmem>>
      %dma_start3A_1190 = arith.constant 0 : i32
      %dma_start3A_1191 = arith.constant 0 : i32
      %dma_start3A_1192 = tpu.memref_slice %arg14[%dma_start3A_1190, %dma_start3A_1191] : memref<4112x64xf32, #tpu.memory_space<vmem_shared>> -> memref<4112x64xf32, #tpu.memory_space<vmem_shared>>
      tpu.enqueue_indirect_dma source(%arg9 : memref<128x64xf32, #tpu.memory_space<vmem>>) target(%dma_start3A_1192 : memref<4112x64xf32, #tpu.memory_space<vmem_shared>>) offsets(%dma_start3A_1189 : memref<128xi32, #tpu.memory_space<vmem>>) semaphore(%arg20 : memref<!tpu.dma_semaphore, #tpu.memory_space<semaphore_mem>>) {add = true}
      %mul3A_1193 = arith.constant 4 : i32
      %mul3A_1194 = arith.muli %mul3A_1193, %while3A_1107 : i32
      %add3A_1195 = arith.constant 3 : i32
      %add3A_1196 = arith.addi %mul3A_1194, %add3A_1195 : i32
      %dma_wait3A_1197 = arith.constant 0 : i32
      %dma_wait3A_1198 = tpu.memref_slice %arg8[%dma_wait3A_1197] : memref<20784xi32, #tpu.memory_space<vmem>> -> memref<128xi32, #tpu.memory_space<vmem>>
      %dma_wait3A_1199 = arith.constant 0 : i32
      %dma_wait3A_1200 = arith.constant 0 : i32
      %dma_wait3A_1201 = tpu.memref_slice %arg14[%dma_wait3A_1199, %dma_wait3A_1200] : memref<4112x64xf32, #tpu.memory_space<vmem_shared>> -> memref<4112x64xf32, #tpu.memory_space<vmem_shared>>
      tpu.wait_indirect_dma semaphore(%arg23 : memref<!tpu.dma_semaphore, #tpu.memory_space<semaphore_mem>>) src(%arg12 : memref<128x64xf32, #tpu.memory_space<vmem>>) dst(%dma_wait3A_1201 : memref<4112x64xf32, #tpu.memory_space<vmem_shared>>)
      %mul3A_1202 = arith.constant 128 : i32
      %mul3A_1203 = arith.muli %add3A_1196, %mul3A_1202 : i32
      %dma_start3A_1204 = tpu.memref_slice %arg7[%mul3A_1203] : memref<20784xi32, #tpu.memory_space<vmem>> -> memref<128xi32, #tpu.memory_space<vmem>>
      %dma_start3A_1205 = arith.constant 0 : i32
      %dma_start3A_1206 = arith.constant 0 : i32
      %dma_start3A_1207 = tpu.memref_slice %arg15[%dma_start3A_1205, %dma_start3A_1206] : memref<10000x64xf32, #tpu.memory_space<vmem_shared>> -> memref<10000x64xf32, #tpu.memory_space<vmem_shared>>
      tpu.enqueue_indirect_dma source(%dma_start3A_1207 : memref<10000x64xf32, #tpu.memory_space<vmem_shared>>) target(%arg12 : memref<128x64xf32, #tpu.memory_space<vmem>>) offsets(%dma_start3A_1204 : memref<128xi32, #tpu.memory_space<vmem>>) semaphore(%arg19 : memref<!tpu.dma_semaphore, #tpu.memory_space<semaphore_mem>>)
      %dma_wait3A_1208 = arith.constant 0 : i32
      %dma_wait3A_1209 = tpu.memref_slice %arg7[%dma_wait3A_1208] : memref<20784xi32, #tpu.memory_space<vmem>> -> memref<128xi32, #tpu.memory_space<vmem>>
      %dma_wait3A_1210 = arith.constant 0 : i32
      %dma_wait3A_1211 = arith.constant 0 : i32
      %dma_wait3A_1212 = tpu.memref_slice %arg15[%dma_wait3A_1210, %dma_wait3A_1211] : memref<10000x64xf32, #tpu.memory_space<vmem_shared>> -> memref<10000x64xf32, #tpu.memory_space<vmem_shared>>
      tpu.wait_indirect_dma semaphore(%arg17 : memref<!tpu.dma_semaphore, #tpu.memory_space<semaphore_mem>>) src(%dma_wait3A_1212 : memref<10000x64xf32, #tpu.memory_space<vmem_shared>>) dst(%arg10 : memref<128x64xf32, #tpu.memory_space<vmem>>)
      %sub3A_1213 = arith.constant 2 : i32
      %sub3A_1214 = arith.subi %add3A_1196, %sub3A_1213 : i32
      %mul3A_1215 = arith.constant 128 : i32
      %mul3A_1216 = arith.muli %sub3A_1214, %mul3A_1215 : i32
      %dma_start3A_1217 = tpu.memref_slice %arg8[%mul3A_1216] : memref<20784xi32, #tpu.memory_space<vmem>> -> memref<128xi32, #tpu.memory_space<vmem>>
      %dma_start3A_1218 = arith.constant 0 : i32
      %dma_start3A_1219 = arith.constant 0 : i32
      %dma_start3A_1220 = tpu.memref_slice %arg14[%dma_start3A_1218, %dma_start3A_1219] : memref<4112x64xf32, #tpu.memory_space<vmem_shared>> -> memref<4112x64xf32, #tpu.memory_space<vmem_shared>>
      tpu.enqueue_indirect_dma source(%arg10 : memref<128x64xf32, #tpu.memory_space<vmem>>) target(%dma_start3A_1220 : memref<4112x64xf32, #tpu.memory_space<vmem_shared>>) offsets(%dma_start3A_1217 : memref<128xi32, #tpu.memory_space<vmem>>) semaphore(%arg21 : memref<!tpu.dma_semaphore, #tpu.memory_space<semaphore_mem>>) {add = true}
      %while3A_1221 = arith.constant 0 : i32
      scf.yield %while3A_1221 : i32
    }
    %while3A_1056 = arith.constant 1 : i32
    %while3A_1057 = scf.for %while3A_1107 = %while3A_1053 to %while3A_1049 step %while3A_1056 iter_args(%while3A_1108 = %while3A_1055) -> (i32)  : i32 {
      %mul3A_1109 = arith.constant 4 : i32
      %mul3A_1110 = arith.muli %mul3A_1109, %while3A_1107 : i32
      %add3A_1111 = arith.constant 0 : i32
      %add3A_1112 = arith.addi %mul3A_1110, %add3A_1111 : i32
      %dma_wait3A_1113 = arith.constant 0 : i32
      %dma_wait3A_1114 = tpu.memref_slice %arg8[%dma_wait3A_1113] : memref<20784xi32, #tpu.memory_space<vmem>> -> memref<128xi32, #tpu.memory_space<vmem>>
      %dma_wait3A_1115 = arith.constant 0 : i32
      %dma_wait3A_1116 = arith.constant 0 : i32
      %dma_wait3A_1117 = tpu.memref_slice %arg14[%dma_wait3A_1115, %dma_wait3A_1116] : memref<4112x64xf32, #tpu.memory_space<vmem_shared>> -> memref<4112x64xf32, #tpu.memory_space<vmem_shared>>
      tpu.wait_indirect_dma semaphore(%arg20 : memref<!tpu.dma_semaphore, #tpu.memory_space<semaphore_mem>>) src(%arg9 : memref<128x64xf32, #tpu.memory_space<vmem>>) dst(%dma_wait3A_1117 : memref<4112x64xf32, #tpu.memory_space<vmem_shared>>)
      %mul3A_1118 = arith.constant 128 : i32
      %mul3A_1119 = arith.muli %add3A_1112, %mul3A_1118 : i32
      %dma_start3A_1120 = tpu.memref_slice %arg7[%mul3A_1119] : memref<20784xi32, #tpu.memory_space<vmem>> -> memref<128xi32, #tpu.memory_space<vmem>>
      %dma_start3A_1121 = arith.constant 0 : i32
      %dma_start3A_1122 = arith.constant 0 : i32
      %dma_start3A_1123 = tpu.memref_slice %arg15[%dma_start3A_1121, %dma_start3A_1122] : memref<10000x64xf32, #tpu.memory_space<vmem_shared>> -> memref<10000x64xf32, #tpu.memory_space<vmem_shared>>
      tpu.enqueue_indirect_dma source(%dma_start3A_1123 : memref<10000x64xf32, #tpu.memory_space<vmem_shared>>) target(%arg9 : memref<128x64xf32, #tpu.memory_space<vmem>>) offsets(%dma_start3A_1120 : memref<128xi32, #tpu.memory_space<vmem>>) semaphore(%arg16 : memref<!tpu.dma_semaphore, #tpu.memory_space<semaphore_mem>>)
      %dma_wait3A_1124 = arith.constant 0 : i32
      %dma_wait3A_1125 = tpu.memref_slice %arg7[%dma_wait3A_1124] : memref<20784xi32, #tpu.memory_space<vmem>> -> memref<128xi32, #tpu.memory_space<vmem>>
      %dma_wait3A_1126 = arith.constant 0 : i32
      %dma_wait3A_1127 = arith.constant 0 : i32
      %dma_wait3A_1128 = tpu.memref_slice %arg15[%dma_wait3A_1126, %dma_wait3A_1127] : memref<10000x64xf32, #tpu.memory_space<vmem_shared>> -> memref<10000x64xf32, #tpu.memory_space<vmem_shared>>
      tpu.wait_indirect_dma semaphore(%arg18 : memref<!tpu.dma_semaphore, #tpu.memory_space<semaphore_mem>>) src(%dma_wait3A_1128 : memref<10000x64xf32, #tpu.memory_space<vmem_shared>>) dst(%arg11 : memref<128x64xf32, #tpu.memory_space<vmem>>)
      %sub3A_1129 = arith.constant 2 : i32
      %sub3A_1130 = arith.subi %add3A_1112, %sub3A_1129 : i32
      %mul3A_1131 = arith.constant 128 : i32
      %mul3A_1132 = arith.muli %sub3A_1130, %mul3A_1131 : i32
      %dma_start3A_1133 = tpu.memref_slice %arg8[%mul3A_1132] : memref<20784xi32, #tpu.memory_space<vmem>> -> memref<128xi32, #tpu.memory_space<vmem>>
      %dma_start3A_1134 = arith.constant 0 : i32
      %dma_start3A_1135 = arith.constant 0 : i32
      %dma_start3A_1136 = tpu.memref_slice %arg14[%dma_start3A_1134, %dma_start3A_1135] : memref<4112x64xf32, #tpu.memory_space<vmem_shared>> -> memref<4112x64xf32, #tpu.memory_space<vmem_shared>>
      tpu.enqueue_indirect_dma source(%arg11 : memref<128x64xf32, #tpu.memory_space<vmem>>) target(%dma_start3A_1136 : memref<4112x64xf32, #tpu.memory_space<vmem_shared>>) offsets(%dma_start3A_1133 : memref<128xi32, #tpu.memory_space<vmem>>) semaphore(%arg22 : memref<!tpu.dma_semaphore, #tpu.memory_space<semaphore_mem>>) {add = true}
      %mul3A_1137 = arith.constant 4 : i32
      %mul3A_1138 = arith.muli %mul3A_1137, %while3A_1107 : i32
      %add3A_1139 = arith.constant 1 : i32
      %add3A_1140 = arith.addi %mul3A_1138, %add3A_1139 : i32
      %dma_wait3A_1141 = arith.constant 0 : i32
      %dma_wait3A_1142 = tpu.memref_slice %arg8[%dma_wait3A_1141] : memref<20784xi32, #tpu.memory_space<vmem>> -> memref<128xi32, #tpu.memory_space<vmem>>
      %dma_wait3A_1143 = arith.constant 0 : i32
      %dma_wait3A_1144 = arith.constant 0 : i32
      %dma_wait3A_1145 = tpu.memref_slice %arg14[%dma_wait3A_1143, %dma_wait3A_1144] : memref<4112x64xf32, #tpu.memory_space<vmem_shared>> -> memref<4112x64xf32, #tpu.memory_space<vmem_shared>>
      tpu.wait_indirect_dma semaphore(%arg21 : memref<!tpu.dma_semaphore, #tpu.memory_space<semaphore_mem>>) src(%arg10 : memref<128x64xf32, #tpu.memory_space<vmem>>) dst(%dma_wait3A_1145 : memref<4112x64xf32, #tpu.memory_space<vmem_shared>>)
      %mul3A_1146 = arith.constant 128 : i32
      %mul3A_1147 = arith.muli %add3A_1140, %mul3A_1146 : i32
      %dma_start3A_1148 = tpu.memref_slice %arg7[%mul3A_1147] : memref<20784xi32, #tpu.memory_space<vmem>> -> memref<128xi32, #tpu.memory_space<vmem>>
      %dma_start3A_1149 = arith.constant 0 : i32
      %dma_start3A_1150 = arith.constant 0 : i32
      %dma_start3A_1151 = tpu.memref_slice %arg15[%dma_start3A_1149, %dma_start3A_1150] : memref<10000x64xf32, #tpu.memory_space<vmem_shared>> -> memref<10000x64xf32, #tpu.memory_space<vmem_shared>>
      tpu.enqueue_indirect_dma source(%dma_start3A_1151 : memref<10000x64xf32, #tpu.memory_space<vmem_shared>>) target(%arg10 : memref<128x64xf32, #tpu.memory_space<vmem>>) offsets(%dma_start3A_1148 : memref<128xi32, #tpu.memory_space<vmem>>) semaphore(%arg17 : memref<!tpu.dma_semaphore, #tpu.memory_space<semaphore_mem>>)
      %dma_wait3A_1152 = arith.constant 0 : i32
      %dma_wait3A_1153 = tpu.memref_slice %arg7[%dma_wait3A_1152] : memref<20784xi32, #tpu.memory_space<vmem>> -> memref<128xi32, #tpu.memory_space<vmem>>
      %dma_wait3A_1154 = arith.constant 0 : i32
      %dma_wait3A_1155 = arith.constant 0 : i32
      %dma_wait3A_1156 = tpu.memref_slice %arg15[%dma_wait3A_1154, %dma_wait3A_1155] : memref<10000x64xf32, #tpu.memory_space<vmem_shared>> -> memref<10000x64xf32, #tpu.memory_space<vmem_shared>>
      tpu.wait_indirect_dma semaphore(%arg19 : memref<!tpu.dma_semaphore, #tpu.memory_space<semaphore_mem>>) src(%dma_wait3A_1156 : memref<10000x64xf32, #tpu.memory_space<vmem_shared>>) dst(%arg12 : memref<128x64xf32, #tpu.memory_space<vmem>>)
      %sub3A_1157 = arith.constant 2 : i32
      %sub3A_1158 = arith.subi %add3A_1140, %sub3A_1157 : i32
      %mul3A_1159 = arith.constant 128 : i32
      %mul3A_1160 = arith.muli %sub3A_1158, %mul3A_1159 : i32
      %dma_start3A_1161 = tpu.memref_slice %arg8[%mul3A_1160] : memref<20784xi32, #tpu.memory_space<vmem>> -> memref<128xi32, #tpu.memory_space<vmem>>
      %dma_start3A_1162 = arith.constant 0 : i32
      %dma_start3A_1163 = arith.constant 0 : i32
      %dma_start3A_1164 = tpu.memref_slice %arg14[%dma_start3A_1162, %dma_start3A_1163] : memref<4112x64xf32, #tpu.memory_space<vmem_shared>> -> memref<4112x64xf32, #tpu.memory_space<vmem_shared>>
      tpu.enqueue_indirect_dma source(%arg12 : memref<128x64xf32, #tpu.memory_space<vmem>>) target(%dma_start3A_1164 : memref<4112x64xf32, #tpu.memory_space<vmem_shared>>) offsets(%dma_start3A_1161 : memref<128xi32, #tpu.memory_space<vmem>>) semaphore(%arg23 : memref<!tpu.dma_semaphore, #tpu.memory_space<semaphore_mem>>) {add = true}
      %mul3A_1165 = arith.constant 4 : i32
      %mul3A_1166 = arith.muli %mul3A_1165, %while3A_1107 : i32
      %add3A_1167 = arith.constant 2 : i32
      %add3A_1168 = arith.addi %mul3A_1166, %add3A_1167 : i32
      %dma_wait3A_1169 = arith.constant 0 : i32
      %dma_wait3A_1170 = tpu.memref_slice %arg8[%dma_wait3A_1169] : memref<20784xi32, #tpu.memory_space<vmem>> -> memref<128xi32, #tpu.memory_space<vmem>>
      %dma_wait3A_1171 = arith.constant 0 : i32
      %dma_wait3A_1172 = arith.constant 0 : i32
      %dma_wait3A_1173 = tpu.memref_slice %arg14[%dma_wait3A_1171, %dma_wait3A_1172] : memref<4112x64xf32, #tpu.memory_space<vmem_shared>> -> memref<4112x64xf32, #tpu.memory_space<vmem_shared>>
      tpu.wait_indirect_dma semaphore(%arg22 : memref<!tpu.dma_semaphore, #tpu.memory_space<semaphore_mem>>) src(%arg11 : memref<128x64xf32, #tpu.memory_space<vmem>>) dst(%dma_wait3A_1173 : memref<4112x64xf32, #tpu.memory_space<vmem_shared>>)
      %mul3A_1174 = arith.constant 128 : i32
      %mul3A_1175 = arith.muli %add3A_1168, %mul3A_1174 : i32
      %dma_start3A_1176 = tpu.memref_slice %arg7[%mul3A_1175] : memref<20784xi32, #tpu.memory_space<vmem>> -> memref<128xi32, #tpu.memory_space<vmem>>
      %dma_start3A_1177 = arith.constant 0 : i32
      %dma_start3A_1178 = arith.constant 0 : i32
      %dma_start3A_1179 = tpu.memref_slice %arg15[%dma_start3A_1177, %dma_start3A_1178] : memref<10000x64xf32, #tpu.memory_space<vmem_shared>> -> memref<10000x64xf32, #tpu.memory_space<vmem_shared>>
      tpu.enqueue_indirect_dma source(%dma_start3A_1179 : memref<10000x64xf32, #tpu.memory_space<vmem_shared>>) target(%arg11 : memref<128x64xf32, #tpu.memory_space<vmem>>) offsets(%dma_start3A_1176 : memref<128xi32, #tpu.memory_space<vmem>>) semaphore(%arg18 : memref<!tpu.dma_semaphore, #tpu.memory_space<semaphore_mem>>)
      %dma_wait3A_1180 = arith.constant 0 : i32
      %dma_wait3A_1181 = tpu.memref_slice %arg7[%dma_wait3A_1180] : memref<20784xi32, #tpu.memory_space<vmem>> -> memref<128xi32, #tpu.memory_space<vmem>>
      %dma_wait3A_1182 = arith.constant 0 : i32
      %dma_wait3A_1183 = arith.constant 0 : i32
      %dma_wait3A_1184 = tpu.memref_slice %arg15[%dma_wait3A_1182, %dma_wait3A_1183] : memref<10000x64xf32, #tpu.memory_space<vmem_shared>> -> memref<10000x64xf32, #tpu.memory_space<vmem_shared>>
      tpu.wait_indirect_dma semaphore(%arg16 : memref<!tpu.dma_semaphore, #tpu.memory_space<semaphore_mem>>) src(%dma_wait3A_1184 : memref<10000x64xf32, #tpu.memory_space<vmem_shared>>) dst(%arg9 : memref<128x64xf32, #tpu.memory_space<vmem>>)
      %sub3A_1185 = arith.constant 2 : i32
      %sub3A_1186 = arith.subi %add3A_1168, %sub3A_1185 : i32
      %mul3A_1187 = arith.constant 128 : i32
      %mul3A_1188 = arith.muli %sub3A_1186, %mul3A_1187 : i32
      %dma_start3A_1189 = tpu.memref_slice %arg8[%mul3A_1188] : memref<20784xi32, #tpu.memory_space<vmem>> -> memref<128xi32, #tpu.memory_space<vmem>>
      %dma_start3A_1190 = arith.constant 0 : i32
      %dma_start3A_1191 = arith.constant 0 : i32
      %dma_start3A_1192 = tpu.memref_slice %arg14[%dma_start3A_1190, %dma_start3A_1191] : memref<4112x64xf32, #tpu.memory_space<vmem_shared>> -> memref<4112x64xf32, #tpu.memory_space<vmem_shared>>
      tpu.enqueue_indirect_dma source(%arg9 : memref<128x64xf32, #tpu.memory_space<vmem>>) target(%dma_start3A_1192 : memref<4112x64xf32, #tpu.memory_space<vmem_shared>>) offsets(%dma_start3A_1189 : memref<128xi32, #tpu.memory_space<vmem>>) semaphore(%arg20 : memref<!tpu.dma_semaphore, #tpu.memory_space<semaphore_mem>>) {add = true}
      %mul3A_1193 = arith.constant 4 : i32
      %mul3A_1194 = arith.muli %mul3A_1193, %while3A_1107 : i32
      %add3A_1195 = arith.constant 3 : i32
      %add3A_1196 = arith.addi %mul3A_1194, %add3A_1195 : i32
      %dma_wait3A_1197 = arith.constant 0 : i32
      %dma_wait3A_1198 = tpu.memref_slice %arg8[%dma_wait3A_1197] : memref<20784xi32, #tpu.memory_space<vmem>> -> memref<128xi32, #tpu.memory_space<vmem>>
      %dma_wait3A_1199 = arith.constant 0 : i32
      %dma_wait3A_1200 = arith.constant 0 : i32
      %dma_wait3A_1201 = tpu.memref_slice %arg14[%dma_wait3A_1199, %dma_wait3A_1200] : memref<4112x64xf32, #tpu.memory_space<vmem_shared>> -> memref<4112x64xf32, #tpu.memory_space<vmem_shared>>
      tpu.wait_indirect_dma semaphore(%arg23 : memref<!tpu.dma_semaphore, #tpu.memory_space<semaphore_mem>>) src(%arg12 : memref<128x64xf32, #tpu.memory_space<vmem>>) dst(%dma_wait3A_1201 : memref<4112x64xf32, #tpu.memory_space<vmem_shared>>)
      %mul3A_1202 = arith.constant 128 : i32
      %mul3A_1203 = arith.muli %add3A_1196, %mul3A_1202 : i32
      %dma_start3A_1204 = tpu.memref_slice %arg7[%mul3A_1203] : memref<20784xi32, #tpu.memory_space<vmem>> -> memref<128xi32, #tpu.memory_space<vmem>>
      %dma_start3A_1205 = arith.constant 0 : i32
      %dma_start3A_1206 = arith.constant 0 : i32
      %dma_start3A_1207 = tpu.memref_slice %arg15[%dma_start3A_1205, %dma_start3A_1206] : memref<10000x64xf32, #tpu.memory_space<vmem_shared>> -> memref<10000x64xf32, #tpu.memory_space<vmem_shared>>
      tpu.enqueue_indirect_dma source(%dma_start3A_1207 : memref<10000x64xf32, #tpu.memory_space<vmem_shared>>) target(%arg12 : memref<128x64xf32, #tpu.memory_space<vmem>>) offsets(%dma_start3A_1204 : memref<128xi32, #tpu.memory_space<vmem>>) semaphore(%arg19 : memref<!tpu.dma_semaphore, #tpu.memory_space<semaphore_mem>>)
      %dma_wait3A_1208 = arith.constant 0 : i32
      %dma_wait3A_1209 = tpu.memref_slice %arg7[%dma_wait3A_1208] : memref<20784xi32, #tpu.memory_space<vmem>> -> memref<128xi32, #tpu.memory_space<vmem>>
      %dma_wait3A_1210 = arith.constant 0 : i32
      %dma_wait3A_1211 = arith.constant 0 : i32
      %dma_wait3A_1212 = tpu.memref_slice %arg15[%dma_wait3A_1210, %dma_wait3A_1211] : memref<10000x64xf32, #tpu.memory_space<vmem_shared>> -> memref<10000x64xf32, #tpu.memory_space<vmem_shared>>
      tpu.wait_indirect_dma semaphore(%arg17 : memref<!tpu.dma_semaphore, #tpu.memory_space<semaphore_mem>>) src(%dma_wait3A_1212 : memref<10000x64xf32, #tpu.memory_space<vmem_shared>>) dst(%arg10 : memref<128x64xf32, #tpu.memory_space<vmem>>)
      %sub3A_1213 = arith.constant 2 : i32
      %sub3A_1214 = arith.subi %add3A_1196, %sub3A_1213 : i32
      %mul3A_1215 = arith.constant 128 : i32
      %mul3A_1216 = arith.muli %sub3A_1214, %mul3A_1215 : i32
      %dma_start3A_1217 = tpu.memref_slice %arg8[%mul3A_1216] : memref<20784xi32, #tpu.memory_space<vmem>> -> memref<128xi32, #tpu.memory_space<vmem>>
      %dma_start3A_1218 = arith.constant 0 : i32
      %dma_start3A_1219 = arith.constant 0 : i32
      %dma_start3A_1220 = tpu.memref_slice %arg14[%dma_start3A_1218, %dma_start3A_1219] : memref<4112x64xf32, #tpu.memory_space<vmem_shared>> -> memref<4112x64xf32, #tpu.memory_space<vmem_shared>>
      tpu.enqueue_indirect_dma source(%arg10 : memref<128x64xf32, #tpu.memory_space<vmem>>) target(%dma_start3A_1220 : memref<4112x64xf32, #tpu.memory_space<vmem_shared>>) offsets(%dma_start3A_1217 : memref<128xi32, #tpu.memory_space<vmem>>) semaphore(%arg21 : memref<!tpu.dma_semaphore, #tpu.memory_space<semaphore_mem>>) {add = true}
      %while3A_1221 = arith.constant 0 : i32
      scf.yield %while3A_1221 : i32
    }
    %dma_wait3A_1058 = arith.constant 0 : i32
    %dma_wait3A_1059 = tpu.memref_slice %arg7[%dma_wait3A_1058] : memref<20784xi32, #tpu.memory_space<vmem>> -> memref<128xi32, #tpu.memory_space<vmem>>
    %dma_wait3A_1060 = arith.constant 0 : i32
    %dma_wait3A_1061 = arith.constant 0 : i32
    %dma_wait3A_1062 = tpu.memref_slice %arg15[%dma_wait3A_1060, %dma_wait3A_1061] : memref<10000x64xf32, #tpu.memory_space<vmem_shared>> -> memref<10000x64xf32, #tpu.memory_space<vmem_shared>>
    tpu.wait_indirect_dma semaphore(%arg18 : memref<!tpu.dma_semaphore, #tpu.memory_space<semaphore_mem>>) src(%dma_wait3A_1062 : memref<10000x64xf32, #tpu.memory_space<vmem_shared>>) dst(%arg11 : memref<128x64xf32, #tpu.memory_space<vmem>>)
    %sub3A_1063 = arith.constant 2 : i32
    %sub3A_1064 = arith.subi %mul3A_970, %sub3A_1063 : i32
    %mul3A_1065 = arith.constant 128 : i32
    %mul3A_1066 = arith.muli %sub3A_1064, %mul3A_1065 : i32
    %dma_start3A_1067 = tpu.memref_slice %arg8[%mul3A_1066] : memref<20784xi32, #tpu.memory_space<vmem>> -> memref<128xi32, #tpu.memory_space<vmem>>
    %dma_start3A_1068 = arith.constant 0 : i32
    %dma_start3A_1069 = arith.constant 0 : i32
    %dma_start3A_1070 = tpu.memref_slice %arg14[%dma_start3A_1068, %dma_start3A_1069] : memref<4112x64xf32, #tpu.memory_space<vmem_shared>> -> memref<4112x64xf32, #tpu.memory_space<vmem_shared>>
    tpu.enqueue_indirect_dma source(%arg11 : memref<128x64xf32, #tpu.memory_space<vmem>>) target(%dma_start3A_1070 : memref<4112x64xf32, #tpu.memory_space<vmem_shared>>) offsets(%dma_start3A_1067 : memref<128xi32, #tpu.memory_space<vmem>>) semaphore(%arg22 : memref<!tpu.dma_semaphore, #tpu.memory_space<semaphore_mem>>) {add = true}
    %dma_wait3A_1071 = arith.constant 0 : i32
    %dma_wait3A_1072 = tpu.memref_slice %arg7[%dma_wait3A_1071] : memref<20784xi32, #tpu.memory_space<vmem>> -> memref<128xi32, #tpu.memory_space<vmem>>
    %dma_wait3A_1073 = arith.constant 0 : i32
    %dma_wait3A_1074 = arith.constant 0 : i32
    %dma_wait3A_1075 = tpu.memref_slice %arg15[%dma_wait3A_1073, %dma_wait3A_1074] : memref<10000x64xf32, #tpu.memory_space<vmem_shared>> -> memref<10000x64xf32, #tpu.memory_space<vmem_shared>>
    tpu.wait_indirect_dma semaphore(%arg19 : memref<!tpu.dma_semaphore, #tpu.memory_space<semaphore_mem>>) src(%dma_wait3A_1075 : memref<10000x64xf32, #tpu.memory_space<vmem_shared>>) dst(%arg12 : memref<128x64xf32, #tpu.memory_space<vmem>>)
    %sub3A_1076 = arith.constant 1 : i32
    %sub3A_1077 = arith.subi %mul3A_970, %sub3A_1076 : i32
    %mul3A_1078 = arith.constant 128 : i32
    %mul3A_1079 = arith.muli %sub3A_1077, %mul3A_1078 : i32
    %dma_start3A_1080 = tpu.memref_slice %arg8[%mul3A_1079] : memref<20784xi32, #tpu.memory_space<vmem>> -> memref<128xi32, #tpu.memory_space<vmem>>
    %dma_start3A_1081 = arith.constant 0 : i32
    %dma_start3A_1082 = arith.constant 0 : i32
    %dma_start3A_1083 = tpu.memref_slice %arg14[%dma_start3A_1081, %dma_start3A_1082] : memref<4112x64xf32, #tpu.memory_space<vmem_shared>> -> memref<4112x64xf32, #tpu.memory_space<vmem_shared>>
    tpu.enqueue_indirect_dma source(%arg12 : memref<128x64xf32, #tpu.memory_space<vmem>>) target(%dma_start3A_1083 : memref<4112x64xf32, #tpu.memory_space<vmem_shared>>) offsets(%dma_start3A_1080 : memref<128xi32, #tpu.memory_space<vmem>>) semaphore(%arg23 : memref<!tpu.dma_semaphore, #tpu.memory_space<semaphore_mem>>) {add = true}
    %dma_wait3A_1084 = arith.constant 0 : i32
    %dma_wait3A_1085 = tpu.memref_slice %arg8[%dma_wait3A_1084] : memref<20784xi32, #tpu.memory_space<vmem>> -> memref<128xi32, #tpu.memory_space<vmem>>
    %dma_wait3A_1086 = arith.constant 0 : i32
    %dma_wait3A_1087 = arith.constant 0 : i32
    %dma_wait3A_1088 = tpu.memref_slice %arg14[%dma_wait3A_1086, %dma_wait3A_1087] : memref<4112x64xf32, #tpu.memory_space<vmem_shared>> -> memref<4112x64xf32, #tpu.memory_space<vmem_shared>>
    tpu.wait_indirect_dma semaphore(%arg20 : memref<!tpu.dma_semaphore, #tpu.memory_space<semaphore_mem>>) src(%arg9 : memref<128x64xf32, #tpu.memory_space<vmem>>) dst(%dma_wait3A_1088 : memref<4112x64xf32, #tpu.memory_space<vmem_shared>>)
    %dma_wait3A_1089 = arith.constant 0 : i32
    %dma_wait3A_1090 = tpu.memref_slice %arg8[%dma_wait3A_1089] : memref<20784xi32, #tpu.memory_space<vmem>> -> memref<128xi32, #tpu.memory_space<vmem>>
    %dma_wait3A_1091 = arith.constant 0 : i32
    %dma_wait3A_1092 = arith.constant 0 : i32
    %dma_wait3A_1093 = tpu.memref_slice %arg14[%dma_wait3A_1091, %dma_wait3A_1092] : memref<4112x64xf32, #tpu.memory_space<vmem_shared>> -> memref<4112x64xf32, #tpu.memory_space<vmem_shared>>
    tpu.wait_indirect_dma semaphore(%arg21 : memref<!tpu.dma_semaphore, #tpu.memory_space<semaphore_mem>>) src(%arg10 : memref<128x64xf32, #tpu.memory_space<vmem>>) dst(%dma_wait3A_1093 : memref<4112x64xf32, #tpu.memory_space<vmem_shared>>)
    %dma_wait3A_1094 = arith.constant 0 : i32
    %dma_wait3A_1095 = tpu.memref_slice %arg8[%dma_wait3A_1094] : memref<20784xi32, #tpu.memory_space<vmem>> -> memref<128xi32, #tpu.memory_space<vmem>>
    %dma_wait3A_1096 = arith.constant 0 : i32
    %dma_wait3A_1097 = arith.constant 0 : i32
    %dma_wait3A_1098 = tpu.memref_slice %arg14[%dma_wait3A_1096, %dma_wait3A_1097] : memref<4112x64xf32, #tpu.memory_space<vmem_shared>> -> memref<4112x64xf32, #tpu.memory_space<vmem_shared>>
    tpu.wait_indirect_dma semaphore(%arg22 : memref<!tpu.dma_semaphore, #tpu.memory_space<semaphore_mem>>) src(%arg11 : memref<128x64xf32, #tpu.memory_space<vmem>>) dst(%dma_wait3A_1098 : memref<4112x64xf32, #tpu.memory_space<vmem_shared>>)
    %dma_wait3A_1099 = arith.constant 0 : i32
    %dma_wait3A_1100 = tpu.memref_slice %arg8[%dma_wait3A_1099] : memref<20784xi32, #tpu.memory_space<vmem>> -> memref<128xi32, #tpu.memory_space<vmem>>
    %dma_wait3A_1101 = arith.constant 0 : i32
    %dma_wait3A_1102 = arith.constant 0 : i32
    %dma_wait3A_1103 = tpu.memref_slice %arg14[%dma_wait3A_1101, %dma_wait3A_1102] : memref<4112x64xf32, #tpu.memory_space<vmem_shared>> -> memref<4112x64xf32, #tpu.memory_space<vmem_shared>>
    tpu.wait_indirect_dma semaphore(%arg23 : memref<!tpu.dma_semaphore, #tpu.memory_space<semaphore_mem>>) src(%arg12 : memref<128x64xf32, #tpu.memory_space<vmem>>) dst(%dma_wait3A_1103 : memref<4112x64xf32, #tpu.memory_space<vmem_shared>>)
    %barrier3A_1104 = arith.constant 0 : index
    tpu.barrier barrier_id(%barrier3A_1104)
    %mul3A_1105 = arith.constant 256 : i32
    %mul3A_1106 = arith.muli %arg1, %mul3A_1105 : i32
    "tpu.region"() ({
      %run_scoped3A_1107 = tpu.sem_alloc : memref<!tpu.dma_semaphore, #tpu.memory_space<semaphore_mem>>
      %dma_start3A_1108 = arith.constant 0 : i32
      %dma_start3A_1109 = tpu.memref_slice %arg6[%arg0, %mul3A_1106, %dma_start3A_1108] : memref<2x4096x64xf32, #tpu.memory_space<hbm>> -> memref<1x256x64xf32, #tpu.memory_space<hbm>>
      %dma_start3A_1110 = tpu.memref_squeeze %dma_start3A_1109 : memref<1x256x64xf32, #tpu.memory_space<hbm>> -> memref<256x64xf32, #tpu.memory_space<hbm>>
      %dma_start3A_1111 = arith.constant 0 : i32
      %dma_start3A_1112 = tpu.memref_slice %arg14[%mul3A_1106, %dma_start3A_1111] : memref<4112x64xf32, #tpu.memory_space<vmem_shared>> -> memref<256x64xf32, #tpu.memory_space<vmem_shared>>
      tpu.enqueue_dma source(%dma_start3A_1112 : memref<256x64xf32, #tpu.memory_space<vmem_shared>>) target(%dma_start3A_1110 : memref<256x64xf32, #tpu.memory_space<hbm>>) target_semaphore(%run_scoped3A_1107 : memref<!tpu.dma_semaphore, #tpu.memory_space<semaphore_mem>>)
      %dma_wait3A_1113 = arith.constant 0 : i32
      %dma_wait3A_1114 = tpu.memref_slice %arg6[%arg0, %mul3A_1106, %dma_wait3A_1113] : memref<2x4096x64xf32, #tpu.memory_space<hbm>> -> memref<1x256x64xf32, #tpu.memory_space<hbm>>
      %dma_wait3A_1115 = tpu.memref_squeeze %dma_wait3A_1114 : memref<1x256x64xf32, #tpu.memory_space<hbm>> -> memref<256x64xf32, #tpu.memory_space<hbm>>
      %dma_wait3A_1116 = arith.constant 0 : i32
      %dma_wait3A_1117 = tpu.memref_slice %arg14[%mul3A_1106, %dma_wait3A_1116] : memref<4112x64xf32, #tpu.memory_space<vmem_shared>> -> memref<256x64xf32, #tpu.memory_space<vmem_shared>>
      tpu.wait_dma2 semaphore(%run_scoped3A_1107 : memref<!tpu.dma_semaphore, #tpu.memory_space<semaphore_mem>>) src(%dma_wait3A_1117 : memref<256x64xf32, #tpu.memory_space<vmem_shared>>) dst(%dma_wait3A_1115 : memref<256x64xf32, #tpu.memory_space<hbm>>)
      tpu.yield
    }) : () -> ()
    return
  }
}

</mosaic_0001>

<sc_bundles>
// kernel: kernel.3.cloned.1.call-start
scs
__scs_entry_jumppad:
0x0: {  	(pc) =	sbr.rel $0x88, $3  }
0x1: {  	(tag) =	ssettag $0x0;
	lr =	simm.s32 $0x1  }
0x2: {  	[smem:$0x3F9E] =	sst lr;
	_ =	strace $0xD0000000  }
0x3: {  	_ = 	snop  }
0x4: {  	_ = 	snop  }
0x5: {  	_ = 	snop  }
0x6: {  	_ = 	snop  }
0x7: {  	_ = 	snop  }
__scs_overlays_trampoline_lowered:
0x8: {  	[smem:$0x3FAD] =	sst s0  }
0x9: {  	[smem:$0x3FAE] =	sst s1  }
0xa: {  	[smem:$0x3FAF] =	sst s2  }
0xb: {  	[smem:$0x3FB0] =	sst s3  }
0xc: {  	[smem:$0x3FB1] =	sst s4  }
0xd: {  	[smem:$0x3FB2] =	sst s5  }
0xe: {  	[smem:$0x3FB3] =	sst s6  }
0xf: {  	[smem:$0x3FB4] =	sst s7  }
0x10: {  	[smem:$0x3FB5] =	sst s8  }
0x11: {  	[smem:$0x3FB6] =	sst s9;
	s0 =	simm.s32 @!p0 $0x0  }
0x12: {  	s1 =	sld [smem:$0x3F9C];
	s0 =	simm.s32 @p0 $0x1  }
0x13: {  	[smem:$0x3FB7] =	sst s0;
	s0 =	simm.s32 @!p1 $0x0  }
0x14: {  	s2 =	sld [smem:$0x3F9B];
	s0 =	simm.s32 @p1 $0x1  }
0x15: {  	[smem:$0x3FB8] =	sst s0;
	s0 =	simm.s32 @!p2 $0x0  }
0x16: {  	s3 =	sld [smem:$0x3FDB];
	s0 =	simm.s32 @p2 $0x1  }
0x17: {  	s4 =	simm.s32 $0x1BF5;
	[smem:$0x3FBA] =	sst s0  }
0x18: {  	s0 =	sld [smem:$0x3F9D];
	_ =	swait.ge [sflag:s4], $0x0  }
0x19: {  	s7 =	sld [smem:$0x3F9E]  }
0x1a: {  	s8 =	sadd.s32 $0xFFFFE003, lr  }
0x1b: {  	s9 =	sadd.s32 $0xFFFFFEF7, lr;
	s5 =	simm.s32 $0xFFFFFFFF;
	p2 =	slt.u32 s8, $0xFFFFF086  }
0x1c: {  	p1 =	slt.u32 s9, $0xF7A;
	s5 =	simm.s32 @!p2 $0x0  }
0x1d: {  	s5 =	simm.s32 @p1 $0x1;
	p0 =	seq.s32 s7, s2  }
0x1e: {  	s7 =	smul.u32 @!p0 $0xF7A, s2;
	p2 =	seq.s32 @!p0 s5, $0x0  }
0x1f: {  	s9 =	smul.u32 $0xF7A, s1;
	s8 =	simm.s32 @!p0 $0x1BF5;
	p2 =	por !p2, p0  }
0x20: {  	[sflag:s8] =	ssyncset.s32 @!p0 $0xFFFFF086;
	s6 =	sadd.s32 @!p0 s3, s7;
	s7 =	simm.s32 @!p0 $0x108  }
0x21: {  	s3 =	sadd.s32 s3, s9;
	s6 =	sadd.s32 @!p0 $0x88, s6;
	s7 =	simm.s32 @p2 $0x1082  }
0x22: {  	[simem:s7], [sflag:s8] =	dma.local @!p0 [hbm:s6], $0xF7A  }
0x23: {  	s9 =	sor.u32 $0xD0000000, s2;
	s6 =	simm.s32 $0x108;
	_ =	swait.ge @!p0 [sflag:s8], $0x0  }
0x24: {  	s3 =	sadd.s32 $0x88, s3;
	s6 =	simm.s32 @!p1 $0x1082;
	[sflag:s4] =	ssyncset.s32 $0xFFFFF086  }
0x25: {  	[simem:s6], [sflag:s4] =	dma.local [hbm:s3], $0xF7A  }
0x26: {  	[smem:$0x3F9E] =	sst s1;
	(tag) =	ssettag s2;
	_ =	strace s9  }
0x27: {  	s1 =	sld [smem:$0x3FAE]  }
0x28: {  	s2 =	sld [smem:$0x3FAF]  }
0x29: {  	s4 =	sld [smem:$0x3FB1]  }
0x2a: {  	p0 =	seq.s32 s5, $0x0;
	s5 =	sld [smem:$0x3FB2]  }
0x2b: {  	s6 =	sld [smem:$0x3FB3]  }
0x2c: {  	s7 =	sld [smem:$0x3FB4]  }
0x2d: {  	s3 =	simm.s32 $0x108;
	s8 =	sld [smem:$0x3FB5]  }
0x2e: {  	s3 =	simm.s32 @!p0 $0x1082;
	s9 =	sld [smem:$0x3FB6]  }
0x2f: {  	lr =	sadd.s32 s0, s3;
	s0 =	sld [smem:$0x3FAD]  }
0x30: {  	s3 =	sld [smem:$0x3FB0]  }
0x31: {  	[smem:$0x3FB9] =	sst s10  }
0x32: {  	s10 =	sld [smem:$0x3FB7];
	_ =	sdelay $0x3  }
0x33: {  	p0 =	seq.s32 s10, $0x1;
	s10 =	sld [smem:$0x3FB9];
	_ =	sdelay $0x3  }
0x34: {  	[smem:$0x3FB9] =	sst s10  }
0x35: {  	s10 =	sld [smem:$0x3FB8];
	_ =	sdelay $0x3  }
0x36: {  	p1 =	seq.s32 s10, $0x1;
	s10 =	sld [smem:$0x3FB9];
	_ =	sdelay $0x3  }
0x37: {  	[smem:$0x3FB9] =	sst s10  }
0x38: {  	s10 =	sld [smem:$0x3FBA]  }
0x39: {  	_ = 	snop;
	(pc) =	sbr.ind lr, $3  }
0x3a: {  	_ = 	snop  }
0x3b: {  	_ = 	snop  }
0x3c: {  	p2 =	seq.s32 s10, $0x1;
	s10 =	sld [smem:$0x3FB9]  }
0x3d: {  	_ =	shalt  }
0x3e: {  	_ =	shalt  }
0x3f: {  	_ =	shalt  }
0x40: {  	_ =	shalt  }
0x41: {  	_ =	shalt  }
0x42: {  	_ =	shalt  }
0x43: {  	_ =	shalt  }
0x44: {  	_ =	shalt  }
0x45: {  	_ =	shalt  }
0x46: {  	_ =	shalt  }
0x47: {  	_ =	shalt  }
0x48: {  	_ =	shalt  }
0x49: {  	_ =	shalt  }
0x4a: {  	_ =	shalt  }
0x4b: {  	_ =	shalt  }
0x4c: {  	_ =	shalt  }
0x4d: {  	_ =	shalt  }
0x4e: {  	_ =	shalt  }
0x4f: {  	_ =	shalt  }
0x50: {  	_ =	shalt  }
0x51: {  	_ =	shalt  }
0x52: {  	_ =	shalt  }
0x53: {  	_ =	shalt  }
0x54: {  	_ =	shalt  }
0x55: {  	_ =	shalt  }
0x56: {  	_ =	shalt  }
0x57: {  	_ =	shalt  }
0x58: {  	_ =	shalt  }
0x59: {  	_ =	shalt  }
0x5a: {  	_ =	shalt  }
0x5b: {  	_ =	shalt  }
0x5c: {  	_ =	shalt  }
0x5d: {  	_ =	shalt  }
0x5e: {  	_ =	shalt  }
0x5f: {  	_ =	shalt  }
0x60: {  	_ =	shalt  }
0x61: {  	_ =	shalt  }
0x62: {  	_ =	shalt  }
0x63: {  	_ =	shalt  }
0x64: {  	_ =	shalt  }
0x65: {  	_ =	shalt  }
0x66: {  	_ =	shalt  }
0x67: {  	_ =	shalt  }
0x68: {  	_ =	shalt  }
0x69: {  	_ =	shalt  }
0x6a: {  	_ =	shalt  }
0x6b: {  	_ =	shalt  }
0x6c: {  	_ =	shalt  }
0x6d: {  	_ =	shalt  }
0x6e: {  	_ =	shalt  }
0x6f: {  	_ =	shalt  }
0x70: {  	_ =	shalt  }
0x71: {  	_ =	shalt  }
0x72: {  	_ =	shalt  }
0x73: {  	_ =	shalt  }
0x74: {  	_ =	shalt  }
0x75: {  	_ =	shalt  }
0x76: {  	_ =	shalt  }
0x77: {  	_ =	shalt  }
0x78: {  	_ =	shalt  }
0x79: {  	_ =	shalt  }
0x7a: {  	_ =	shalt  }
0x7b: {  	_ =	shalt  }
0x7c: {  	_ =	shalt  }
0x7d: {  	_ =	shalt  }
0x7e: {  	_ =	shalt  }
0x7f: {  	_ =	shalt  }
0x80: {  	_ =	shalt  }
0x81: {  	_ =	shalt  }
0x82: {  	_ =	shalt  }
0x83: {  	_ =	shalt  }
0x84: {  	_ =	shalt  }
0x85: {  	_ =	shalt  }
0x86: {  	_ =	shalt  }
0x87: {  	_ =	shalt  }
.Lfunc_end0:
.L_simem_size_0:
called_computation_lowered:
.L_overlay_start_0:
0x88: {  	s2 =	sld [smem:$0x3FD9]  }
0x89: {  	s3 =	sld [smem:$0x3FFE];
	_ =	sdelay $0x1  }
0x8a: {  	s1 =	srdreg.scid  }
0x8b: {  	s0 =	sand.u32 $0x1, s1  }
0x8c: {  	s17 =	sshll.u32 s0, $0xA;
	s2 =	sadd.s32 s3, s2  }
0x8d: {  	s2 =	sadd.s32 s2, s17  }
0x8e: {  	[smem:$0x3FC5] =	sst s2  }
0x8f: {  	_ = 	snop  }
0x90: {  	s2 =	sld [smem:$0x3FC9]  }
0x91: {  	s18 =	sld [smem:$0x3FD0];
	(tm) =	ssettm $0x1  }
0x92: {  	s4 =	sld [smem:$0x3FFB];
	_ =	sdelay $0x3  }
0x93: {  	_ =	strace s4  }
0x94: {  	s4 =	sld [smem:$0x3FFC];
	_ =	sdelay $0x3  }
0x95: {  	_ =	strace s4  }
0x96: {  	s4 =	sld [smem:$0x3FFD];
	_ =	sdelay $0x3  }
0x97: {  	_ =	strace s4  }
0x98: {  	_ =	strace $0x8FFFFFFF  }
0x99: {  	s19 =	sld [smem:$0x3FDB];
	_ =	sdelay $0x1  }
0x9a: {  	s5 =	simm.s32 $_scs_section_size  }
0x9b: {  	s6 =	simm.s32 $_size__tile_overlayer_lowered;
	s7 =	simm.s32 $_tile_overlayer_lowered  }
0x9c: {  	s22 =	simm.s32 $0x1BFF;
	s21 =	sshll.u32 s7, $0x1;
	s4 =	sadd.s32 s5, s19  }
0x9d: {  	s8 =	simm.s32 $0x0;
	s20 =	sshll.u32 s6, $0x1;
	s6 =	sadd.s32 s21, s4  }
0x9e: {  	[timem:s8], [sflag:s22] =	dma.local [hbm:s6], s20  }
0x9f: {  	_ =	swait.ge [sflag:s22], s20  }
0xa0: {  	s5 =	ssub.s32 $0x0, s20;
	[sflag:s22] =	ssyncset.done $0x0  }
0xa1: {  	[sflag:s22] =	ssyncadd.s32 s5;
	_ =	sdelay $0x1  }
0xa2: {  	s23 =	simm.s32 $0x1B8B  }
0xa3: {  	_ =	swait.ge [sflag:s23], $0x1  }
0xa4: {  	[sflag:s23] =	ssyncset.done $0x0  }
0xa5: {  	s25 =	simm.s32 $0x1B8E;
	s24 =	sld [smem:$0x3FFE];
	[sflag:s23] =	ssyncadd.s32 $0xFFFFFFFF  }
0xa6: {  	s26 =	simm.s32 $execute0_lowered;
	[smem:$0x3FD2] =	sst s25  }
0xa7: {  	s6 =	sshll.u32 s26, $0x1;
	_ =	strace $0x80000046;
	[dreg:$0x1] =	wrdreg $0xFFFFFFFF  }
0xa8: {  	s28 =	simm.s32 $_size_execute0_lowered;
	s4 =	sadd.s32 s4, s6;
	[dreg:$0x0] =	wrdreg $0x0  }
0xa9: {  	s6 =	sshll.u32 s28, $0x1;
	[dreg:$0x2] =	wrdreg s4  }
0xaa: {  	[dreg:$0x3] =	wrdreg s6  }
0xab: {  	[dreg:$0x4] =	wrdreg $0xC0  }
0xac: {  	_ =	task [dreg:s8], $0x5FFFF  }
0xad: {  	[dreg:$0x1] =	wrdreg $0xFFFFFFFF  }
0xae: {  	[dreg:$0x0] =	wrdreg $0x60  }
0xaf: {  	[dreg:$0x2] =	wrdreg s2  }
0xb0: {  	[dreg:$0x3] =	wrdreg s18  }
0xb1: {  	[dreg:$0x4] =	wrdreg s24  }
0xb2: {  	[dreg:$0x5] =	wrdreg $0x122E00  }
0xb3: {  	[dreg:$0x6] =	wrdreg $0x163200  }
0xb4: {  	[dreg:$0x7] =	wrdreg $0x9  }
0xb5: {  	_ =	task.clear_ibuf [dreg:s8], $0x8FFFF;
	_ =	strace $0x90000046  }
0xb6: {  	s29 =	simm.s32 $0x9;
	_ =	strace $0x80000048  }
0xb7: {  	_ =	swait.ge [sflag:s29], $0x1  }
0xb8: {  	[sflag:s29] =	ssyncadd.s32 $0xFFFFFFFF  }
0xb9: {  	_ =	strace $0x90000048  }
0xba: {  	_ =	sfence  }
0xbb: {  	s30 =	sld [smem:$0x0];
	_ =	sdelay $0x2  }
0xbc: {  	s31 =	sshll.u32 s1, $0xD;
	s1 =	sshrl.u32 s1, $0x2  }
0xbd: {  	s3 =	sand.u32 $0x4000, s31;
	s1 =	sadd.s32 s1, s30  }
0xbe: {  	s0 =	sor.u32 s3, s0;
	s1 =	sshll.u32 s1, $0x11  }
0xbf: {  	s0 =	sor.u32 s1, s0  }
0xc0: {  	s0 =	sadd.s32 $0x8F2B, s0  }
0xc1: {  	[sflag:s0] =	ssyncadd.remote.s32 $0x1  }
0xc2: {  	_ =	sfence.sel $0xFFFF  }
0xc3: {  	[dreg:$0x0] =	wrdreg $0xFFFFFFFF;
	(pc) =	sbr.abs _section_cstart, $3  }
0xc4: {  	[dreg:$0x1] =	wrdreg $0xFFFFFFFF  }
0xc5: {  	_ =	task.clear_ibuf [dreg:s8], $0x2FFFF;
	_ =	strace $0x9FFFFFFF  }
0xc6: {  	(tm) =	ssettm $0x7FFFFFFF  }
0xc7: {  	_ =	shalt  }
tec
execute0_lowered:
.L_overlay_start_1:
0x0: {  	(tag) =	ssettag $0x1  }
0x1: {  	s18 =	stileid.u32  }
0x2: {  	s6 =	smul.u32 $0x271, s18  }
0x3: {  	v34 =	vlaneseq.u32  }
0x4: {  	v41 =	vimm.s32 $0x0;
	v42 =	vimm.s32 $0x1000;
	v0 =	vadd.s32 s6, v34;
	s3 =	sadd.s32 $0x270, s6;
	s0 =	sadd.s32 $0x10, s6  }
0x5: {  	s5 =	sadd.s32 $0x20, s6;
	s7 =	sadd.s32 $0x30, s6;
	s8 =	sadd.s32 $0x40, s6;
	v0 =	vmin.u32 v0, s3;
	v1 =	vadd.s32 s0, v34;
	v37 =	vmov s3  }
0x6: {  	s9 =	sadd.s32 $0x50, s6;
	s10 =	sadd.s32 $0x60, s6;
	s11 =	sadd.s32 $0x70, s6;
	v2 =	vadd.s32 s5, v34;
	v3 =	vadd.s32 s7, v34;
	v4 =	vadd.s32 s8, v34  }
0x7: {  	s12 =	sadd.s32 $0x90, s6;
	s13 =	sadd.s32 $0xA0, s6;
	s14 =	sadd.s32 $0xB0, s6;
	v5 =	vadd.s32 s9, v34;
	v6 =	vadd.s32 s10, v34;
	v7 =	vadd.s32 s11, v34  }
0x8: {  	s15 =	sadd.s32 $0xC0, s6;
	s16 =	sadd.s32 $0xD0, s6;
	s17 =	sadd.s32 $0xE0, s6;
	v9 =	vadd.s32 s12, v34;
	v10 =	vadd.s32 s13, v34;
	v11 =	vadd.s32 s14, v34  }
0x9: {  	s19 =	sadd.s32 $0xF0, s6;
	s20 =	sadd.s32 $0x110, s6;
	s2 =	sadd.s32 $0x120, s6;
	v12 =	vadd.s32 s15, v34;
	v13 =	vadd.s32 s16, v34;
	v14 =	vadd.s32 s17, v34  }
0xa: {  	s21 =	sadd.s32 $0x130, s6;
	s4 =	sadd.s32 $0x140, s6;
	s22 =	sadd.s32 $0x170, s6;
	v15 =	vadd.s32 s19, v34;
	v17 =	vadd.s32 s20, v34;
	v18 =	vadd.s32 s2, v34  }
0xb: {  	s25 =	sadd.s32 $0x1A0, s6;
	v19 =	vadd.s32 s21, v34;
	v20 =	vadd.s32 s4, v34;
	v23 =	vadd.s32 s22, v34  }
0xc: {  	v26 =	vadd.s32 s25, v34;
	v0 =	vshll.u32 v0, $0x1;
	v1 =	vmin.u32 v1, s3  }
0xd: {  	v2 =	vmin.u32 v2, s3;
	v3 =	vmin.u32 v3, s3;
	v4 =	vmin.u32 v4, s3  }
0xe: {  	s7 =	sadd.s32 $0x80, s6;
	v5 =	vmin.u32 v5, s3;
	v6 =	vmin.u32 v6, s3;
	v7 =	vmin.u32 v7, s3  }
0xf: {  	v8 =	vadd.s32 s7, v34;
	v9 =	vmin.u32 v9, s3;
	v10 =	vmin.u32 v10, s3  }
0x10: {  	s9 =	sadd.s32 $0x100, s6;
	v11 =	vmin.u32 v11, s3;
	v12 =	vmin.u32 v12, s3;
	v13 =	vmin.u32 v13, s3  }
0x11: {  	v14 =	vmin.u32 v14, s3;
	v15 =	vmin.u32 v15, s3;
	v16 =	vadd.s32 s9, v34  }
0x12: {  	s5 =	sadd.s32 $0x150, s6;
	s10 =	sadd.s32 $0x160, s6;
	v17 =	vmin.u32 v17, s3;
	v18 =	vmin.u32 v18, s3;
	v19 =	vmin.u32 v19, s3  }
0x13: {  	s13 =	sadd.s32 $0x180, s6;
	s14 =	sadd.s32 $0x190, s6;
	v20 =	vmin.u32 v20, s3;
	v21 =	vadd.s32 s5, v34;
	v22 =	vadd.s32 s10, v34  }
0x14: {  	s1 =	srdreg.scid;
	s17 =	sadd.s32 $0x1B0, s6;
	s19 =	sadd.s32 $0x1C0, s6;
	v23 =	vmin.u32 v23, s3;
	v24 =	vadd.s32 s13, v34;
	v25 =	vadd.s32 s14, v34  }
0x15: {  	s0 =	sand.u32 $0x1, s1;
	v26 =	vmin.u32 v26, s3;
	v27 =	vadd.s32 s17, v34;
	v28 =	vadd.s32 s19, v34  }
0x16: {  	v63 =	vshll.u32 v37, $0x1;
	v0 =	vor.u32 s0, v0;
	v1 =	vshll.u32 v1, $0x1  }
0x17: {  	v2 =	vshll.u32 v2, $0x1;
	v3 =	vshll.u32 v3, $0x1;
	v4 =	vshll.u32 v4, $0x1  }
0x18: {  	v5 =	vshll.u32 v5, $0x1;
	v6 =	vshll.u32 v6, $0x1;
	v7 =	vshll.u32 v7, $0x1  }
0x19: {  	v8 =	vmin.u32 v8, s3;
	v9 =	vshll.u32 v9, $0x1;
	v10 =	vshll.u32 v10, $0x1  }
0x1a: {  	v11 =	vshll.u32 v11, $0x1;
	v12 =	vshll.u32 v12, $0x1;
	v13 =	vshll.u32 v13, $0x1  }
0x1b: {  	v14 =	vshll.u32 v14, $0x1;
	v15 =	vshll.u32 v15, $0x1;
	v16 =	vmin.u32 v16, s3  }
0x1c: {  	v17 =	vshll.u32 v17, $0x1;
	v18 =	vshll.u32 v18, $0x1;
	v19 =	vshll.u32 v19, $0x1  }
0x1d: {  	s24 =	smul.u32 $0x10100, s18;
	v20 =	vshll.u32 v20, $0x1;
	v21 =	vmin.u32 v21, s3;
	v22 =	vmin.u32 v22, s3  }
0x1e: {  	s1 =	rddreg [dreg:$0x0];
	v23 =	vshll.u32 v23, $0x1;
	v24 =	vmin.u32 v24, s3;
	v25 =	vmin.u32 v25, s3  }
0x1f: {  	s14 =	sshrl.u32 s24, $0x2;
	s24 =	sadd.s32 $0x1E0, s6;
	s19 =	sadd.s32 $0x200, s6;
	v26 =	vshll.u32 v26, $0x1;
	v27 =	vmin.u32 v27, s3;
	v28 =	vmin.u32 v28, s3  }
0x20: {  	s11 =	rddreg [dreg:$0x1];
	v30 =	vadd.s32 s24, v34;
	v32 =	vadd.s32 s19, v34;
	v1 =	vor.u32 s0, v1  }
0x21: {  	s28 =	simm.s32 $0x2;
	s8 =	rddreg [dreg:$0x2];
	v2 =	vor.u32 s0, v2;
	v3 =	vor.u32 s0, v3;
	v4 =	vor.u32 s0, v4  }
0x22: {  	s30 =	simm.s32 $0xE260;
	s29 =	simm.s32 $0x5;
	s2 =	rddreg [dreg:$0x3];
	v5 =	vor.u32 s0, v5;
	v6 =	vor.u32 s0, v6;
	v7 =	vor.u32 s0, v7  }
0x23: {  	s31 =	simm.s32 $0x3;
	s4 =	rddreg [dreg:$0x4];
	s20 =	smul.u32 $0x4E20, s18;
	v8 =	vshll.u32 v8, $0x1;
	v9 =	vor.u32 s0, v9;
	v10 =	vor.u32 s0, v10  }
0x24: {  	s21 =	sshll.u32 s18, $0x6;
	s22 =	smul.u32 $0x27100, s18;
	s5 =	simm.s32 $0x0;
	v11 =	vor.u32 s0, v11;
	v12 =	vor.u32 s0, v12;
	v13 =	vor.u32 s0, v13  }
0x25: {  	s12 =	sshll.u32 s0, $0x12;
	s10 =	sshll.u32 s18, $0xE;
	s15 =	sadd.s32 $0x600, s8;
	v14 =	vor.u32 s0, v14;
	v15 =	vor.u32 s0, v15;
	v16 =	vshll.u32 v16, $0x1  }
0x26: {  	s23 =	sadd.s32 $0x800, s8;
	s26 =	ssub.s32 $0x2, s0;
	s7 =	sshll.u32 s7, $0x6;
	v17 =	vor.u32 s0, v17;
	v18 =	vor.u32 s0, v18;
	v19 =	vor.u32 s0, v19  }
0x27: {  	s18 =	sshll.u32 s9, $0x6;
	[smem:$0x7FF] =	sst s5;
	s12 =	sor.u32 s10, s12;
	v20 =	vor.u32 s0, v20;
	v21 =	vshll.u32 v21, $0x1;
	v22 =	vshll.u32 v22, $0x1  }
0x28: {  	s16 =	sshrl.u32 s26, $0x1;
	s14 =	sadd.s32 s14, s2;
	s25 =	sshrl.u32 s22, $0x2;
	v23 =	vor.u32 s0, v23;
	v24 =	vshll.u32 v24, $0x1;
	v25 =	vshll.u32 v25, $0x1  }
0x29: {  	s7 =	sadd.s32 s7, s4;
	s22 =	sadd.s32 $0x220, s6;
	s24 =	sadd.s32 $0x240, s6;
	v26 =	vor.u32 s0, v26;
	v27 =	vshll.u32 v27, $0x1;
	v28 =	vshll.u32 v28, $0x1  }
0x2a: {  	s9 =	sshll.u32 s19, $0x6;
	_ =	strace $0x80000047;
	[dreg:$0x6] =	wrdreg s15;
	v30 =	vmin.u32 v30, s3;
	v32 =	vmin.u32 v32, s3;
	v35 =	vadd.s32 s22, v34  }
0x2b: {  	s19 =	simm.s32 $0x9;
	[dreg:$0x7] =	wrdreg s23;
	s12 =	sshrl.u32 s12, $0x3;
	v38 =	vadd.s32 s24, v34;
	v8 =	vor.u32 s0, v8;
	v16 =	vor.u32 s0, v16  }
0x2c: {  	s17 =	ssub.s32 s26, s16;
	s23 =	sadd.s32 $0x1D0, s6;
	s16 =	sshrl.u32 s20, $0x3;
	v21 =	vor.u32 s0, v21;
	v22 =	vor.u32 s0, v22;
	v24 =	vor.u32 s0, v24  }
0x2d: {  	s26 =	sadd.s32 $0x1F0, s6;
	[dreg:$0xb] =	wrdreg s7;
	s7 =	sadd.s32 s18, s4;
	v25 =	vor.u32 s0, v25;
	v27 =	vor.u32 s0, v27;
	v29 =	vadd.s32 s23, v34  }
0x2e: {  	s20 =	sshll.u32 s13, $0x6;
	s9 =	sadd.s32 s9, s4;
	s18 =	sshrl.u32 s14, $0x3;
	v28 =	vor.u32 s0, v28;
	v31 =	vadd.s32 s26, v34;
	v30 =	vshll.u32 v30, $0x1  }
0x2f: {  	s12 =	sadd.s32 s12, s8;
	s8 =	sor.u32 $0x1C09, s21;
	s16 =	sadd.s32 s11, s16;
	v32 =	vshll.u32 v32, $0x1;
	v35 =	vmin.u32 v35, s3;
	v38 =	vmin.u32 v38, s3  }
0x30: {  	s11 =	sadd.s32 s25, s4;
	s21 =	sadd.s32 $0x210, s6;
	s23 =	sadd.s32 $0x230, s6;
	v29 =	vmin.u32 v29, s3;
	v31 =	vmin.u32 v31, s3;
	v30 =	vor.u32 s0, v30  }
0x31: {  	[dreg:$0xc] =	wrdreg s7;
	s25 =	sadd.s32 $0x250, s6;
	s6 =	sadd.s32 $0x260, s6;
	v33 =	vadd.s32 s21, v34;
	v32 =	vor.u32 s0, v32;
	v36 =	vadd.s32 s23, v34  }
0x32: {  	s22 =	simm.s32 $0x80;
	s7 =	sadd.s32 s20, s4;
	[dreg:$0xe] =	wrdreg s9;
	v39 =	vadd.s32 s25, v34;
	v34 =	vadd.s32 s6, v34;
	v58 =	vshll.u32 v35, $0x1  }
0x33: {  	s26 =	sadd.s32 s10, s2;
	s17 =	smax.u32 s17, $0x1;
	[dreg:$0x8] =	wrdreg s16;
	v60 =	vshll.u32 v38, $0x1;
	v29 =	vshll.u32 v29, $0x1;
	v31 =	vshll.u32 v31, $0x1  }
0x34: {  	s20 =	simm.s32 $0x5130;
	s10 =	simm.s32 $0x8;
	[dreg:$0xa] =	wrdreg s11;
	v33 =	vmin.u32 v33, s3;
	v36 =	vmin.u32 v36, s3;
	v39 =	vmin.u32 v39, s3  }
.Ltmp0:
0x35: {  	s16 =	sadd.s32 $0x9C40, s16;
	[dreg:$0xd] =	wrdreg s7;
	v40 =	vmin.u32 v34, s3;
	v34 =	vor.u32 s0, v58;
	v29 =	vor.u32 s0, v29;
	(pc) =	sbr.rel .LBB2_1-.Ltmp0, $4  }
0x36: {  	s21 =	simm.s32 $0x12260;
	s23 =	simm.s32 $0xA260;
	s24 =	sshrl.u32 s26, $0x3;
	v31 =	vor.u32 s0, v31;
	v33 =	vshll.u32 v33, $0x1;
	v59 =	vshll.u32 v36, $0x1  }
0x37: {  	s25 =	simm.s32 $0x1;
	s26 =	simm.s32 $0xC260;
	s6 =	simm.s32 $0x4;
	v36 =	vor.u32 s0, v60;
	v61 =	vshll.u32 v39, $0x1;
	v62 =	vshll.u32 v40, $0x1  }
0x38: {  	s7 =	simm.s32 $0x7;
	s11 =	simm.s32 $0x0;
	[dreg:$0x9] =	wrdreg s16;
	v39 =	vor.u32 s0, v63;
	v40 =	vimm.s32 $0x8000000;
	v33 =	vor.u32 s0, v33  }
0x39: {  	s16 =	sadd.s32 $0x1200, s12;
	s3 =	simm.s32 $0x10260;
	v35 =	vor.u32 s0, v59;
	v37 =	vor.u32 s0, v61;
	v38 =	vor.u32 s0, v62;
	s0 =	simm.s32 $0x6  }
.LBB2_8:
0x3a: {  	[spmem:s2] =	stream.indirect.scatter.add.f32 [tilespmem:s26], [sflag:$0x6], $0x40, s14, s22, $0xb8;
	[tilespmem:$0x1FF60] =	vst v63  }
.LBB2_9:
0x3b: {  	p0 =	sgt.s32 s12, $0x1  }
0x3c: {  	s12 =	simm.s32 @!p0 $0x1  }
0x3d: {  	_ =	swait.ge [sflag:s31], $0x2000;
	s9 =	sshll.u32 s12, $0xB  }
0x3e: {  	[sflag:s31] =	ssyncset.done $0x0;
	s9 =	sshra.s32 s9, $0x2  }
0x3f: {  	[sflag:s31] =	ssyncadd.s32 $0xFFFFE000;
	s15 =	sadd.s32 $0x5030, s9  }
0x40: {  	[spmem:s2] =	stream.indirect.scatter.add.f32 [tilespmem:s30], [sflag:$0x7], $0x40, s15, s22, $0xb8;
	[tilespmem:$0x1FF60] =	vst v63  }
0x41: {  	_ =	swait.ge [sflag:s6], $0x2000  }
0x42: {  	[sflag:s6] =	ssyncset.done $0x0  }
0x43: {  	s9 =	sadd.s32 $0x50B0, s9;
	[sflag:s6] =	ssyncadd.s32 $0xFFFFE000  }
0x44: {  	[spmem:s2] =	stream.indirect.scatter.add.f32 [tilespmem:s3], [sflag:$0x8], $0x40, s9, s22, $0xb8;
	[tilespmem:$0x1FF60] =	vst v63  }
0x45: {  	_ =	swait.ge [sflag:s29], $0x2000  }
0x46: {  	[sflag:s29] =	ssyncset.done $0x0  }
0x47: {  	[sflag:s29] =	ssyncadd.s32 $0xFFFFE000  }
0x48: {  	_ =	swait.ge [sflag:s0], $0x2000  }
0x49: {  	[sflag:s0] =	ssyncset.done $0x0  }
0x4a: {  	[sflag:s0] =	ssyncadd.s32 $0xFFFFE000  }
0x4b: {  	_ =	swait.ge [sflag:s7], $0x2000  }
0x4c: {  	[sflag:s7] =	ssyncset.done $0x0  }
0x4d: {  	[sflag:s7] =	ssyncadd.s32 $0xFFFFE000  }
0x4e: {  	_ =	swait.ge [sflag:s10], $0x2000  }
0x4f: {  	s11 =	sadd.s32 $0x1, s11;
	[sflag:s10] =	ssyncset.done $0x0  }
0x50: {  	p0 =	sne.s32 s11, s17;
	[sflag:s10] =	ssyncadd.s32 $0xFFFFE000  }
.Ltmp1:
0x51: {  	[bflag:$0x0] =	sbarrier.arrive $0xFFFF;
	(pc) =	sbr.rel @!p0 .LBB2_10-.Ltmp1, $4  }
0x52: {  	[hbm:s16], [sflag:s8] =	dma.local [spmem:s24], $0x800  }
0x53: {  	_ =	swait.ge [sflag:s19], $0x800  }
0x54: {  	[sflag:s19] =	ssyncset.done $0x0  }
0x55: {  	[sflag:s19] =	ssyncadd.s32 $0xFFFFF800  }
.LBB2_1:
0x56: {  	s9 =	rddreg [dreg:$0x7]  }
0x57: {  	[spmem:s18], [sflag:s8] =	dma.local [hbm:s9], $0x808  }
0x58: {  	_ =	swait.ge [sflag:s19], $0x808  }
0x59: {  	[sflag:s19] =	ssyncset.done $0x0  }
0x5a: {  	s13 =	rddreg [dreg:$0x8];
	[sflag:s19] =	ssyncadd.s32 $0xFFFFF7F8  }
0x5b: {  	[tilespmem:s5], [sflag:$0x9] =	stream.linear.gather [hbm4b:s13+s5], $0x4E20, $0x38;
	[tilespmem:$0x1FF60] =	vst v63  }
0x5c: {  	_ =	swait.ge [sflag:s19], $0x4E20  }
0x5d: {  	[sflag:s19] =	ssyncset.done $0x0  }
0x5e: {  	s14 =	rddreg [dreg:$0x9];
	[sflag:s19] =	ssyncadd.s32 $0xFFFFB1E0  }
0x5f: {  	[tilespmem:s20], [sflag:$0x9] =	stream.linear.gather [hbm4b:s14+s5], $0x4E20, $0x38;
	[tilespmem:$0x1FF60] =	vst v63  }
0x60: {  	_ =	swait.ge [sflag:s19], $0x4E20  }
0x61: {  	[sflag:s19] =	ssyncset.done $0x0  }
0x62: {  	s15 =	rddreg [dreg:$0x6];
	[sflag:s19] =	ssyncadd.s32 $0xFFFFB1E0  }
0x63: {  	[tilespmem:s21], [sflag:$0x9] =	stream.linear.gather [hbm4b:s15+s5], $0x10, $0x38;
	[tilespmem:$0x1FF60] =	vst v63  }
0x64: {  	_ =	swait.ge [sflag:s19], $0x10  }
0x65: {  	[sflag:s19] =	ssyncset.done $0x0  }
0x66: {  	[sflag:s19] =	ssyncadd.s32 $0xFFFFFFF0  }
0x67: {  	v43 =	vld [tilespmem:$0x12260];
	[tilespmem:$0x12260] =	vst v0  }
0x68: {  	[tilespmem:$0x12270] =	vst v1  }
0x69: {  	[tilespmem:$0x12280] =	vst v2  }
0x6a: {  	[tilespmem:$0x12290] =	vst v3  }
0x6b: {  	[tilespmem:$0x122A0] =	vst v4  }
0x6c: {  	[tilespmem:$0x122B0] =	vst v5  }
0x6d: {  	[tilespmem:$0x122C0] =	vst v6  }
0x6e: {  	[tilespmem:$0x122D0] =	vst v7  }
0x6f: {  	[tilespmem:s23], [sflag:$0x1] =	stream.indirect.gather [hbm4b:s1+s22], $0x40, s21, s22, $0xb8;
	[tilespmem:$0x1FF60] =	vst v63  }
0x70: {  	_ =	swait.ge [sflag:s25], $0x2000  }
0x71: {  	[sflag:s25] =	ssyncset.done $0x0  }
0x72: {  	s20 =	rddreg [dreg:$0xa];
	[sflag:s25] =	ssyncadd.s32 $0xFFFFE000  }
0x73: {  	[spmem:s20] =	stream.linear.scatter [tilespmem:s23], [sflag:$0x9], $0x2000, $0x38;
	[tilespmem:$0x1FF60] =	vst v63  }
0x74: {  	_ =	swait.ge [sflag:s19], $0x2000  }
0x75: {  	[sflag:s19] =	ssyncset.done $0x0  }
0x76: {  	[sflag:s19] =	ssyncadd.s32 $0xFFFFE000  }
0x77: {  	[tilespmem:$0x12260] =	vst v8  }
0x78: {  	[tilespmem:$0x12270] =	vst v9  }
0x79: {  	[tilespmem:$0x12280] =	vst v10  }
0x7a: {  	[tilespmem:$0x12290] =	vst v11  }
0x7b: {  	[tilespmem:$0x122A0] =	vst v12  }
0x7c: {  	[tilespmem:$0x122B0] =	vst v13  }
0x7d: {  	[tilespmem:$0x122C0] =	vst v14  }
0x7e: {  	[tilespmem:$0x122D0] =	vst v15  }
0x7f: {  	[tilespmem:s26], [sflag:$0x2] =	stream.indirect.gather [hbm4b:s1+s22], $0x40, s21, s22, $0xb8;
	[tilespmem:$0x1FF60] =	vst v63  }
0x80: {  	_ =	swait.ge [sflag:s28], $0x2000  }
0x81: {  	[sflag:s28] =	ssyncset.done $0x0  }
0x82: {  	s12 =	rddreg [dreg:$0xb];
	[sflag:s28] =	ssyncadd.s32 $0xFFFFE000  }
0x83: {  	[spmem:s12] =	stream.linear.scatter [tilespmem:s26], [sflag:$0x9], $0x2000, $0x38;
	[tilespmem:$0x1FF60] =	vst v63  }
0x84: {  	_ =	swait.ge [sflag:s19], $0x2000  }
0x85: {  	[sflag:s19] =	ssyncset.done $0x0  }
0x86: {  	[sflag:s19] =	ssyncadd.s32 $0xFFFFE000  }
0x87: {  	[tilespmem:$0x12260] =	vst v16  }
0x88: {  	[tilespmem:$0x12270] =	vst v17  }
0x89: {  	[tilespmem:$0x12280] =	vst v18  }
0x8a: {  	[tilespmem:$0x12290] =	vst v19  }
0x8b: {  	[tilespmem:$0x122A0] =	vst v20  }
0x8c: {  	[tilespmem:$0x122B0] =	vst v21  }
0x8d: {  	[tilespmem:$0x122C0] =	vst v22  }
0x8e: {  	[tilespmem:$0x122D0] =	vst v23  }
0x8f: {  	[tilespmem:s23], [sflag:$0x1] =	stream.indirect.gather [hbm4b:s1+s22], $0x40, s21, s22, $0xb8;
	[tilespmem:$0x1FF60] =	vst v63  }
0x90: {  	_ =	swait.ge [sflag:s25], $0x2000  }
0x91: {  	[sflag:s25] =	ssyncset.done $0x0  }
0x92: {  	s13 =	rddreg [dreg:$0xc];
	[sflag:s25] =	ssyncadd.s32 $0xFFFFE000  }
0x93: {  	[spmem:s13] =	stream.linear.scatter [tilespmem:s23], [sflag:$0x9], $0x2000, $0x38;
	[tilespmem:$0x1FF60] =	vst v63  }
0x94: {  	_ =	swait.ge [sflag:s19], $0x2000  }
0x95: {  	[sflag:s19] =	ssyncset.done $0x0  }
0x96: {  	[sflag:s19] =	ssyncadd.s32 $0xFFFFE000  }
0x97: {  	[tilespmem:$0x12260] =	vst v24  }
0x98: {  	[tilespmem:$0x12270] =	vst v25  }
0x99: {  	[tilespmem:$0x12280] =	vst v26  }
0x9a: {  	[tilespmem:$0x12290] =	vst v27  }
0x9b: {  	[tilespmem:$0x122A0] =	vst v28  }
0x9c: {  	[tilespmem:$0x122B0] =	vst v29  }
0x9d: {  	[tilespmem:$0x122C0] =	vst v30  }
0x9e: {  	[tilespmem:$0x122D0] =	vst v31  }
0x9f: {  	[tilespmem:s26], [sflag:$0x2] =	stream.indirect.gather [hbm4b:s1+s22], $0x40, s21, s22, $0xb8;
	[tilespmem:$0x1FF60] =	vst v63  }
0xa0: {  	_ =	swait.ge [sflag:s28], $0x2000  }
0xa1: {  	[sflag:s28] =	ssyncset.done $0x0  }
0xa2: {  	s14 =	rddreg [dreg:$0xd];
	[sflag:s28] =	ssyncadd.s32 $0xFFFFE000  }
0xa3: {  	[spmem:s14] =	stream.linear.scatter [tilespmem:s26], [sflag:$0x9], $0x2000, $0x38;
	[tilespmem:$0x1FF60] =	vst v63  }
0xa4: {  	_ =	swait.ge [sflag:s19], $0x2000  }
0xa5: {  	[sflag:s19] =	ssyncset.done $0x0  }
0xa6: {  	[sflag:s19] =	ssyncadd.s32 $0xFFFFE000  }
0xa7: {  	[tilespmem:$0x12260] =	vst v32  }
0xa8: {  	[tilespmem:$0x12270] =	vst v33  }
0xa9: {  	[tilespmem:$0x12280] =	vst v34  }
0xaa: {  	[tilespmem:$0x12290] =	vst v35  }
0xab: {  	[tilespmem:$0x122A0] =	vst v36  }
0xac: {  	[tilespmem:$0x122B0] =	vst v37  }
0xad: {  	[tilespmem:$0x122C0] =	vst v38  }
0xae: {  	[tilespmem:$0x122D0] =	vst v39  }
0xaf: {  	[tilespmem:s23], [sflag:$0x1] =	stream.indirect.gather [hbm4b:s1+s22], $0x40, s21, s22, $0xb8;
	[tilespmem:$0x1FF60] =	vst v63  }
0xb0: {  	_ =	swait.ge [sflag:s25], $0x2000  }
0xb1: {  	[sflag:s25] =	ssyncset.done $0x0  }
0xb2: {  	s15 =	rddreg [dreg:$0xe];
	[sflag:s25] =	ssyncadd.s32 $0xFFFFE000  }
0xb3: {  	[spmem:s15] =	stream.linear.scatter [tilespmem:s23], [sflag:$0x9], $0x1C40, $0x38;
	[tilespmem:$0x1FF60] =	vst v63  }
0xb4: {  	_ =	swait.ge [sflag:s19], $0x1C40  }
0xb5: {  	[sflag:s19] =	ssyncset.done $0x0  }
0xb6: {  	[sflag:s19] =	ssyncadd.s32 $0xFFFFE3C0  }
0xb7: {  	s20 =	simm.s32 $0x0;
	[bflag:$0x0] =	sbarrier.arrive $0xFFFF  }
0xb8: {  	v44 =	vld [tilespmem:s20+$0x5130]  }
0xb9: {  	v45 =	vld [tilespmem:s20+$0x5140]  }
0xba: {  	v46 =	vld [tilespmem:s20+$0x5150]  }
0xbb: {  	v47 =	vld [tilespmem:s20+$0x5160]  }
0xbc: {  	v48 =	vld [tilespmem:s20+$0x0]  }
0xbd: {  	v49 =	vld [tilespmem:s20+$0x10]  }
0xbe: {  	v54 =	vld [tilespmem:s20+$0x20]  }
0xbf: {  	v44 =	vsub.s32 v44, v43;
	v45 =	vsub.s32 v45, v43  }
0xc0: {  	v46 =	vsub.s32 v46, v43;
	v47 =	vsub.s32 v47, v43;
	vm0 =	vlt.u32 v44, $0x1000  }
0xc1: {  	v48 =	vshll.u32 v48, $0xD;
	vm1 =	vlt.u32 v45, $0x1000;
	v50 =	vsel vm0, $0x1, v41  }
0xc2: {  	v51 =	vld [tilespmem:s20+$0x30];
	v49 =	vshll.u32 v49, $0xD;
	vm2 =	vlt.u32 v46, $0x1000;
	v52 =	vsel vm1, $0x1, v41;
	(xrf0) =	vadd.scan.msk.s32 $0xffff, v50  }
0xc3: {  	v56 =	vshll.u32 v54, $0xD;
	vm15 =	vlt.u32 v47, $0x1000;
	v53 =	vsel vm2, $0x1, v41;
	(xrf0) =	vadd.scan.msk.s32 $0xffff, v52  }
0xc4: {  	v45 =	vmin.u32 v45, $0x1000;
	v61 =	vsel vm0, $0x0, v40;
	v55 =	vsel vm15, $0x1, v41;
	(xrf0) =	vadd.scan.msk.s32 $0xffff, v53  }
0xc5: {  	v44 =	vmin.u32 v44, $0x1000;
	v62 =	vsel vm1, $0x0, v40;
	v48 =	vadd.s32 v48, v61;
	(xrf0) =	vadd.scan.msk.s32 $0xffff, v55  }
0xc6: {  	v60 =	vsel vm2, $0x0, v40;
	v49 =	vadd.s32 v49, v62;
	v44 =	vor.u32 v44, v48  }
0xc7: {  	v51 =	vshll.u32 v51, $0xD;
	v47 =	vmin.u32 v47, $0x1000;
	v45 =	vor.u32 v45, v49;
	(xrf1) =	vsort.ascd.msk.u32 $0xffff, v44, v44  }
0xc8: {  	v58 =	vmin.u32 v46, $0x1000;
	v63 =	vsel vm15, $0x0, v40;
	v59 =	vadd.s32 v56, v60;
	(xrf1) =	vsort.ascd.msk.u32 $0xffff, v45, v45;
	v57, _, _ =	vpop (xrf0)  }
0xc9: {  	v48 =	vadd.s32 v51, v63;
	v44 =	vor.u32 v58, v59;
	(v2sf) =	vpush v57, $0xF;
	v60, _, _ =	vpop (xrf0)  }
0xca: {  	v62 =	vor.u32 v47, v48;
	(xrf1) =	vsort.ascd.msk.u32 $0xffff, v44, v44;
	(v2sf) =	vpush v60, $0xF;
	v61, _, _ =	vpop (xrf0)  }
0xcb: {  	(xrf1) =	vsort.ascd.msk.u32 $0xffff, v62, v62;
	(v2sf) =	vpush v61, $0xF;
	v63, _, _ =	vpop (xrf0)  }
0xcc: {  	s9 =	simm.s32 $0x0;
	s12 =	simm.s32 $0x40;
	s13 =	simm.s32 $0x200;
	(v2sf) =	vpush v63, $0xF  }
.LBB2_2:
0xcd: {  	_ =	sdelay $0x6  }
0xce: {  	p0 =	sne.s32 s13, $0x13700;
	s14 =	smov.u32 s13;
	s13 =	sadd.s32 $0x100, s13  }
0xcf: {  	v44, _, _ =	vpop (xrf1)  }
0xd0: {  	v48 =	vshrl.u32 v44, $0xD;
	v44 =	vand.u32 $0x1FFF, v44;
	v46, _, _ =	vpop (xrf1)  }
0xd1: {  	v47 =	vand.u32 $0x3FFF, v48;
	[tilespmem:s9+$0x5130] =	vst v44  }
0xd2: {  	s14 =	sshra.s32 s14, $0x2;
	v44 =	vshrl.u32 v46, $0xD;
	[tilespmem:s9+$0x0] =	vst v47;
	s15 =	spop (v2sf);
	v45, _, _ =	vpop (xrf1)  }
0xd3: {  	v44 =	vand.u32 $0x3FFF, v44;
	s9 =	sadd.s32 s9, s15;
	v47 =	vshrl.u32 v45, $0xD;
	s15 =	spop (v2sf);
	v48, _, _ =	vpop (xrf1)  }
0xd4: {  	[tilespmem:s9+$0x0] =	vst v44;
	v44 =	vand.u32 $0x1FFF, v46;
	s15 =	sadd.s32 s9, s15;
	s20 =	spop (v2sf)  }
0xd5: {  	[tilespmem:s9+$0x5130] =	vst v44;
	v44 =	vand.u32 $0x3FFF, v47;
	s9 =	spop (v2sf)  }
0xd6: {  	[tilespmem:s15+$0x0] =	vst v44;
	v44 =	vand.u32 $0x1FFF, v45;
	v45 =	vshrl.u32 v48, $0xD  }
0xd7: {  	[tilespmem:s15+$0x5130] =	vst v44;
	s15 =	sadd.s32 s15, s20;
	v44 =	vand.u32 $0x3FFF, v45  }
0xd8: {  	[tilespmem:s15+$0x0] =	vst v44;
	v44 =	vand.u32 $0x1FFF, v48;
	s9 =	sadd.s32 s15, s9  }
0xd9: {  	[tilespmem:s15+$0x5130] =	vst v44  }
0xda: {  	v44 =	vld [tilespmem:s12+$0x5150]  }
0xdb: {  	v45 =	vld [tilespmem:s12+$0x5130]  }
0xdc: {  	v46 =	vld [tilespmem:s12+$0x5140]  }
0xdd: {  	v47 =	vld [tilespmem:s12+$0x0]  }
0xde: {  	v48 =	vld [tilespmem:s12+$0x5160]  }
0xdf: {  	v49 =	vld [tilespmem:s12+$0x10];
	v44 =	vsub.s32 v44, v43  }
0xe0: {  	v45 =	vsub.s32 v45, v43;
	vm0 =	vlt.u32 v44, $0x1000  }
0xe1: {  	vm1 =	vlt.u32 v45, $0x1000;
	v46 =	vsub.s32 v46, v43;
	v50 =	vsel vm0, $0x0, v40  }
0xe2: {  	v52 =	vsel vm0, $0x1, v41;
	v51 =	vsel vm1, $0x1, v41;
	vm2 =	vlt.u32 v46, $0x1000;
	v53 =	vld [tilespmem:s12+$0x30]  }
0xe3: {  	v47 =	vshll.u32 v47, $0xD;
	v54 =	vsel vm2, $0x1, v41;
	v55 =	vld [tilespmem:s12+$0x20];
	v48 =	vsub.s32 v48, v43;
	(xrf0) =	vadd.scan.msk.s32 $0xffff, v51;
	s12 =	smov.u32 s14  }
0xe4: {  	v51 =	vsel vm1, $0x0, v40;
	v56 =	vsel vm2, $0x0, v40;
	vm0 =	vlt.u32 v48, $0x1000;
	(xrf0) =	vadd.scan.msk.s32 $0xffff, v54  }
0xe5: {  	v46 =	vmin.u32 v46, $0x1000;
	v49 =	vshll.u32 v49, $0xD;
	v54 =	vsel vm0, $0x1, v41;
	(xrf0) =	vadd.scan.msk.s32 $0xffff, v52  }
0xe6: {  	v45 =	vmin.u32 v45, $0x1000;
	v47 =	vadd.s32 v47, v51;
	v49 =	vadd.s32 v49, v56;
	(xrf0) =	vadd.scan.msk.s32 $0xffff, v54  }
0xe7: {  	v45 =	vor.u32 v45, v47;
	v47 =	vsel vm0, $0x0, v40;
	v46 =	vor.u32 v46, v49  }
0xe8: {  	v48 =	vmin.u32 v48, $0x1000;
	v51 =	vshll.u32 v53, $0xD;
	v52 =	vshll.u32 v55, $0xD;
	(xrf1) =	vsort.ascd.msk.u32 $0xffff, v45, v45  }
.Ltmp2:
0xe9: {  	v53 =	vmin.u32 v44, $0x1000;
	v47 =	vadd.s32 v51, v47;
	v45 =	vadd.s32 v52, v50;
	v49, _, _ =	vpop (xrf0);
	(xrf1) =	vsort.ascd.msk.u32 $0xffff, v46, v46;
	(pc) =	sbr.rel @p0 .LBB2_2-.Ltmp2, $4  }
0xea: {  	v50 =	vor.u32 v53, v45;
	v45 =	vor.u32 v48, v47;
	(v2sf) =	vpush v49, $0xF;
	v46, _, _ =	vpop (xrf0)  }
0xeb: {  	(v2sf) =	vpush v46, $0xF;
	(xrf1) =	vsort.ascd.msk.u32 $0xffff, v50, v50;
	v44, _, _ =	vpop (xrf0)  }
0xec: {  	(v2sf) =	vpush v44, $0xF;
	(xrf1) =	vsort.ascd.msk.u32 $0xffff, v45, v45;
	v44, _, _ =	vpop (xrf0)  }
0xed: {  	(v2sf) =	vpush v44, $0xF  }
0xee: {  	_ =	sdelay $0x8  }
0xef: {  	v44, _, _ =	vpop (xrf1)  }
0xf0: {  	v45 =	vshrl.u32 v44, $0xD;
	v44 =	vand.u32 $0x1FFF, v44;
	v46, _, _ =	vpop (xrf1)  }
0xf1: {  	v45 =	vand.u32 $0x3FFF, v45;
	[tilespmem:s9+$0x5130] =	vst v44;
	v50 =	vshrl.u32 v46, $0xD;
	s13 =	spop (v2sf)  }
0xf2: {  	[tilespmem:s9+$0x0] =	vst v45;
	v51, _, _ =	vpop (xrf1);
	v44 =	vand.u32 $0x3FFF, v50;
	s14 =	sadd.s32 s9, s13  }
0xf3: {  	v52 =	vand.u32 $0x1FFF, v46;
	v47 =	vshrl.u32 v51, $0xD;
	s15 =	spop (v2sf);
	[tilespmem:s14+$0x0] =	vst v44  }
0xf4: {  	v53, _, _ =	vpop (xrf1);
	s13 =	sadd.s32 s14, s15;
	[tilespmem:s14+$0x5130] =	vst v52;
	v54 =	vand.u32 $0x3FFF, v47  }
0xf5: {  	v55 =	vand.u32 $0x1FFF, v51;
	s20 =	spop (v2sf);
	v56 =	vshrl.u32 v53, $0xD;
	[tilespmem:s13+$0x0] =	vst v54  }
0xf6: {  	[tilespmem:s13+$0x5130] =	vst v55;
	s9 =	sadd.s32 s13, s20;
	v57 =	vand.u32 $0x3FFF, v56  }
0xf7: {  	v58 =	vand.u32 $0x1FFF, v53;
	[tilespmem:s9+$0x0] =	vst v57  }
0xf8: {  	[tilespmem:s9+$0x5130] =	vst v58  }
0xf9: {  	v44 =	vld [tilespmem:s12+$0x5130]  }
0xfa: {  	v59 =	vld [tilespmem:s12+$0x5140]  }
0xfb: {  	v60 =	vld [tilespmem:s12+$0x5150]  }
0xfc: {  	v61 =	vld [tilespmem:s12+$0x0]  }
0xfd: {  	v48 =	vld [tilespmem:s12+$0x5160]  }
0xfe: {  	v49 =	vld [tilespmem:s12+$0x10];
	v44 =	vsub.s32 v44, v43  }
0xff: {  	vm0 =	vlt.u32 v44, $0x1000  }
0x100: {  	v45 =	vsub.s32 v59, v43;
	v50 =	vsel vm0, $0x1, v41  }
0x101: {  	vm1 =	vlt.u32 v45, $0x1000;
	(xrf0) =	vadd.scan.msk.s32 $0xffff, v50  }
0x102: {  	v51 =	vld [tilespmem:s12+$0x20];
	v46 =	vsub.s32 v60, v43;
	v47 =	vshll.u32 v61, $0xD;
	v62 =	vsel vm1, $0x1, v41  }
0x103: {  	v48 =	vsub.s32 v48, v43;
	v49 =	vshll.u32 v49, $0xD;
	vm2 =	vlt.u32 v46, $0x1000;
	(xrf0) =	vadd.scan.msk.s32 $0xffff, v62  }
0x104: {  	v63 =	vld [tilespmem:s12+$0x30];
	v53 =	vsel vm2, $0x1, v41;
	v54 =	vsel vm0, $0x0, v40;
	v55 =	vsel vm1, $0x0, v40  }
0x105: {  	v44 =	vmin.u32 v44, $0x1000;
	v45 =	vmin.u32 v45, $0x1000;
	v47 =	vadd.s32 v47, v54;
	(xrf0) =	vadd.scan.msk.s32 $0xffff, v53  }
0x106: {  	vm13 =	vlt.u32 v48, $0x1000;
	v49 =	vadd.s32 v49, v55;
	v44 =	vor.u32 v44, v47  }
0x107: {  	v52 =	vsel vm2, $0x0, v40;
	v54 =	vshll.u32 v51, $0xD;
	v45 =	vor.u32 v45, v49;
	(xrf1) =	vsort.ascd.msk.u32 $0xffff, v44, v44;
	v55, _, _ =	vpop (xrf0)  }
0x108: {  	v46 =	vmin.u32 v46, $0x1000;
	v47 =	vadd.s32 v54, v52;
	(xrf1) =	vsort.ascd.msk.u32 $0xffff, v45, v45;
	(v2sf) =	vpush v55, $0xF  }
0x109: {  	v57 =	vshll.u32 v63, $0xD;
	v56 =	vsel vm13, $0x0, v40;
	v46 =	vor.u32 v46, v47;
	v58, _, _ =	vpop (xrf0)  }
0x10a: {  	v48 =	vmin.u32 v48, $0x1000;
	v44 =	vadd.s32 v57, v56;
	(xrf1) =	vsort.ascd.msk.u32 $0xffff, v46, v46;
	(v2sf) =	vpush v58, $0xF  }
0x10b: {  	v44 =	vor.u32 v48, v44;
	v59, _, _ =	vpop (xrf0)  }
0x10c: {  	(xrf1) =	vsort.ascd.msk.u32 $0xffff, v44, v44;
	(v2sf) =	vpush v59, $0xF;
	_ =	sdelay $0x8  }
0x10d: {  	s14 =	spop (v2sf);
	v60, _, _ =	vpop (xrf1)  }
0x10e: {  	s9 =	sadd.s32 s9, s14;
	v61 =	vshrl.u32 v60, $0xD;
	v44 =	vand.u32 $0x1FFF, v60;
	v62, _, _ =	vpop (xrf1)  }
0x10f: {  	v45 =	vand.u32 $0x3FFF, v61;
	[tilespmem:s9+$0x5130] =	vst v44;
	v63 =	vshrl.u32 v62, $0xD;
	s15 =	spop (v2sf)  }
0x110: {  	v48, _, _ =	vpop (xrf1);
	[tilespmem:s9+$0x0] =	vst v45;
	v44 =	vand.u32 $0x3FFF, v63;
	s9 =	sadd.s32 s9, s15  }
0x111: {  	v50 =	vand.u32 $0x1FFF, v62;
	v49 =	vshrl.u32 v48, $0xD;
	s20 =	spop (v2sf);
	[tilespmem:s9+$0x0] =	vst v44  }
0x112: {  	v51, _, _ =	vpop (xrf1);
	v52 =	vand.u32 $0x3FFF, v49;
	s12 =	sadd.s32 s9, s20;
	[tilespmem:s9+$0x5130] =	vst v50  }
0x113: {  	v53 =	vand.u32 $0x1FFF, v48;
	v54 =	vshrl.u32 v51, $0xD;
	s13 =	spop (v2sf);
	[tilespmem:s12+$0x0] =	vst v52  }
0x114: {  	v55 =	vand.u32 $0x3FFF, v54;
	[tilespmem:s12+$0x5130] =	vst v53;
	s9 =	sadd.s32 s12, s13  }
0x115: {  	v56 =	vand.u32 $0x1FFF, v51;
	[tilespmem:s9+$0x0] =	vst v55  }
0x116: {  	[tilespmem:s9+$0x5130] =	vst v56  }
0x117: {  	v44 =	vld [tilespmem:$0x9F30]  }
0x118: {  	v57 =	vld [tilespmem:$0x9F40];
	_ =	sdelay $0x3  }
0x119: {  	v44 =	vsub.s32 v44, v43  }
0x11a: {  	v58 =	vsel vm13, $0x1, v41;
	v59 =	vsub.s32 v57, v43;
	vm14 =	vlt.u32 v44, $0x1000  }
0x11b: {  	(xrf0) =	vadd.scan.msk.s32 $0xffff, v58;
	vm15 =	vlt.u32 v59, $0x1000;
	v60 =	vsel vm14, $0x1, v41  }
0x11c: {  	v61 =	vsel vm15, $0x1, v41;
	(xrf0) =	vadd.scan.msk.s32 $0xffff, v60  }
0x11d: {  	(xrf0) =	vadd.scan.msk.s32 $0xffff, v61;
	_ =	sdelay $0x1  }
0x11e: {  	v62 =	vld [tilespmem:$0x4E00]  }
0x11f: {  	v63 =	vld [tilespmem:$0x4E10]  }
0x120: {  	v46, _, _ =	vpop (xrf0)  }
0x121: {  	(v2sf) =	vpush v46, $0xF;
	v51, _, _ =	vpop (xrf0)  }
0x122: {  	(v2sf) =	vpush v51, $0xF;
	v52, _, _ =	vpop (xrf0)  }
0x123: {  	(v2sf) =	vpush v52, $0xF  }
0x124: {  	v45 =	vshll.u32 v62, $0xD;
	v55 =	vshll.u32 v63, $0xD;
	v53 =	vsel vm14, $0x0, v40  }
0x125: {  	v44 =	vmin.u32 v44, $0x1000;
	v54 =	vsel vm15, $0x0, v40;
	v45 =	vadd.s32 v45, v53  }
0x126: {  	v43 =	vmin.u32 v59, $0x1000;
	v56 =	vadd.s32 v55, v54;
	v44 =	vor.u32 v44, v45  }
0x127: {  	v43 =	vor.u32 v43, v56;
	(xrf1) =	vsort.ascd.msk.u32 $0xffff, v44, v44  }
0x128: {  	(xrf1) =	vsort.ascd.msk.u32 $0xffff, v43, v43;
	_ =	sdelay $0x7  }
0x129: {  	s14 =	spop (v2sf)  }
0x12a: {  	s12 =	sadd.s32 s9, s14;
	s15 =	spop (v2sf)  }
0x12b: {  	s20 =	spop (v2sf);
	s14 =	sadd.s32 s12, s15  }
0x12c: {  	s9 =	sadd.s32 s14, s20  }
0x12d: {  	s13 =	sshll.u32 s9, $0x2  }
0x12e: {  	v57, _, _ =	vpop (xrf1);
	s13 =	sshra.s32 s13, $0x2  }
0x12f: {  	v58 =	vshrl.u32 v57, $0xD;
	v59, _, _ =	vpop (xrf1);
	v44 =	vand.u32 $0x1FFF, v57;
	v43 =	vmov s13;
	s13 =	sadd.s32 $0x5130, s13  }
0x130: {  	v60 =	vand.u32 $0x3FFF, v58;
	v61 =	vshrl.u32 v59, $0xD;
	[tilespmem:s12+$0x5130] =	vst v44;
	v44 =	vmov s13  }
0x131: {  	[tilespmem:s12+$0x0] =	vst v60;
	v62 =	vand.u32 $0x3FFF, v61  }
0x132: {  	v63 =	vand.u32 $0x1FFF, v59;
	[tilespmem:s14+$0x0] =	vst v62  }
0x133: {  	s12 =	simm.s32 $0x0;
	[tilespmem:s14+$0x5130] =	vst v63  }
0x134: {  	s13 =	simm.s32 $0x40;
	[tilespmem:v43+s12+$0x0 ss:$0x1] =	vst.idx.msk $0xffff, v41  }
.LBB2_4:
0x135: {  	p0 =	sne.s32 s13, $0x9C0;
	[tilespmem:v44+s12+$0x0 ss:$0x1] =	vst.idx.msk $0xffff, v42;
	s12 =	smov.u32 s13;
	s13 =	sadd.s32 $0x40, s13  }
.Ltmp3:
0x136: {  	(pc) =	sbr.rel @p0 .LBB2_4-.Ltmp3, $3  }
0x137: {  	_ =	sdelay $0x1  }
0x138: {  	s12 =	sshra.s32 s12, $0x2  }
0x139: {  	[tilespmem:v43+s12+$0x0 ss:$0x1] =	vst.idx.msk $0xffff, v41  }
0x13a: {  	_ =	sdelay $0x2  }
0x13b: {  	s9 =	sadd.s32 $0x7F, s9  }
0x13c: {  	[tilespmem:v44+s12+$0x0 ss:$0x1] =	vst.idx.msk $0xffff, v42;
	s13 =	sand.u32 $0x7F, s9  }
0x13d: {  	[tilespmem:s23], [sflag:$0x1] =	stream.indirect.gather [spmem:s4], $0x40, s5, s22, $0xb8;
	[tilespmem:$0x1FF60] =	vst v63  }
0x13e: {  	s15 =	sshra.s32 s9, $0x1F;
	p1 =	slt.s32 s9, $0x1;
	p0 =	sne.s32 s13, $0x0  }
0x13f: {  	s13 =	sshrl.u32 s15, $0x19;
	p0 =	por !p1, !p0  }
0x140: {  	[tilespmem:s26], [sflag:$0x2] =	stream.indirect.gather [spmem:s4], $0x40, s22, s22, $0xb8;
	[tilespmem:$0x1FF60] =	vst v63  }
0x141: {  	s12 =	simm.s32 $0x1;
	s9 =	sadd.s32 s13, s9;
	p0 =	por !p0, !p0  }
0x142: {  	s20 =	simm.s32 $0x100;
	s9 =	sshra.s32 s9, $0x7;
	s12 =	simm.s32 @!p0 $0x0  }
0x143: {  	[tilespmem:s30], [sflag:$0x3] =	stream.indirect.gather [spmem:s4], $0x40, s20, s22, $0xb8;
	[tilespmem:$0x1FF60] =	vst v63  }
0x144: {  	s9 =	ssub.s32 s9, s12  }
0x145: {  	_ =	swait.ge [sflag:s25], $0x2000;
	s13 =	sadd.s32 $0x3, s9  }
0x146: {  	s20 =	simm.s32 $0x5130;
	[sflag:s25] =	ssyncset.done $0x0;
	s14 =	sand.u32 $0x3, s13  }
0x147: {  	p5 =	slt.s32 s9, $0xFFFFFFFE;
	[sflag:s25] =	ssyncadd.s32 $0xFFFFE000;
	p6 =	sne.s32 s14, $0x0  }
0x148: {  	[spmem:s2] =	stream.indirect.scatter.add.f32 [tilespmem:s23], [sflag:$0x5], $0x40, s20, s22, $0xb8;
	[tilespmem:$0x1FF60] =	vst v63  }
0x149: {  	s15 =	sshrl.u32 s13, $0x1E;
	s14 =	simm.s32 $0x180;
	p0 =	por !p5, !p6  }
0x14a: {  	[tilespmem:s3], [sflag:$0x4] =	stream.indirect.gather [spmem:s4], $0x40, s14, s22, $0xb8;
	[tilespmem:$0x1FF60] =	vst v63  }
0x14b: {  	s12 =	simm.s32 $0x1;
	s13 =	sadd.s32 s15, s13;
	p0 =	por !p0, !p0  }
0x14c: {  	s9 =	sshra.s32 s13, $0x2;
	s12 =	simm.s32 @!p0 $0x0  }
0x14d: {  	s12 =	ssub.s32 s9, s12  }
0x14e: {  	p1 =	slt.s32 s12, $0x2  }
.Ltmp4:
0x14f: {  	_ = 	snop;
	(pc) =	sbr.rel @p1 .LBB2_9-.Ltmp4, $4  }
0x150: {  	_ =	swait.ge [sflag:s28], $0x2000  }
0x151: {  	[sflag:s28] =	ssyncset.done $0x0  }
0x152: {  	s15 =	simm.s32 $0x51B0;
	[sflag:s28] =	ssyncadd.s32 $0xFFFFE000  }
0x153: {  	[spmem:s2] =	stream.indirect.scatter.add.f32 [tilespmem:s26], [sflag:$0x6], $0x40, s15, s22, $0xb8;
	[tilespmem:$0x1FF60] =	vst v63  }
0x154: {  	_ =	swait.ge [sflag:s29], $0x2000  }
0x155: {  	[sflag:s29] =	ssyncset.done $0x0  }
0x156: {  	s13 =	simm.s32 $0x200;
	[sflag:s29] =	ssyncadd.s32 $0xFFFFE000  }
0x157: {  	[tilespmem:s23], [sflag:$0x1] =	stream.indirect.gather [spmem:s4], $0x40, s13, s22, $0xb8;
	[tilespmem:$0x1FF60] =	vst v63  }
0x158: {  	_ =	swait.ge [sflag:s31], $0x2000  }
0x159: {  	[sflag:s31] =	ssyncset.done $0x0  }
0x15a: {  	s14 =	simm.s32 $0x5230;
	[sflag:s31] =	ssyncadd.s32 $0xFFFFE000  }
0x15b: {  	[spmem:s2] =	stream.indirect.scatter.add.f32 [tilespmem:s30], [sflag:$0x7], $0x40, s14, s22, $0xb8;
	[tilespmem:$0x1FF60] =	vst v63  }
0x15c: {  	_ =	swait.ge [sflag:s0], $0x2000  }
0x15d: {  	[sflag:s0] =	ssyncset.done $0x0  }
0x15e: {  	s15 =	simm.s32 $0x280;
	[sflag:s0] =	ssyncadd.s32 $0xFFFFE000  }
0x15f: {  	[tilespmem:s26], [sflag:$0x2] =	stream.indirect.gather [spmem:s4], $0x40, s15, s22, $0xb8;
	[tilespmem:$0x1FF60] =	vst v63  }
0x160: {  	_ =	swait.ge [sflag:s6], $0x2000  }
0x161: {  	[sflag:s6] =	ssyncset.done $0x0  }
0x162: {  	s14 =	simm.s32 $0x52B0;
	[sflag:s6] =	ssyncadd.s32 $0xFFFFE000  }
0x163: {  	[spmem:s2] =	stream.indirect.scatter.add.f32 [tilespmem:s3], [sflag:$0x8], $0x40, s14, s22, $0xb8;
	[tilespmem:$0x1FF60] =	vst v63  }
0x164: {  	_ =	swait.ge [sflag:s7], $0x2000  }
0x165: {  	[sflag:s7] =	ssyncset.done $0x0  }
0x166: {  	s15 =	simm.s32 $0x300;
	[sflag:s7] =	ssyncadd.s32 $0xFFFFE000  }
0x167: {  	[tilespmem:s30], [sflag:$0x3] =	stream.indirect.gather [spmem:s4], $0x40, s15, s22, $0xb8;
	[tilespmem:$0x1FF60] =	vst v63  }
0x168: {  	s13 =	simm.s32 $0xFFFFFFFF;
	_ =	swait.ge [sflag:s25], $0x2000  }
0x169: {  	s13 =	simm.s32 @!p0 $0x0;
	[sflag:s25] =	ssyncset.done $0x0  }
0x16a: {  	s9 =	sadd.s32 s13, s9;
	s14 =	simm.s32 $0x5330;
	[sflag:s25] =	ssyncadd.s32 $0xFFFFE000  }
0x16b: {  	[spmem:s2] =	stream.indirect.scatter.add.f32 [tilespmem:s23], [sflag:$0x5], $0x40, s14, s22, $0xb8;
	[tilespmem:$0x1FF60] =	vst v63  }
0x16c: {  	s9 =	sadd.s32 $0xFFFFFFFF, s9;
	_ =	swait.ge [sflag:s10], $0x2000  }
0x16d: {  	p0 =	sne.s32 s9, $0x1;
	[sflag:s10] =	ssyncset.done $0x0  }
.Ltmp5:
0x16e: {  	s15 =	simm.s32 $0x380;
	[sflag:s10] =	ssyncadd.s32 $0xFFFFE000;
	(pc) =	sbr.rel @!p0 .LBB2_8-.Ltmp5, $4  }
0x16f: {  	[tilespmem:s3], [sflag:$0x4] =	stream.indirect.gather [spmem:s4], $0x40, s15, s22, $0xb8;
	[tilespmem:$0x1FF60] =	vst v63  }
0x170: {  	_ =	swait.ge [sflag:s28], $0x2000  }
0x171: {  	s13 =	simm.s32 $0x800;
	[sflag:s28] =	ssyncset.done $0x0  }
0x172: {  	s9 =	sadd.s32 $0xFFFFFFFF, s9;
	s14 =	simm.s32 $0x53B0;
	[sflag:s28] =	ssyncadd.s32 $0xFFFFE000  }
.LBB2_7:
0x173: {  	[spmem:s2] =	stream.indirect.scatter.add.f32 [tilespmem:s26], [sflag:$0x6], $0x40, s14, s22, $0xb8;
	[tilespmem:$0x1FF60] =	vst v63  }
0x174: {  	p0 =	sne.s32 s9, $0x1;
	s9 =	sadd.s32 $0xFFFFFFFF, s9;
	_ =	swait.ge [sflag:s29], $0x2000  }
0x175: {  	s14 =	sshra.s32 s13, $0x2;
	[sflag:s29] =	ssyncset.done $0x0  }
0x176: {  	s15 =	sadd.s32 $0x200, s14;
	[sflag:s29] =	ssyncadd.s32 $0xFFFFE000  }
0x177: {  	[tilespmem:s23], [sflag:$0x1] =	stream.indirect.gather [spmem:s4], $0x40, s15, s22, $0xb8;
	[tilespmem:$0x1FF60] =	vst v63  }
0x178: {  	_ =	swait.ge [sflag:s31], $0x2000  }
0x179: {  	[sflag:s31] =	ssyncset.done $0x0  }
0x17a: {  	s15 =	sadd.s32 $0x5230, s14;
	[sflag:s31] =	ssyncadd.s32 $0xFFFFE000  }
0x17b: {  	[spmem:s2] =	stream.indirect.scatter.add.f32 [tilespmem:s30], [sflag:$0x7], $0x40, s15, s22, $0xb8;
	[tilespmem:$0x1FF60] =	vst v63  }
0x17c: {  	_ =	swait.ge [sflag:s0], $0x2000  }
0x17d: {  	[sflag:s0] =	ssyncset.done $0x0  }
0x17e: {  	s15 =	sadd.s32 $0x280, s14;
	[sflag:s0] =	ssyncadd.s32 $0xFFFFE000  }
0x17f: {  	[tilespmem:s26], [sflag:$0x2] =	stream.indirect.gather [spmem:s4], $0x40, s15, s22, $0xb8;
	[tilespmem:$0x1FF60] =	vst v63  }
0x180: {  	_ =	swait.ge [sflag:s6], $0x2000  }
0x181: {  	[sflag:s6] =	ssyncset.done $0x0  }
0x182: {  	s15 =	sadd.s32 $0x52B0, s14;
	[sflag:s6] =	ssyncadd.s32 $0xFFFFE000  }
0x183: {  	[spmem:s2] =	stream.indirect.scatter.add.f32 [tilespmem:s3], [sflag:$0x8], $0x40, s15, s22, $0xb8;
	[tilespmem:$0x1FF60] =	vst v63  }
0x184: {  	_ =	swait.ge [sflag:s7], $0x2000  }
0x185: {  	[sflag:s7] =	ssyncset.done $0x0  }
0x186: {  	s15 =	sadd.s32 $0x300, s14;
	[sflag:s7] =	ssyncadd.s32 $0xFFFFE000  }
0x187: {  	[tilespmem:s30], [sflag:$0x3] =	stream.indirect.gather [spmem:s4], $0x40, s15, s22, $0xb8;
	[tilespmem:$0x1FF60] =	vst v63  }
0x188: {  	_ =	swait.ge [sflag:s25], $0x2000  }
0x189: {  	[sflag:s25] =	ssyncset.done $0x0  }
0x18a: {  	s15 =	sadd.s32 $0x5330, s14;
	[sflag:s25] =	ssyncadd.s32 $0xFFFFE000  }
0x18b: {  	[spmem:s2] =	stream.indirect.scatter.add.f32 [tilespmem:s23], [sflag:$0x5], $0x40, s15, s22, $0xb8;
	[tilespmem:$0x1FF60] =	vst v63  }
0x18c: {  	_ =	swait.ge [sflag:s10], $0x2000  }
0x18d: {  	[sflag:s10] =	ssyncset.done $0x0  }
.Ltmp6:
0x18e: {  	s15 =	sadd.s32 $0x380, s14;
	[sflag:s10] =	ssyncadd.s32 $0xFFFFE000;
	(pc) =	sbr.rel @p0 .LBB2_7-.Ltmp6, $4  }
0x18f: {  	[tilespmem:s3], [sflag:$0x4] =	stream.indirect.gather [spmem:s4], $0x40, s15, s22, $0xb8;
	[tilespmem:$0x1FF60] =	vst v63  }
0x190: {  	_ =	swait.ge [sflag:s28], $0x2000  }
0x191: {  	[sflag:s28] =	ssyncset.done $0x0  }
0x192: {  	s13 =	sadd.s32 $0x800, s13;
	s14 =	sadd.s32 $0x53B0, s14;
	[sflag:s28] =	ssyncadd.s32 $0xFFFFE000  }
.Ltmp7:
0x193: {  	_ = 	snop;
	(pc) =	sbr.rel .LBB2_8-.Ltmp7, $1  }
0x194: {  	_ =	sdelay $0x3  }
.LBB2_10:
0x195: {  	_ =	sfence.sel $0x180000  }
0x196: {  	[bflag:$0x0] =	sbarrier.arrive $0xFFFF  }
0x197: {  	_ =	strace $0x90000047  }
0x198: {  	s0 =	stileid.u32;
	[bflag:$0x2] =	sbarrier.arrive $0xFFFF  }
0x199: {  	p0 =	sne.s32 s0, $0x0;
	s0 =	rddreg [dreg:$0x5]  }
0x19a: {  	s0 =	sadd.s32 @!p0 $0x100000, s0  }
0x19b: {  	[sflag:s0] =	ssyncadd.tile.s32 @!p0 $0x1;
	_ =	shalt  }
.Lfunc_end2:
_tile_overlayer_lowered:
.L_overlay_start_2:
0x19c: {  	(tag) =	ssettag $0x2  }
0x19d: {  	s0 =	rddreg [dreg:$0x0];
	s2 =	stileid.u32  }
0x19e: {  	s1 =	rddreg [dreg:$0x1];
	p0 =	sne.s32 s2, $0x0  }
0x19f: {  	s3 =	rddreg [dreg:$0x2];
	[bflag:$0x3] =	sbarrier.arrive $0xFFFF;
	s2 =	simm.s32 @!p0 $0x1C09  }
0x1a0: {  	[timem:s3], [sflag:s2] =	dma.local @!p0 [hbm:s0], s1  }
0x1a1: {  	s0 =	simm.s32 @!p0 $0x9  }
0x1a2: {  	_ =	swait.ge @!p0 [sflag:s0], s1  }
0x1a3: {  	s1 =	ssub.s32 @!p0 $0x0, s1;
	[sflag:s0] =	ssyncset.done @!p0 $0x0  }
0x1a4: {  	[sflag:s0] =	ssyncadd.s32 @!p0 s1  }
0x1a5: {  	[bflag:$0x3] =	sbarrier.arrive $0xFFFF  }
0x1a6: {  	_ =	shalt  }

</sc_bundles>
